<compile_context>
chip_gen: v7x
topology: tpu7x:2x2x1
jax: 0.10.2.dev20260603
libtpu: 0.0.44.dev20260713+nightly
codegen_flags: <defaults>
</compile_context>

<pallas_src>
import functools

import jax
import jax.numpy as jnp
from jax import lax
from jax.experimental import pallas as pl
from jax.experimental.pallas import tpu as pltpu
from jax.experimental.pallas import tpu_sc as plsc

TOKEN_TILE = 128



def _gate_kernel(x_ref, gw_ref, gb_ref,
                 e1_ref, e2_ref, w1_ref, w2_ref, r1_ref, r2_ref, cnt_ref):
    i = pl.program_id(0)

    @pl.when(i == 0)
    def _():
        cnt_ref[...] = jnp.zeros_like(cnt_ref)

    xt = x_ref[...]
    logits = jnp.dot(xt, gw_ref[...], preferred_element_type=jnp.float32)
    logits = logits + gb_ref[...]
    m = jnp.max(logits, axis=1, keepdims=True)
    p = jnp.exp(logits - m)
    probs = p / jnp.sum(p, axis=1, keepdims=True)

    t, e = probs.shape
    eio = lax.broadcasted_iota(jnp.int32, (t, e), 1)
    g1 = jnp.max(probs, axis=1, keepdims=True)
    e1 = jnp.min(jnp.where(probs == g1, eio, e), axis=1, keepdims=True)
    oh1 = eio == e1
    probs2 = jnp.where(oh1, -1.0, probs)
    g2 = jnp.max(probs2, axis=1, keepdims=True)
    e2 = jnp.min(jnp.where(probs2 == g2, eio, e), axis=1, keepdims=True)
    oh2 = eio == e2

    denom = g1 + g2
    oh1f = oh1.astype(jnp.float32)
    oh2f = oh2.astype(jnp.float32)

    row = lax.broadcasted_iota(jnp.int32, (t, t), 0)
    col = lax.broadcasted_iota(jnp.int32, (t, t), 1)
    tril = (row > col).astype(jnp.float32)
    cnt1 = jnp.dot(tril, oh1f, preferred_element_type=jnp.float32)
    cnt2 = jnp.dot(tril, oh2f, preferred_element_type=jnp.float32)

    base = cnt_ref[...]
    r1 = jnp.sum((base + cnt1) * oh1f, axis=1, keepdims=True)
    tc1 = jnp.sum(oh1f, axis=0, keepdims=True)
    r2 = jnp.sum((base + tc1 + cnt2) * oh2f, axis=1, keepdims=True)
    cnt_ref[...] = base + tc1 + jnp.sum(oh2f, axis=0, keepdims=True)

    e1_ref[...] = e1.astype(jnp.int32)[None]
    e2_ref[...] = e2.astype(jnp.int32)[None]
    w1_ref[...] = (g1 / denom)[None]
    w2_ref[...] = (g2 / denom)[None]
    r1_ref[...] = r1.astype(jnp.int32)[None]
    r2_ref[...] = r2.astype(jnp.int32)[None]


def _gating(x2, gate_W, gate_b):
    s, h = x2.shape
    e = gate_W.shape[1]
    nt = s // TOKEN_TILE
    out_shapes = (
        jax.ShapeDtypeStruct((nt, TOKEN_TILE, 1), jnp.int32),
        jax.ShapeDtypeStruct((nt, TOKEN_TILE, 1), jnp.int32),
        jax.ShapeDtypeStruct((nt, TOKEN_TILE, 1), jnp.float32),
        jax.ShapeDtypeStruct((nt, TOKEN_TILE, 1), jnp.float32),
        jax.ShapeDtypeStruct((nt, TOKEN_TILE, 1), jnp.int32),
        jax.ShapeDtypeStruct((nt, TOKEN_TILE, 1), jnp.int32),
        jax.ShapeDtypeStruct((1, e), jnp.float32),
    )
    tile3 = pl.BlockSpec((1, TOKEN_TILE, 1), lambda i: (i, 0, 0))
    outs = pl.pallas_call(
        _gate_kernel,
        grid=(nt,),
        in_specs=[
            pl.BlockSpec((TOKEN_TILE, h), lambda i: (i, 0)),
            pl.BlockSpec((h, e), lambda i: (0, 0)),
            pl.BlockSpec((1, e), lambda i: (0, 0)),
        ],
        out_specs=(tile3, tile3, tile3, tile3, tile3, tile3,
                   pl.BlockSpec((1, e), lambda i: (0, 0))),
        out_shape=out_shapes,
    )(x2, gate_W, gate_b.reshape(1, e))
    e1, e2, w1, w2, r1, r2, counts = outs
    flat = lambda a: a.reshape(s)
    return (flat(e1), flat(e2), flat(w1), flat(w2), flat(r1), flat(r2),
            counts.reshape(e).astype(jnp.int32))



def _expert_kernel(te_ref, ntl_ref, xs_ref, w1_ref, b1_ref, w2_ref, b2_ref,
                   g_ref, ys_ref):
    t = pl.program_id(0)

    @pl.when(t < ntl_ref[0])
    def _():
        h = jnp.dot(xs_ref[...], w1_ref[0], preferred_element_type=jnp.float32)
        h = jnp.maximum(h + b1_ref[0], 0.0)
        y = jnp.dot(h, w2_ref[0], preferred_element_type=jnp.float32)
        ys_ref[...] = (y + b2_ref[0]) * g_ref[...]


def _grouped_experts(xs, W1, b1, W2, b2, gates, tile_expert, ntiles):
    p, h = xs.shape
    e, _, f = W1.shape
    max_tiles = p // TOKEN_TILE
    grid_spec = pltpu.PrefetchScalarGridSpec(
        num_scalar_prefetch=2,
        grid=(max_tiles,),
        in_specs=[
            pl.BlockSpec((TOKEN_TILE, h),
                         lambda t, te, ntl: (jnp.minimum(t, ntl[0] - 1), 0)),
            pl.BlockSpec((1, h, f), lambda t, te, ntl: (te[t], 0, 0)),
            pl.BlockSpec((1, 1, f), lambda t, te, ntl: (te[t], 0, 0)),
            pl.BlockSpec((1, f, h), lambda t, te, ntl: (te[t], 0, 0)),
            pl.BlockSpec((1, 1, h), lambda t, te, ntl: (te[t], 0, 0)),
            pl.BlockSpec((TOKEN_TILE, 1),
                         lambda t, te, ntl: (jnp.minimum(t, ntl[0] - 1), 0)),
        ],
        out_specs=pl.BlockSpec(
            (TOKEN_TILE, h),
            lambda t, te, ntl: (jnp.minimum(t, ntl[0] - 1), 0)),
    )
    return pl.pallas_call(
        _expert_kernel,
        grid_spec=grid_spec,
        out_shape=jax.ShapeDtypeStruct((p, h), jnp.float32),
    )(tile_expert, ntiles, xs, W1, b1.reshape(e, 1, f), W2,
      b2.reshape(e, 1, h), gates.reshape(p, 1))



def _dispatch_sc(x2, pos1, pos2, num_rows):
    s, h = x2.shape
    info = plsc.get_sparse_core_info()
    nw = info.num_cores * info.num_subcores
    chunk = s // nw
    mesh = plsc.VectorSubcoreMesh(core_axis_name="c", subcore_axis_name="s")

    @functools.partial(
        pl.kernel, mesh=mesh,
        out_type=jax.ShapeDtypeStruct((num_rows, h), jnp.float32),
        scratch_types=[
            pltpu.VMEM((chunk, h), jnp.float32),
            pltpu.VMEM((chunk,), jnp.int32),
            pltpu.VMEM((chunk,), jnp.int32),
            pltpu.SemaphoreType.DMA,
            pltpu.SemaphoreType.DMA,
        ],
    )
    def k(x_hbm, p1_hbm, p2_hbm, xs_hbm, rows_v, i1_v, i2_v, sem1, sem2):
        wid = lax.axis_index("s") * info.num_cores + lax.axis_index("c")
        base = wid * chunk
        pltpu.sync_copy(x_hbm.at[pl.ds(base, chunk)], rows_v)
        pltpu.sync_copy(p1_hbm.at[pl.ds(base, chunk)], i1_v)
        pltpu.sync_copy(p2_hbm.at[pl.ds(base, chunk)], i2_v)
        c1 = pltpu.async_copy(rows_v, xs_hbm.at[i1_v], sem1)
        c2 = pltpu.async_copy(rows_v, xs_hbm.at[i2_v], sem2)
        c1.wait()
        c2.wait()

    return k(x2, pos1, pos2)


def _combine_sc(ys, pos1, pos2, s):
    _, h = ys.shape
    info = plsc.get_sparse_core_info()
    nw = info.num_cores * info.num_subcores
    nl = info.num_lanes
    chunk = s // nw
    mesh = plsc.VectorSubcoreMesh(core_axis_name="c", subcore_axis_name="s")

    half = chunk // 2

    @functools.partial(
        pl.kernel, mesh=mesh,
        out_type=jax.ShapeDtypeStruct((s, h), jnp.float32),
        scratch_types=[
            pltpu.VMEM((half, h), jnp.float32),
            pltpu.VMEM((half, h), jnp.float32),
            pltpu.VMEM((half, h), jnp.float32),
            pltpu.VMEM((half, h), jnp.float32),
            pltpu.VMEM((half,), jnp.int32),
            pltpu.VMEM((half,), jnp.int32),
            pltpu.VMEM((half,), jnp.int32),
            pltpu.VMEM((half,), jnp.int32),
            pltpu.SemaphoreType.DMA,
            pltpu.SemaphoreType.DMA,
            pltpu.SemaphoreType.DMA,
        ],
    )
    def k(ys_hbm, p1_hbm, p2_hbm, out_hbm,
          r1a_v, r2a_v, r1b_v, r2b_v, i1a_v, i2a_v, i1b_v, i2b_v,
          sema, semb, semo):
        wid = lax.axis_index("s") * info.num_cores + lax.axis_index("c")
        base = wid * chunk
        pltpu.sync_copy(p1_hbm.at[pl.ds(base, half)], i1a_v)
        pltpu.sync_copy(p2_hbm.at[pl.ds(base, half)], i2a_v)
        g1a = pltpu.async_copy(ys_hbm.at[i1a_v], r1a_v, sema)
        g2a = pltpu.async_copy(ys_hbm.at[i2a_v], r2a_v, sema)
        pltpu.sync_copy(p1_hbm.at[pl.ds(base + half, half)], i1b_v)
        pltpu.sync_copy(p2_hbm.at[pl.ds(base + half, half)], i2b_v)
        g1b = pltpu.async_copy(ys_hbm.at[i1b_v], r1b_v, semb)
        g2b = pltpu.async_copy(ys_hbm.at[i2b_v], r2b_v, semb)

        def add_half(ra_v, rb_v):
            def token_body(i, _):
                for j in range(h // nl):
                    sl = pl.ds(j * nl, nl)
                    ra_v[i, sl] = ra_v[i, sl] + rb_v[i, sl]
                return 0

            lax.fori_loop(0, half, token_body, 0)

        g1a.wait()
        g2a.wait()
        add_half(r1a_v, r2a_v)
        sta = pltpu.async_copy(r1a_v, out_hbm.at[pl.ds(base, half)], semo)
        g1b.wait()
        g2b.wait()
        add_half(r1b_v, r2b_v)
        stb = pltpu.async_copy(r1b_v, out_hbm.at[pl.ds(base + half, half)],
                               semo)
        sta.wait()
        stb.wait()

    return k(ys, pos1, pos2)



def kernel(x, gate_W, gate_b, W1, b1, W2, b2):
    b, s, h = x.shape
    e = W1.shape[0]
    x2 = x.reshape(b * s, h)
    st = b * s

    e1, e2, w1, w2, r1, r2, counts = _gating(x2, gate_W, gate_b)

    nt_e = (counts + TOKEN_TILE - 1) // TOKEN_TILE
    cum = jnp.cumsum(nt_e)
    ntiles = cum[-1]
    tile_base = (cum - nt_e) * TOKEN_TILE
    max_tiles = (2 * st) // TOKEN_TILE + e - 1
    tq = jnp.minimum(jnp.arange(max_tiles, dtype=jnp.int32), ntiles - 1)
    tile_expert = jnp.searchsorted(cum, tq, side="right").astype(jnp.int32)
    pos1 = tile_base[e1] + r1
    pos2 = tile_base[e2] + r2
    num_rows = max_tiles * TOKEN_TILE
    gates = (jnp.zeros((num_rows,), jnp.float32)
             .at[pos1].set(w1).at[pos2].set(w2))

    xs = _dispatch_sc(x2, pos1, pos2, num_rows)
    ys = _grouped_experts(xs, W1, b1, W2, b2, gates, tile_expert,
                          ntiles.reshape(1).astype(jnp.int32))
    out = _combine_sc(ys, pos1, pos2, st)
    return out.reshape(b, s, h)

# --- scband reference (transcript-rebuilt; emitter-appended) ---
"""Pipeline reference for scband-mixture-of-experts-82669530514267 (READ-ONLY COPY).

The authoritative reference and input builder live on the scoring server;
editing this copy changes nothing except your own understanding.
"""

import jax, jax.numpy as jnp
import numpy as np

HIDDEN = 768
NUM_EXPERTS = 64
TOP_K = 2
BATCH = 1
SEQ = 2048


def setup_inputs(seed: int = 0) -> dict:
    key = jax.random.key(seed)
    ks = jax.random.split(key, 6)
    x = jax.random.normal(ks[0], (BATCH, SEQ, HIDDEN), dtype=jnp.float32)
    gate_W = jax.random.normal(ks[1], (HIDDEN, NUM_EXPERTS), dtype=jnp.float32) * 0.02
    gate_b = jnp.zeros((NUM_EXPERTS,), dtype=jnp.float32)
    W1 = jax.random.normal(ks[2], (NUM_EXPERTS, HIDDEN, HIDDEN * 2), dtype=jnp.float32) * 0.02
    b1 = jnp.zeros((NUM_EXPERTS, HIDDEN * 2), dtype=jnp.float32)
    W2 = jax.random.normal(ks[3], (NUM_EXPERTS, HIDDEN * 2, HIDDEN), dtype=jnp.float32) * 0.02
    b2 = jnp.zeros((NUM_EXPERTS, HIDDEN), dtype=jnp.float32)
    return {"x": x, "gate_W": gate_W, "gate_b": gate_b, "W1": W1, "b1": b1, "W2": W2, "b2": b2}


def reference(x, gate_W, gate_b, W1, b1, W2, b2):
    # Faithful translation of MixtureOfExperts.forward (eval mode: dropout = identity)
    batch_size, seq_len, hidden_size = x.shape
    x_flat = x.reshape(-1, hidden_size)
    gate_scores = jax.nn.softmax(x_flat @ gate_W + gate_b, axis=-1)
    top_k_gates, top_k_indices = jax.lax.top_k(gate_scores, TOP_K)
    top_k_gates = top_k_gates / jnp.sum(top_k_gates, axis=-1, keepdims=True)
    output = jnp.zeros_like(x_flat)
    for i in range(TOP_K):
        expert_indices = top_k_indices[:, i]
        expert_gates = top_k_gates[:, i][:, None]

        def body(out, params):
            e, W1e, b1e, W2e, b2e = params
            h = jnp.maximum(x_flat @ W1e + b1e, 0.0)
            expert_output = h @ W2e + b2e
            mask = (expert_indices == e)[:, None].astype(x_flat.dtype)
            return out + mask * (expert_gates * expert_output), None

        output, _ = jax.lax.scan(
            body, output,
            (jnp.arange(NUM_EXPERTS, dtype=top_k_indices.dtype), W1, b1, W2, b2),
        )
    return output.reshape(batch_size, seq_len, hidden_size)

if __name__ == "__main__":
    import jax
    _d = setup_inputs()
    print(jax.jit(kernel)(*tuple(_d.values())))

</pallas_src>

<mosaic_0001>
#map = affine_map<(d0, d1) -> (0, 0)>
#map1 = affine_map<(d0, d1) -> (0)>
module attributes {stable_mosaic.version = 14 : i64} {
  func.func @k(%arg0: i32, %arg1: i32, %arg2: memref<12160x768xf32, #tpu.memory_space<hbm>>, %arg3: memref<2048xi32, #tpu.memory_space<hbm>>, %arg4: memref<2048xi32, #tpu.memory_space<hbm>>, %arg5: memref<2048x768xf32, #tpu.memory_space<hbm>>, %arg6: memref<32x768xf32, #tpu.memory_space<vmem>>, %arg7: memref<32x768xf32, #tpu.memory_space<vmem>>, %arg8: memref<32x768xf32, #tpu.memory_space<vmem>>, %arg9: memref<32x768xf32, #tpu.memory_space<vmem>>, %arg10: memref<32xi32, #tpu.memory_space<vmem>>, %arg11: memref<32xi32, #tpu.memory_space<vmem>>, %arg12: memref<32xi32, #tpu.memory_space<vmem>>, %arg13: memref<32xi32, #tpu.memory_space<vmem>>, %arg14: memref<!tpu.dma_semaphore, #tpu.memory_space<semaphore_mem>>, %arg15: memref<!tpu.dma_semaphore, #tpu.memory_space<semaphore_mem>>, %arg16: memref<!tpu.dma_semaphore, #tpu.memory_space<semaphore_mem>>) attributes {dimension_semantics = [#tpu.dimension_semantics<core_parallel>, #tpu.dimension_semantics<subcore_parallel>], iteration_bounds = array<i64: 2, 16>, scalar_prefetch = 0 : i64, scratch_operands = 11 : i64, tpu.core_type = #tpu.core_type<sc_vector_subcore>, window_params = [{transform_indices = #map}, {transform_indices = #map1}, {transform_indices = #map1}, {transform_indices = #map}]} {
    %mul3A = arith.constant 2 : i32
    %mul3A_0 = arith.muli %arg1, %mul3A : i32
    %add3A = arith.addi %mul3A_0, %arg0 : i32
    %mul3A_1 = arith.constant 64 : i32
    %mul3A_2 = arith.muli %add3A, %mul3A_1 : i32
    "tpu.region"() ({
      %run_scoped3A = tpu.sem_alloc : memref<!tpu.dma_semaphore, #tpu.memory_space<semaphore_mem>>
      %dma_start3A_60 = tpu.memref_slice %arg3[%mul3A_2] : memref<2048xi32, #tpu.memory_space<hbm>> -> memref<32xi32, #tpu.memory_space<hbm>>
      %dma_start3A_61 = tpu.memref_slice %arg3[%mul3A_2] : memref<2048xi32, #tpu.memory_space<hbm>> -> memref<32xi32, #tpu.memory_space<hbm>>
      tpu.enqueue_dma source(%dma_start3A_61 : memref<32xi32, #tpu.memory_space<hbm>>) target(%arg10 : memref<32xi32, #tpu.memory_space<vmem>>) target_semaphore(%run_scoped3A : memref<!tpu.dma_semaphore, #tpu.memory_space<semaphore_mem>>)
      %dma_wait3A_62 = tpu.memref_slice %arg3[%mul3A_2] : memref<2048xi32, #tpu.memory_space<hbm>> -> memref<32xi32, #tpu.memory_space<hbm>>
      %dma_wait3A_63 = tpu.memref_slice %arg3[%mul3A_2] : memref<2048xi32, #tpu.memory_space<hbm>> -> memref<32xi32, #tpu.memory_space<hbm>>
      tpu.wait_dma2 semaphore(%run_scoped3A : memref<!tpu.dma_semaphore, #tpu.memory_space<semaphore_mem>>) src(%dma_wait3A_63 : memref<32xi32, #tpu.memory_space<hbm>>) dst(%arg10 : memref<32xi32, #tpu.memory_space<vmem>>)
      tpu.yield
    }) : () -> ()
    "tpu.region"() ({
      %run_scoped3A = tpu.sem_alloc : memref<!tpu.dma_semaphore, #tpu.memory_space<semaphore_mem>>
      %dma_start3A_60 = tpu.memref_slice %arg4[%mul3A_2] : memref<2048xi32, #tpu.memory_space<hbm>> -> memref<32xi32, #tpu.memory_space<hbm>>
      %dma_start3A_61 = tpu.memref_slice %arg4[%mul3A_2] : memref<2048xi32, #tpu.memory_space<hbm>> -> memref<32xi32, #tpu.memory_space<hbm>>
      tpu.enqueue_dma source(%dma_start3A_61 : memref<32xi32, #tpu.memory_space<hbm>>) target(%arg11 : memref<32xi32, #tpu.memory_space<vmem>>) target_semaphore(%run_scoped3A : memref<!tpu.dma_semaphore, #tpu.memory_space<semaphore_mem>>)
      %dma_wait3A_62 = tpu.memref_slice %arg4[%mul3A_2] : memref<2048xi32, #tpu.memory_space<hbm>> -> memref<32xi32, #tpu.memory_space<hbm>>
      %dma_wait3A_63 = tpu.memref_slice %arg4[%mul3A_2] : memref<2048xi32, #tpu.memory_space<hbm>> -> memref<32xi32, #tpu.memory_space<hbm>>
      tpu.wait_dma2 semaphore(%run_scoped3A : memref<!tpu.dma_semaphore, #tpu.memory_space<semaphore_mem>>) src(%dma_wait3A_63 : memref<32xi32, #tpu.memory_space<hbm>>) dst(%arg11 : memref<32xi32, #tpu.memory_space<vmem>>)
      tpu.yield
    }) : () -> ()
    %dma_start3A = arith.constant 0 : i32
    %dma_start3A_3 = arith.constant 0 : i32
    %dma_start3A_4 = tpu.memref_slice %arg2[%dma_start3A, %dma_start3A_3] : memref<12160x768xf32, #tpu.memory_space<hbm>> -> memref<12160x768xf32, #tpu.memory_space<hbm>>
    tpu.enqueue_indirect_dma source(%dma_start3A_4 : memref<12160x768xf32, #tpu.memory_space<hbm>>) target(%arg6 : memref<32x768xf32, #tpu.memory_space<vmem>>) offsets(%arg10 : memref<32xi32, #tpu.memory_space<vmem>>) semaphore(%arg14 : memref<!tpu.dma_semaphore, #tpu.memory_space<semaphore_mem>>)
    %dma_start3A_5 = arith.constant 0 : i32
    %dma_start3A_6 = arith.constant 0 : i32
    %dma_start3A_7 = tpu.memref_slice %arg2[%dma_start3A_5, %dma_start3A_6] : memref<12160x768xf32, #tpu.memory_space<hbm>> -> memref<12160x768xf32, #tpu.memory_space<hbm>>
    tpu.enqueue_indirect_dma source(%dma_start3A_7 : memref<12160x768xf32, #tpu.memory_space<hbm>>) target(%arg7 : memref<32x768xf32, #tpu.memory_space<vmem>>) offsets(%arg11 : memref<32xi32, #tpu.memory_space<vmem>>) semaphore(%arg14 : memref<!tpu.dma_semaphore, #tpu.memory_space<semaphore_mem>>)
    %add3A_8 = arith.constant 32 : i32
    %add3A_9 = arith.addi %mul3A_2, %add3A_8 : i32
    "tpu.region"() ({
      %run_scoped3A = tpu.sem_alloc : memref<!tpu.dma_semaphore, #tpu.memory_space<semaphore_mem>>
      %dma_start3A_60 = tpu.memref_slice %arg3[%add3A_9] : memref<2048xi32, #tpu.memory_space<hbm>> -> memref<32xi32, #tpu.memory_space<hbm>>
      %dma_start3A_61 = tpu.memref_slice %arg3[%add3A_9] : memref<2048xi32, #tpu.memory_space<hbm>> -> memref<32xi32, #tpu.memory_space<hbm>>
      tpu.enqueue_dma source(%dma_start3A_61 : memref<32xi32, #tpu.memory_space<hbm>>) target(%arg12 : memref<32xi32, #tpu.memory_space<vmem>>) target_semaphore(%run_scoped3A : memref<!tpu.dma_semaphore, #tpu.memory_space<semaphore_mem>>)
      %dma_wait3A_62 = tpu.memref_slice %arg3[%add3A_9] : memref<2048xi32, #tpu.memory_space<hbm>> -> memref<32xi32, #tpu.memory_space<hbm>>
      %dma_wait3A_63 = tpu.memref_slice %arg3[%add3A_9] : memref<2048xi32, #tpu.memory_space<hbm>> -> memref<32xi32, #tpu.memory_space<hbm>>
      tpu.wait_dma2 semaphore(%run_scoped3A : memref<!tpu.dma_semaphore, #tpu.memory_space<semaphore_mem>>) src(%dma_wait3A_63 : memref<32xi32, #tpu.memory_space<hbm>>) dst(%arg12 : memref<32xi32, #tpu.memory_space<vmem>>)
      tpu.yield
    }) : () -> ()
    %add3A_10 = arith.constant 32 : i32
    %add3A_11 = arith.addi %mul3A_2, %add3A_10 : i32
    "tpu.region"() ({
      %run_scoped3A = tpu.sem_alloc : memref<!tpu.dma_semaphore, #tpu.memory_space<semaphore_mem>>
      %dma_start3A_60 = tpu.memref_slice %arg4[%add3A_11] : memref<2048xi32, #tpu.memory_space<hbm>> -> memref<32xi32, #tpu.memory_space<hbm>>
      %dma_start3A_61 = tpu.memref_slice %arg4[%add3A_11] : memref<2048xi32, #tpu.memory_space<hbm>> -> memref<32xi32, #tpu.memory_space<hbm>>
      tpu.enqueue_dma source(%dma_start3A_61 : memref<32xi32, #tpu.memory_space<hbm>>) target(%arg13 : memref<32xi32, #tpu.memory_space<vmem>>) target_semaphore(%run_scoped3A : memref<!tpu.dma_semaphore, #tpu.memory_space<semaphore_mem>>)
      %dma_wait3A_62 = tpu.memref_slice %arg4[%add3A_11] : memref<2048xi32, #tpu.memory_space<hbm>> -> memref<32xi32, #tpu.memory_space<hbm>>
      %dma_wait3A_63 = tpu.memref_slice %arg4[%add3A_11] : memref<2048xi32, #tpu.memory_space<hbm>> -> memref<32xi32, #tpu.memory_space<hbm>>
      tpu.wait_dma2 semaphore(%run_scoped3A : memref<!tpu.dma_semaphore, #tpu.memory_space<semaphore_mem>>) src(%dma_wait3A_63 : memref<32xi32, #tpu.memory_space<hbm>>) dst(%arg13 : memref<32xi32, #tpu.memory_space<vmem>>)
      tpu.yield
    }) : () -> ()
    %dma_start3A_12 = arith.constant 0 : i32
    %dma_start3A_13 = arith.constant 0 : i32
    %dma_start3A_14 = tpu.memref_slice %arg2[%dma_start3A_12, %dma_start3A_13] : memref<12160x768xf32, #tpu.memory_space<hbm>> -> memref<12160x768xf32, #tpu.memory_space<hbm>>
    tpu.enqueue_indirect_dma source(%dma_start3A_14 : memref<12160x768xf32, #tpu.memory_space<hbm>>) target(%arg8 : memref<32x768xf32, #tpu.memory_space<vmem>>) offsets(%arg12 : memref<32xi32, #tpu.memory_space<vmem>>) semaphore(%arg15 : memref<!tpu.dma_semaphore, #tpu.memory_space<semaphore_mem>>)
    %dma_start3A_15 = arith.constant 0 : i32
    %dma_start3A_16 = arith.constant 0 : i32
    %dma_start3A_17 = tpu.memref_slice %arg2[%dma_start3A_15, %dma_start3A_16] : memref<12160x768xf32, #tpu.memory_space<hbm>> -> memref<12160x768xf32, #tpu.memory_space<hbm>>
    tpu.enqueue_indirect_dma source(%dma_start3A_17 : memref<12160x768xf32, #tpu.memory_space<hbm>>) target(%arg9 : memref<32x768xf32, #tpu.memory_space<vmem>>) offsets(%arg13 : memref<32xi32, #tpu.memory_space<vmem>>) semaphore(%arg15 : memref<!tpu.dma_semaphore, #tpu.memory_space<semaphore_mem>>)
    %dma_wait3A = arith.constant 0 : i32
    %dma_wait3A_18 = arith.constant 0 : i32
    %dma_wait3A_19 = tpu.memref_slice %arg2[%dma_wait3A, %dma_wait3A_18] : memref<12160x768xf32, #tpu.memory_space<hbm>> -> memref<12160x768xf32, #tpu.memory_space<hbm>>
    tpu.wait_indirect_dma semaphore(%arg14 : memref<!tpu.dma_semaphore, #tpu.memory_space<semaphore_mem>>) src(%dma_wait3A_19 : memref<12160x768xf32, #tpu.memory_space<hbm>>) dst(%arg6 : memref<32x768xf32, #tpu.memory_space<vmem>>)
    %dma_wait3A_20 = arith.constant 0 : i32
    %dma_wait3A_21 = arith.constant 0 : i32
    %dma_wait3A_22 = tpu.memref_slice %arg2[%dma_wait3A_20, %dma_wait3A_21] : memref<12160x768xf32, #tpu.memory_space<hbm>> -> memref<12160x768xf32, #tpu.memory_space<hbm>>
    tpu.wait_indirect_dma semaphore(%arg14 : memref<!tpu.dma_semaphore, #tpu.memory_space<semaphore_mem>>) src(%dma_wait3A_22 : memref<12160x768xf32, #tpu.memory_space<hbm>>) dst(%arg7 : memref<32x768xf32, #tpu.memory_space<vmem>>)
    %scan3A = arith.constant 0 : i32
    %scan3A_23 = arith.constant 0 : i32
    %scan3A_24 = arith.constant 32 : i32
    %scan3A_25 = arith.addi %scan3A_23, %scan3A_24 : i32
    %scan3A_26 = arith.constant 1 : i32
    %scan3A_27 = scf.for %scan3A_60 = %scan3A_23 to %scan3A_25 step %scan3A_26 iter_args(%scan3A_61 = %scan3A) -> (i32)  : i32 {
      %get3A = arith.index_cast %scan3A_60 : i32 to index
      %get3A_62 = arith.constant 0 : index
      %get3A_63 = tpu.vector_load %arg6[%get3A, %get3A_62] {strides = array<i32>} : memref<32x768xf32, #tpu.memory_space<vmem>>, vector<1x16xf32>,
      %get3A_64 = vector.shape_cast %get3A_63 : vector<1x16xf32> to vector<16xf32>
      %get3A_65 = arith.index_cast %scan3A_60 : i32 to index
      %get3A_66 = arith.constant 0 : index
      %get3A_67 = tpu.vector_load %arg7[%get3A_65, %get3A_66] {strides = array<i32>} : memref<32x768xf32, #tpu.memory_space<vmem>>, vector<1x16xf32>,
      %get3A_68 = vector.shape_cast %get3A_67 : vector<1x16xf32> to vector<16xf32>
      %add3A_69 = arith.addf %get3A_64, %get3A_68 : vector<16xf32>
      %swap3A = arith.index_cast %scan3A_60 : i32 to index
      %swap3A_70 = arith.constant 0 : index
      %swap3A_71 = tpu.vector_load %arg6[%swap3A, %swap3A_70] {strides = array<i32>} : memref<32x768xf32, #tpu.memory_space<vmem>>, vector<1x16xf32>,
      %swap3A_72 = vector.shape_cast %swap3A_71 : vector<1x16xf32> to vector<16xf32>
      %swap3A_73 = vector.shape_cast %add3A_69 : vector<16xf32> to vector<1x16xf32>
      tpu.vector_store %arg6[%swap3A, %swap3A_70], %swap3A_73 {strides = array<i32>} : memref<32x768xf32, #tpu.memory_space<vmem>>, vector<1x16xf32>,
      %get3A_74 = arith.index_cast %scan3A_60 : i32 to index
      %get3A_75 = arith.constant 16 : index
      %get3A_76 = tpu.vector_load %arg6[%get3A_74, %get3A_75] {strides = array<i32>} : memref<32x768xf32, #tpu.memory_space<vmem>>, vector<1x16xf32>,
      %get3A_77 = vector.shape_cast %get3A_76 : vector<1x16xf32> to vector<16xf32>
      %get3A_78 = arith.index_cast %scan3A_60 : i32 to index
      %get3A_79 = arith.constant 16 : index
      %get3A_80 = tpu.vector_load %arg7[%get3A_78, %get3A_79] {strides = array<i32>} : memref<32x768xf32, #tpu.memory_space<vmem>>, vector<1x16xf32>,
      %get3A_81 = vector.shape_cast %get3A_80 : vector<1x16xf32> to vector<16xf32>
      %add3A_82 = arith.addf %get3A_77, %get3A_81 : vector<16xf32>
      %swap3A_83 = arith.index_cast %scan3A_60 : i32 to index
      %swap3A_84 = arith.constant 16 : index
      %swap3A_85 = tpu.vector_load %arg6[%swap3A_83, %swap3A_84] {strides = array<i32>} : memref<32x768xf32, #tpu.memory_space<vmem>>, vector<1x16xf32>,
      %swap3A_86 = vector.shape_cast %swap3A_85 : vector<1x16xf32> to vector<16xf32>
      %swap3A_87 = vector.shape_cast %add3A_82 : vector<16xf32> to vector<1x16xf32>
      tpu.vector_store %arg6[%swap3A_83, %swap3A_84], %swap3A_87 {strides = array<i32>} : memref<32x768xf32, #tpu.memory_space<vmem>>, vector<1x16xf32>,
      %get3A_88 = arith.index_cast %scan3A_60 : i32 to index
      %get3A_89 = arith.constant 32 : index
      %get3A_90 = tpu.vector_load %arg6[%get3A_88, %get3A_89] {strides = array<i32>} : memref<32x768xf32, #tpu.memory_space<vmem>>, vector<1x16xf32>,
      %get3A_91 = vector.shape_cast %get3A_90 : vector<1x16xf32> to vector<16xf32>
      %get3A_92 = arith.index_cast %scan3A_60 : i32 to index
      %get3A_93 = arith.constant 32 : index
      %get3A_94 = tpu.vector_load %arg7[%get3A_92, %get3A_93] {strides = array<i32>} : memref<32x768xf32, #tpu.memory_space<vmem>>, vector<1x16xf32>,
      %get3A_95 = vector.shape_cast %get3A_94 : vector<1x16xf32> to vector<16xf32>
      %add3A_96 = arith.addf %get3A_91, %get3A_95 : vector<16xf32>
      %swap3A_97 = arith.index_cast %scan3A_60 : i32 to index
      %swap3A_98 = arith.constant 32 : index
      %swap3A_99 = tpu.vector_load %arg6[%swap3A_97, %swap3A_98] {strides = array<i32>} : memref<32x768xf32, #tpu.memory_space<vmem>>, vector<1x16xf32>,
      %swap3A_100 = vector.shape_cast %swap3A_99 : vector<1x16xf32> to vector<16xf32>
      %swap3A_101 = vector.shape_cast %add3A_96 : vector<16xf32> to vector<1x16xf32>
      tpu.vector_store %arg6[%swap3A_97, %swap3A_98], %swap3A_101 {strides = array<i32>} : memref<32x768xf32, #tpu.memory_space<vmem>>, vector<1x16xf32>,
      %get3A_102 = arith.index_cast %scan3A_60 : i32 to index
      %get3A_103 = arith.constant 48 : index
      %get3A_104 = tpu.vector_load %arg6[%get3A_102, %get3A_103] {strides = array<i32>} : memref<32x768xf32, #tpu.memory_space<vmem>>, vector<1x16xf32>,
      %get3A_105 = vector.shape_cast %get3A_104 : vector<1x16xf32> to vector<16xf32>
      %get3A_106 = arith.index_cast %scan3A_60 : i32 to index
      %get3A_107 = arith.constant 48 : index
      %get3A_108 = tpu.vector_load %arg7[%get3A_106, %get3A_107] {strides = array<i32>} : memref<32x768xf32, #tpu.memory_space<vmem>>, vector<1x16xf32>,
      %get3A_109 = vector.shape_cast %get3A_108 : vector<1x16xf32> to vector<16xf32>
      %add3A_110 = arith.addf %get3A_105, %get3A_109 : vector<16xf32>
      %swap3A_111 = arith.index_cast %scan3A_60 : i32 to index
      %swap3A_112 = arith.constant 48 : index
      %swap3A_113 = tpu.vector_load %arg6[%swap3A_111, %swap3A_112] {strides = array<i32>} : memref<32x768xf32, #tpu.memory_space<vmem>>, vector<1x16xf32>,
      %swap3A_114 = vector.shape_cast %swap3A_113 : vector<1x16xf32> to vector<16xf32>
      %swap3A_115 = vector.shape_cast %add3A_110 : vector<16xf32> to vector<1x16xf32>
      tpu.vector_store %arg6[%swap3A_111, %swap3A_112], %swap3A_115 {strides = array<i32>} : memref<32x768xf32, #tpu.memory_space<vmem>>, vector<1x16xf32>,
      %get3A_116 = arith.index_cast %scan3A_60 : i32 to index
      %get3A_117 = arith.constant 64 : index
      %get3A_118 = tpu.vector_load %arg6[%get3A_116, %get3A_117] {strides = array<i32>} : memref<32x768xf32, #tpu.memory_space<vmem>>, vector<1x16xf32>,
      %get3A_119 = vector.shape_cast %get3A_118 : vector<1x16xf32> to vector<16xf32>
      %get3A_120 = arith.index_cast %scan3A_60 : i32 to index
      %get3A_121 = arith.constant 64 : index
      %get3A_122 = tpu.vector_load %arg7[%get3A_120, %get3A_121] {strides = array<i32>} : memref<32x768xf32, #tpu.memory_space<vmem>>, vector<1x16xf32>,
      %get3A_123 = vector.shape_cast %get3A_122 : vector<1x16xf32> to vector<16xf32>
      %add3A_124 = arith.addf %get3A_119, %get3A_123 : vector<16xf32>
      %swap3A_125 = arith.index_cast %scan3A_60 : i32 to index
      %swap3A_126 = arith.constant 64 : index
      %swap3A_127 = tpu.vector_load %arg6[%swap3A_125, %swap3A_126] {strides = array<i32>} : memref<32x768xf32, #tpu.memory_space<vmem>>, vector<1x16xf32>,
      %swap3A_128 = vector.shape_cast %swap3A_127 : vector<1x16xf32> to vector<16xf32>
      %swap3A_129 = vector.shape_cast %add3A_124 : vector<16xf32> to vector<1x16xf32>
      tpu.vector_store %arg6[%swap3A_125, %swap3A_126], %swap3A_129 {strides = array<i32>} : memref<32x768xf32, #tpu.memory_space<vmem>>, vector<1x16xf32>,
      %get3A_130 = arith.index_cast %scan3A_60 : i32 to index
      %get3A_131 = arith.constant 80 : index
      %get3A_132 = tpu.vector_load %arg6[%get3A_130, %get3A_131] {strides = array<i32>} : memref<32x768xf32, #tpu.memory_space<vmem>>, vector<1x16xf32>,
      %get3A_133 = vector.shape_cast %get3A_132 : vector<1x16xf32> to vector<16xf32>
      %get3A_134 = arith.index_cast %scan3A_60 : i32 to index
      %get3A_135 = arith.constant 80 : index
      %get3A_136 = tpu.vector_load %arg7[%get3A_134, %get3A_135] {strides = array<i32>} : memref<32x768xf32, #tpu.memory_space<vmem>>, vector<1x16xf32>,
      %get3A_137 = vector.shape_cast %get3A_136 : vector<1x16xf32> to vector<16xf32>
      %add3A_138 = arith.addf %get3A_133, %get3A_137 : vector<16xf32>
      %swap3A_139 = arith.index_cast %scan3A_60 : i32 to index
      %swap3A_140 = arith.constant 80 : index
      %swap3A_141 = tpu.vector_load %arg6[%swap3A_139, %swap3A_140] {strides = array<i32>} : memref<32x768xf32, #tpu.memory_space<vmem>>, vector<1x16xf32>,
      %swap3A_142 = vector.shape_cast %swap3A_141 : vector<1x16xf32> to vector<16xf32>
      %swap3A_143 = vector.shape_cast %add3A_138 : vector<16xf32> to vector<1x16xf32>
      tpu.vector_store %arg6[%swap3A_139, %swap3A_140], %swap3A_143 {strides = array<i32>} : memref<32x768xf32, #tpu.memory_space<vmem>>, vector<1x16xf32>,
      %get3A_144 = arith.index_cast %scan3A_60 : i32 to index
      %get3A_145 = arith.constant 96 : index
      %get3A_146 = tpu.vector_load %arg6[%get3A_144, %get3A_145] {strides = array<i32>} : memref<32x768xf32, #tpu.memory_space<vmem>>, vector<1x16xf32>,
      %get3A_147 = vector.shape_cast %get3A_146 : vector<1x16xf32> to vector<16xf32>
      %get3A_148 = arith.index_cast %scan3A_60 : i32 to index
      %get3A_149 = arith.constant 96 : index
      %get3A_150 = tpu.vector_load %arg7[%get3A_148, %get3A_149] {strides = array<i32>} : memref<32x768xf32, #tpu.memory_space<vmem>>, vector<1x16xf32>,
      %get3A_151 = vector.shape_cast %get3A_150 : vector<1x16xf32> to vector<16xf32>
      %add3A_152 = arith.addf %get3A_147, %get3A_151 : vector<16xf32>
      %swap3A_153 = arith.index_cast %scan3A_60 : i32 to index
      %swap3A_154 = arith.constant 96 : index
      %swap3A_155 = tpu.vector_load %arg6[%swap3A_153, %swap3A_154] {strides = array<i32>} : memref<32x768xf32, #tpu.memory_space<vmem>>, vector<1x16xf32>,
      %swap3A_156 = vector.shape_cast %swap3A_155 : vector<1x16xf32> to vector<16xf32>
      %swap3A_157 = vector.shape_cast %add3A_152 : vector<16xf32> to vector<1x16xf32>
      tpu.vector_store %arg6[%swap3A_153, %swap3A_154], %swap3A_157 {strides = array<i32>} : memref<32x768xf32, #tpu.memory_space<vmem>>, vector<1x16xf32>,
      %get3A_158 = arith.index_cast %scan3A_60 : i32 to index
      %get3A_159 = arith.constant 112 : index
      %get3A_160 = tpu.vector_load %arg6[%get3A_158, %get3A_159] {strides = array<i32>} : memref<32x768xf32, #tpu.memory_space<vmem>>, vector<1x16xf32>,
      %get3A_161 = vector.shape_cast %get3A_160 : vector<1x16xf32> to vector<16xf32>
      %get3A_162 = arith.index_cast %scan3A_60 : i32 to index
      %get3A_163 = arith.constant 112 : index
      %get3A_164 = tpu.vector_load %arg7[%get3A_162, %get3A_163] {strides = array<i32>} : memref<32x768xf32, #tpu.memory_space<vmem>>, vector<1x16xf32>,
      %get3A_165 = vector.shape_cast %get3A_164 : vector<1x16xf32> to vector<16xf32>
      %add3A_166 = arith.addf %get3A_161, %get3A_165 : vector<16xf32>
      %swap3A_167 = arith.index_cast %scan3A_60 : i32 to index
      %swap3A_168 = arith.constant 112 : index
      %swap3A_169 = tpu.vector_load %arg6[%swap3A_167, %swap3A_168] {strides = array<i32>} : memref<32x768xf32, #tpu.memory_space<vmem>>, vector<1x16xf32>,
      %swap3A_170 = vector.shape_cast %swap3A_169 : vector<1x16xf32> to vector<16xf32>
      %swap3A_171 = vector.shape_cast %add3A_166 : vector<16xf32> to vector<1x16xf32>
      tpu.vector_store %arg6[%swap3A_167, %swap3A_168], %swap3A_171 {strides = array<i32>} : memref<32x768xf32, #tpu.memory_space<vmem>>, vector<1x16xf32>,
      %get3A_172 = arith.index_cast %scan3A_60 : i32 to index
      %get3A_173 = arith.constant 128 : index
      %get3A_174 = tpu.vector_load %arg6[%get3A_172, %get3A_173] {strides = array<i32>} : memref<32x768xf32, #tpu.memory_space<vmem>>, vector<1x16xf32>,
      %get3A_175 = vector.shape_cast %get3A_174 : vector<1x16xf32> to vector<16xf32>
      %get3A_176 = arith.index_cast %scan3A_60 : i32 to index
      %get3A_177 = arith.constant 128 : index
      %get3A_178 = tpu.vector_load %arg7[%get3A_176, %get3A_177] {strides = array<i32>} : memref<32x768xf32, #tpu.memory_space<vmem>>, vector<1x16xf32>,
      %get3A_179 = vector.shape_cast %get3A_178 : vector<1x16xf32> to vector<16xf32>
      %add3A_180 = arith.addf %get3A_175, %get3A_179 : vector<16xf32>
      %swap3A_181 = arith.index_cast %scan3A_60 : i32 to index
      %swap3A_182 = arith.constant 128 : index
      %swap3A_183 = tpu.vector_load %arg6[%swap3A_181, %swap3A_182] {strides = array<i32>} : memref<32x768xf32, #tpu.memory_space<vmem>>, vector<1x16xf32>,
      %swap3A_184 = vector.shape_cast %swap3A_183 : vector<1x16xf32> to vector<16xf32>
      %swap3A_185 = vector.shape_cast %add3A_180 : vector<16xf32> to vector<1x16xf32>
      tpu.vector_store %arg6[%swap3A_181, %swap3A_182], %swap3A_185 {strides = array<i32>} : memref<32x768xf32, #tpu.memory_space<vmem>>, vector<1x16xf32>,
      %get3A_186 = arith.index_cast %scan3A_60 : i32 to index
      %get3A_187 = arith.constant 144 : index
      %get3A_188 = tpu.vector_load %arg6[%get3A_186, %get3A_187] {strides = array<i32>} : memref<32x768xf32, #tpu.memory_space<vmem>>, vector<1x16xf32>,
      %get3A_189 = vector.shape_cast %get3A_188 : vector<1x16xf32> to vector<16xf32>
      %get3A_190 = arith.index_cast %scan3A_60 : i32 to index
      %get3A_191 = arith.constant 144 : index
      %get3A_192 = tpu.vector_load %arg7[%get3A_190, %get3A_191] {strides = array<i32>} : memref<32x768xf32, #tpu.memory_space<vmem>>, vector<1x16xf32>,
      %get3A_193 = vector.shape_cast %get3A_192 : vector<1x16xf32> to vector<16xf32>
      %add3A_194 = arith.addf %get3A_189, %get3A_193 : vector<16xf32>
      %swap3A_195 = arith.index_cast %scan3A_60 : i32 to index
      %swap3A_196 = arith.constant 144 : index
      %swap3A_197 = tpu.vector_load %arg6[%swap3A_195, %swap3A_196] {strides = array<i32>} : memref<32x768xf32, #tpu.memory_space<vmem>>, vector<1x16xf32>,
      %swap3A_198 = vector.shape_cast %swap3A_197 : vector<1x16xf32> to vector<16xf32>
      %swap3A_199 = vector.shape_cast %add3A_194 : vector<16xf32> to vector<1x16xf32>
      tpu.vector_store %arg6[%swap3A_195, %swap3A_196], %swap3A_199 {strides = array<i32>} : memref<32x768xf32, #tpu.memory_space<vmem>>, vector<1x16xf32>,
      %get3A_200 = arith.index_cast %scan3A_60 : i32 to index
      %get3A_201 = arith.constant 160 : index
      %get3A_202 = tpu.vector_load %arg6[%get3A_200, %get3A_201] {strides = array<i32>} : memref<32x768xf32, #tpu.memory_space<vmem>>, vector<1x16xf32>,
      %get3A_203 = vector.shape_cast %get3A_202 : vector<1x16xf32> to vector<16xf32>
      %get3A_204 = arith.index_cast %scan3A_60 : i32 to index
      %get3A_205 = arith.constant 160 : index
      %get3A_206 = tpu.vector_load %arg7[%get3A_204, %get3A_205] {strides = array<i32>} : memref<32x768xf32, #tpu.memory_space<vmem>>, vector<1x16xf32>,
      %get3A_207 = vector.shape_cast %get3A_206 : vector<1x16xf32> to vector<16xf32>
      %add3A_208 = arith.addf %get3A_203, %get3A_207 : vector<16xf32>
      %swap3A_209 = arith.index_cast %scan3A_60 : i32 to index
      %swap3A_210 = arith.constant 160 : index
      %swap3A_211 = tpu.vector_load %arg6[%swap3A_209, %swap3A_210] {strides = array<i32>} : memref<32x768xf32, #tpu.memory_space<vmem>>, vector<1x16xf32>,
      %swap3A_212 = vector.shape_cast %swap3A_211 : vector<1x16xf32> to vector<16xf32>
      %swap3A_213 = vector.shape_cast %add3A_208 : vector<16xf32> to vector<1x16xf32>
      tpu.vector_store %arg6[%swap3A_209, %swap3A_210], %swap3A_213 {strides = array<i32>} : memref<32x768xf32, #tpu.memory_space<vmem>>, vector<1x16xf32>,
      %get3A_214 = arith.index_cast %scan3A_60 : i32 to index
      %get3A_215 = arith.constant 176 : index
      %get3A_216 = tpu.vector_load %arg6[%get3A_214, %get3A_215] {strides = array<i32>} : memref<32x768xf32, #tpu.memory_space<vmem>>, vector<1x16xf32>,
      %get3A_217 = vector.shape_cast %get3A_216 : vector<1x16xf32> to vector<16xf32>
      %get3A_218 = arith.index_cast %scan3A_60 : i32 to index
      %get3A_219 = arith.constant 176 : index
      %get3A_220 = tpu.vector_load %arg7[%get3A_218, %get3A_219] {strides = array<i32>} : memref<32x768xf32, #tpu.memory_space<vmem>>, vector<1x16xf32>,
      %get3A_221 = vector.shape_cast %get3A_220 : vector<1x16xf32> to vector<16xf32>
      %add3A_222 = arith.addf %get3A_217, %get3A_221 : vector<16xf32>
      %swap3A_223 = arith.index_cast %scan3A_60 : i32 to index
      %swap3A_224 = arith.constant 176 : index
      %swap3A_225 = tpu.vector_load %arg6[%swap3A_223, %swap3A_224] {strides = array<i32>} : memref<32x768xf32, #tpu.memory_space<vmem>>, vector<1x16xf32>,
      %swap3A_226 = vector.shape_cast %swap3A_225 : vector<1x16xf32> to vector<16xf32>
      %swap3A_227 = vector.shape_cast %add3A_222 : vector<16xf32> to vector<1x16xf32>
      tpu.vector_store %arg6[%swap3A_223, %swap3A_224], %swap3A_227 {strides = array<i32>} : memref<32x768xf32, #tpu.memory_space<vmem>>, vector<1x16xf32>,
      %get3A_228 = arith.index_cast %scan3A_60 : i32 to index
      %get3A_229 = arith.constant 192 : index
      %get3A_230 = tpu.vector_load %arg6[%get3A_228, %get3A_229] {strides = array<i32>} : memref<32x768xf32, #tpu.memory_space<vmem>>, vector<1x16xf32>,
      %get3A_231 = vector.shape_cast %get3A_230 : vector<1x16xf32> to vector<16xf32>
      %get3A_232 = arith.index_cast %scan3A_60 : i32 to index
      %get3A_233 = arith.constant 192 : index
      %get3A_234 = tpu.vector_load %arg7[%get3A_232, %get3A_233] {strides = array<i32>} : memref<32x768xf32, #tpu.memory_space<vmem>>, vector<1x16xf32>,
      %get3A_235 = vector.shape_cast %get3A_234 : vector<1x16xf32> to vector<16xf32>
      %add3A_236 = arith.addf %get3A_231, %get3A_235 : vector<16xf32>
      %swap3A_237 = arith.index_cast %scan3A_60 : i32 to index
      %swap3A_238 = arith.constant 192 : index
      %swap3A_239 = tpu.vector_load %arg6[%swap3A_237, %swap3A_238] {strides = array<i32>} : memref<32x768xf32, #tpu.memory_space<vmem>>, vector<1x16xf32>,
      %swap3A_240 = vector.shape_cast %swap3A_239 : vector<1x16xf32> to vector<16xf32>
      %swap3A_241 = vector.shape_cast %add3A_236 : vector<16xf32> to vector<1x16xf32>
      tpu.vector_store %arg6[%swap3A_237, %swap3A_238], %swap3A_241 {strides = array<i32>} : memref<32x768xf32, #tpu.memory_space<vmem>>, vector<1x16xf32>,
      %get3A_242 = arith.index_cast %scan3A_60 : i32 to index
      %get3A_243 = arith.constant 208 : index
      %get3A_244 = tpu.vector_load %arg6[%get3A_242, %get3A_243] {strides = array<i32>} : memref<32x768xf32, #tpu.memory_space<vmem>>, vector<1x16xf32>,
      %get3A_245 = vector.shape_cast %get3A_244 : vector<1x16xf32> to vector<16xf32>
      %get3A_246 = arith.index_cast %scan3A_60 : i32 to index
      %get3A_247 = arith.constant 208 : index
      %get3A_248 = tpu.vector_load %arg7[%get3A_246, %get3A_247] {strides = array<i32>} : memref<32x768xf32, #tpu.memory_space<vmem>>, vector<1x16xf32>,
      %get3A_249 = vector.shape_cast %get3A_248 : vector<1x16xf32> to vector<16xf32>
      %add3A_250 = arith.addf %get3A_245, %get3A_249 : vector<16xf32>
      %swap3A_251 = arith.index_cast %scan3A_60 : i32 to index
      %swap3A_252 = arith.constant 208 : index
      %swap3A_253 = tpu.vector_load %arg6[%swap3A_251, %swap3A_252] {strides = array<i32>} : memref<32x768xf32, #tpu.memory_space<vmem>>, vector<1x16xf32>,
      %swap3A_254 = vector.shape_cast %swap3A_253 : vector<1x16xf32> to vector<16xf32>
      %swap3A_255 = vector.shape_cast %add3A_250 : vector<16xf32> to vector<1x16xf32>
      tpu.vector_store %arg6[%swap3A_251, %swap3A_252], %swap3A_255 {strides = array<i32>} : memref<32x768xf32, #tpu.memory_space<vmem>>, vector<1x16xf32>,
      %get3A_256 = arith.index_cast %scan3A_60 : i32 to index
      %get3A_257 = arith.constant 224 : index
      %get3A_258 = tpu.vector_load %arg6[%get3A_256, %get3A_257] {strides = array<i32>} : memref<32x768xf32, #tpu.memory_space<vmem>>, vector<1x16xf32>,
      %get3A_259 = vector.shape_cast %get3A_258 : vector<1x16xf32> to vector<16xf32>
      %get3A_260 = arith.index_cast %scan3A_60 : i32 to index
      %get3A_261 = arith.constant 224 : index
      %get3A_262 = tpu.vector_load %arg7[%get3A_260, %get3A_261] {strides = array<i32>} : memref<32x768xf32, #tpu.memory_space<vmem>>, vector<1x16xf32>,
      %get3A_263 = vector.shape_cast %get3A_262 : vector<1x16xf32> to vector<16xf32>
      %add3A_264 = arith.addf %get3A_259, %get3A_263 : vector<16xf32>
      %swap3A_265 = arith.index_cast %scan3A_60 : i32 to index
      %swap3A_266 = arith.constant 224 : index
      %swap3A_267 = tpu.vector_load %arg6[%swap3A_265, %swap3A_266] {strides = array<i32>} : memref<32x768xf32, #tpu.memory_space<vmem>>, vector<1x16xf32>,
      %swap3A_268 = vector.shape_cast %swap3A_267 : vector<1x16xf32> to vector<16xf32>
      %swap3A_269 = vector.shape_cast %add3A_264 : vector<16xf32> to vector<1x16xf32>
      tpu.vector_store %arg6[%swap3A_265, %swap3A_266], %swap3A_269 {strides = array<i32>} : memref<32x768xf32, #tpu.memory_space<vmem>>, vector<1x16xf32>,
      %get3A_270 = arith.index_cast %scan3A_60 : i32 to index
      %get3A_271 = arith.constant 240 : index
      %get3A_272 = tpu.vector_load %arg6[%get3A_270, %get3A_271] {strides = array<i32>} : memref<32x768xf32, #tpu.memory_space<vmem>>, vector<1x16xf32>,
      %get3A_273 = vector.shape_cast %get3A_272 : vector<1x16xf32> to vector<16xf32>
      %get3A_274 = arith.index_cast %scan3A_60 : i32 to index
      %get3A_275 = arith.constant 240 : index
      %get3A_276 = tpu.vector_load %arg7[%get3A_274, %get3A_275] {strides = array<i32>} : memref<32x768xf32, #tpu.memory_space<vmem>>, vector<1x16xf32>,
      %get3A_277 = vector.shape_cast %get3A_276 : vector<1x16xf32> to vector<16xf32>
      %add3A_278 = arith.addf %get3A_273, %get3A_277 : vector<16xf32>
      %swap3A_279 = arith.index_cast %scan3A_60 : i32 to index
      %swap3A_280 = arith.constant 240 : index
      %swap3A_281 = tpu.vector_load %arg6[%swap3A_279, %swap3A_280] {strides = array<i32>} : memref<32x768xf32, #tpu.memory_space<vmem>>, vector<1x16xf32>,
      %swap3A_282 = vector.shape_cast %swap3A_281 : vector<1x16xf32> to vector<16xf32>
      %swap3A_283 = vector.shape_cast %add3A_278 : vector<16xf32> to vector<1x16xf32>
      tpu.vector_store %arg6[%swap3A_279, %swap3A_280], %swap3A_283 {strides = array<i32>} : memref<32x768xf32, #tpu.memory_space<vmem>>, vector<1x16xf32>,
      %get3A_284 = arith.index_cast %scan3A_60 : i32 to index
      %get3A_285 = arith.constant 256 : index
      %get3A_286 = tpu.vector_load %arg6[%get3A_284, %get3A_285] {strides = array<i32>} : memref<32x768xf32, #tpu.memory_space<vmem>>, vector<1x16xf32>,
      %get3A_287 = vector.shape_cast %get3A_286 : vector<1x16xf32> to vector<16xf32>
      %get3A_288 = arith.index_cast %scan3A_60 : i32 to index
      %get3A_289 = arith.constant 256 : index
      %get3A_290 = tpu.vector_load %arg7[%get3A_288, %get3A_289] {strides = array<i32>} : memref<32x768xf32, #tpu.memory_space<vmem>>, vector<1x16xf32>,
      %get3A_291 = vector.shape_cast %get3A_290 : vector<1x16xf32> to vector<16xf32>
      %add3A_292 = arith.addf %get3A_287, %get3A_291 : vector<16xf32>
      %swap3A_293 = arith.index_cast %scan3A_60 : i32 to index
      %swap3A_294 = arith.constant 256 : index
      %swap3A_295 = tpu.vector_load %arg6[%swap3A_293, %swap3A_294] {strides = array<i32>} : memref<32x768xf32, #tpu.memory_space<vmem>>, vector<1x16xf32>,
      %swap3A_296 = vector.shape_cast %swap3A_295 : vector<1x16xf32> to vector<16xf32>
      %swap3A_297 = vector.shape_cast %add3A_292 : vector<16xf32> to vector<1x16xf32>
      tpu.vector_store %arg6[%swap3A_293, %swap3A_294], %swap3A_297 {strides = array<i32>} : memref<32x768xf32, #tpu.memory_space<vmem>>, vector<1x16xf32>,
      %get3A_298 = arith.index_cast %scan3A_60 : i32 to index
      %get3A_299 = arith.constant 272 : index
      %get3A_300 = tpu.vector_load %arg6[%get3A_298, %get3A_299] {strides = array<i32>} : memref<32x768xf32, #tpu.memory_space<vmem>>, vector<1x16xf32>,
      %get3A_301 = vector.shape_cast %get3A_300 : vector<1x16xf32> to vector<16xf32>
      %get3A_302 = arith.index_cast %scan3A_60 : i32 to index
      %get3A_303 = arith.constant 272 : index
      %get3A_304 = tpu.vector_load %arg7[%get3A_302, %get3A_303] {strides = array<i32>} : memref<32x768xf32, #tpu.memory_space<vmem>>, vector<1x16xf32>,
      %get3A_305 = vector.shape_cast %get3A_304 : vector<1x16xf32> to vector<16xf32>
      %add3A_306 = arith.addf %get3A_301, %get3A_305 : vector<16xf32>
      %swap3A_307 = arith.index_cast %scan3A_60 : i32 to index
      %swap3A_308 = arith.constant 272 : index
      %swap3A_309 = tpu.vector_load %arg6[%swap3A_307, %swap3A_308] {strides = array<i32>} : memref<32x768xf32, #tpu.memory_space<vmem>>, vector<1x16xf32>,
      %swap3A_310 = vector.shape_cast %swap3A_309 : vector<1x16xf32> to vector<16xf32>
      %swap3A_311 = vector.shape_cast %add3A_306 : vector<16xf32> to vector<1x16xf32>
      tpu.vector_store %arg6[%swap3A_307, %swap3A_308], %swap3A_311 {strides = array<i32>} : memref<32x768xf32, #tpu.memory_space<vmem>>, vector<1x16xf32>,
      %get3A_312 = arith.index_cast %scan3A_60 : i32 to index
      %get3A_313 = arith.constant 288 : index
      %get3A_314 = tpu.vector_load %arg6[%get3A_312, %get3A_313] {strides = array<i32>} : memref<32x768xf32, #tpu.memory_space<vmem>>, vector<1x16xf32>,
      %get3A_315 = vector.shape_cast %get3A_314 : vector<1x16xf32> to vector<16xf32>
      %get3A_316 = arith.index_cast %scan3A_60 : i32 to index
      %get3A_317 = arith.constant 288 : index
      %get3A_318 = tpu.vector_load %arg7[%get3A_316, %get3A_317] {strides = array<i32>} : memref<32x768xf32, #tpu.memory_space<vmem>>, vector<1x16xf32>,
      %get3A_319 = vector.shape_cast %get3A_318 : vector<1x16xf32> to vector<16xf32>
      %add3A_320 = arith.addf %get3A_315, %get3A_319 : vector<16xf32>
      %swap3A_321 = arith.index_cast %scan3A_60 : i32 to index
      %swap3A_322 = arith.constant 288 : index
      %swap3A_323 = tpu.vector_load %arg6[%swap3A_321, %swap3A_322] {strides = array<i32>} : memref<32x768xf32, #tpu.memory_space<vmem>>, vector<1x16xf32>,
      %swap3A_324 = vector.shape_cast %swap3A_323 : vector<1x16xf32> to vector<16xf32>
      %swap3A_325 = vector.shape_cast %add3A_320 : vector<16xf32> to vector<1x16xf32>
      tpu.vector_store %arg6[%swap3A_321, %swap3A_322], %swap3A_325 {strides = array<i32>} : memref<32x768xf32, #tpu.memory_space<vmem>>, vector<1x16xf32>,
      %get3A_326 = arith.index_cast %scan3A_60 : i32 to index
      %get3A_327 = arith.constant 304 : index
      %get3A_328 = tpu.vector_load %arg6[%get3A_326, %get3A_327] {strides = array<i32>} : memref<32x768xf32, #tpu.memory_space<vmem>>, vector<1x16xf32>,
      %get3A_329 = vector.shape_cast %get3A_328 : vector<1x16xf32> to vector<16xf32>
      %get3A_330 = arith.index_cast %scan3A_60 : i32 to index
      %get3A_331 = arith.constant 304 : index
      %get3A_332 = tpu.vector_load %arg7[%get3A_330, %get3A_331] {strides = array<i32>} : memref<32x768xf32, #tpu.memory_space<vmem>>, vector<1x16xf32>,
      %get3A_333 = vector.shape_cast %get3A_332 : vector<1x16xf32> to vector<16xf32>
      %add3A_334 = arith.addf %get3A_329, %get3A_333 : vector<16xf32>
      %swap3A_335 = arith.index_cast %scan3A_60 : i32 to index
      %swap3A_336 = arith.constant 304 : index
      %swap3A_337 = tpu.vector_load %arg6[%swap3A_335, %swap3A_336] {strides = array<i32>} : memref<32x768xf32, #tpu.memory_space<vmem>>, vector<1x16xf32>,
      %swap3A_338 = vector.shape_cast %swap3A_337 : vector<1x16xf32> to vector<16xf32>
      %swap3A_339 = vector.shape_cast %add3A_334 : vector<16xf32> to vector<1x16xf32>
      tpu.vector_store %arg6[%swap3A_335, %swap3A_336], %swap3A_339 {strides = array<i32>} : memref<32x768xf32, #tpu.memory_space<vmem>>, vector<1x16xf32>,
      %get3A_340 = arith.index_cast %scan3A_60 : i32 to index
      %get3A_341 = arith.constant 320 : index
      %get3A_342 = tpu.vector_load %arg6[%get3A_340, %get3A_341] {strides = array<i32>} : memref<32x768xf32, #tpu.memory_space<vmem>>, vector<1x16xf32>,
      %get3A_343 = vector.shape_cast %get3A_342 : vector<1x16xf32> to vector<16xf32>
      %get3A_344 = arith.index_cast %scan3A_60 : i32 to index
      %get3A_345 = arith.constant 320 : index
      %get3A_346 = tpu.vector_load %arg7[%get3A_344, %get3A_345] {strides = array<i32>} : memref<32x768xf32, #tpu.memory_space<vmem>>, vector<1x16xf32>,
      %get3A_347 = vector.shape_cast %get3A_346 : vector<1x16xf32> to vector<16xf32>
      %add3A_348 = arith.addf %get3A_343, %get3A_347 : vector<16xf32>
      %swap3A_349 = arith.index_cast %scan3A_60 : i32 to index
      %swap3A_350 = arith.constant 320 : index
      %swap3A_351 = tpu.vector_load %arg6[%swap3A_349, %swap3A_350] {strides = array<i32>} : memref<32x768xf32, #tpu.memory_space<vmem>>, vector<1x16xf32>,
      %swap3A_352 = vector.shape_cast %swap3A_351 : vector<1x16xf32> to vector<16xf32>
      %swap3A_353 = vector.shape_cast %add3A_348 : vector<16xf32> to vector<1x16xf32>
      tpu.vector_store %arg6[%swap3A_349, %swap3A_350], %swap3A_353 {strides = array<i32>} : memref<32x768xf32, #tpu.memory_space<vmem>>, vector<1x16xf32>,
      %get3A_354 = arith.index_cast %scan3A_60 : i32 to index
      %get3A_355 = arith.constant 336 : index
      %get3A_356 = tpu.vector_load %arg6[%get3A_354, %get3A_355] {strides = array<i32>} : memref<32x768xf32, #tpu.memory_space<vmem>>, vector<1x16xf32>,
      %get3A_357 = vector.shape_cast %get3A_356 : vector<1x16xf32> to vector<16xf32>
      %get3A_358 = arith.index_cast %scan3A_60 : i32 to index
      %get3A_359 = arith.constant 336 : index
      %get3A_360 = tpu.vector_load %arg7[%get3A_358, %get3A_359] {strides = array<i32>} : memref<32x768xf32, #tpu.memory_space<vmem>>, vector<1x16xf32>,
      %get3A_361 = vector.shape_cast %get3A_360 : vector<1x16xf32> to vector<16xf32>
      %add3A_362 = arith.addf %get3A_357, %get3A_361 : vector<16xf32>
      %swap3A_363 = arith.index_cast %scan3A_60 : i32 to index
      %swap3A_364 = arith.constant 336 : index
      %swap3A_365 = tpu.vector_load %arg6[%swap3A_363, %swap3A_364] {strides = array<i32>} : memref<32x768xf32, #tpu.memory_space<vmem>>, vector<1x16xf32>,
      %swap3A_366 = vector.shape_cast %swap3A_365 : vector<1x16xf32> to vector<16xf32>
      %swap3A_367 = vector.shape_cast %add3A_362 : vector<16xf32> to vector<1x16xf32>
      tpu.vector_store %arg6[%swap3A_363, %swap3A_364], %swap3A_367 {strides = array<i32>} : memref<32x768xf32, #tpu.memory_space<vmem>>, vector<1x16xf32>,
      %get3A_368 = arith.index_cast %scan3A_60 : i32 to index
      %get3A_369 = arith.constant 352 : index
      %get3A_370 = tpu.vector_load %arg6[%get3A_368, %get3A_369] {strides = array<i32>} : memref<32x768xf32, #tpu.memory_space<vmem>>, vector<1x16xf32>,
      %get3A_371 = vector.shape_cast %get3A_370 : vector<1x16xf32> to vector<16xf32>
      %get3A_372 = arith.index_cast %scan3A_60 : i32 to index
      %get3A_373 = arith.constant 352 : index
      %get3A_374 = tpu.vector_load %arg7[%get3A_372, %get3A_373] {strides = array<i32>} : memref<32x768xf32, #tpu.memory_space<vmem>>, vector<1x16xf32>,
      %get3A_375 = vector.shape_cast %get3A_374 : vector<1x16xf32> to vector<16xf32>
      %add3A_376 = arith.addf %get3A_371, %get3A_375 : vector<16xf32>
      %swap3A_377 = arith.index_cast %scan3A_60 : i32 to index
      %swap3A_378 = arith.constant 352 : index
      %swap3A_379 = tpu.vector_load %arg6[%swap3A_377, %swap3A_378] {strides = array<i32>} : memref<32x768xf32, #tpu.memory_space<vmem>>, vector<1x16xf32>,
      %swap3A_380 = vector.shape_cast %swap3A_379 : vector<1x16xf32> to vector<16xf32>
      %swap3A_381 = vector.shape_cast %add3A_376 : vector<16xf32> to vector<1x16xf32>
      tpu.vector_store %arg6[%swap3A_377, %swap3A_378], %swap3A_381 {strides = array<i32>} : memref<32x768xf32, #tpu.memory_space<vmem>>, vector<1x16xf32>,
      %get3A_382 = arith.index_cast %scan3A_60 : i32 to index
      %get3A_383 = arith.constant 368 : index
      %get3A_384 = tpu.vector_load %arg6[%get3A_382, %get3A_383] {strides = array<i32>} : memref<32x768xf32, #tpu.memory_space<vmem>>, vector<1x16xf32>,
      %get3A_385 = vector.shape_cast %get3A_384 : vector<1x16xf32> to vector<16xf32>
      %get3A_386 = arith.index_cast %scan3A_60 : i32 to index
      %get3A_387 = arith.constant 368 : index
      %get3A_388 = tpu.vector_load %arg7[%get3A_386, %get3A_387] {strides = array<i32>} : memref<32x768xf32, #tpu.memory_space<vmem>>, vector<1x16xf32>,
      %get3A_389 = vector.shape_cast %get3A_388 : vector<1x16xf32> to vector<16xf32>
      %add3A_390 = arith.addf %get3A_385, %get3A_389 : vector<16xf32>
      %swap3A_391 = arith.index_cast %scan3A_60 : i32 to index
      %swap3A_392 = arith.constant 368 : index
      %swap3A_393 = tpu.vector_load %arg6[%swap3A_391, %swap3A_392] {strides = array<i32>} : memref<32x768xf32, #tpu.memory_space<vmem>>, vector<1x16xf32>,
      %swap3A_394 = vector.shape_cast %swap3A_393 : vector<1x16xf32> to vector<16xf32>
      %swap3A_395 = vector.shape_cast %add3A_390 : vector<16xf32> to vector<1x16xf32>
      tpu.vector_store %arg6[%swap3A_391, %swap3A_392], %swap3A_395 {strides = array<i32>} : memref<32x768xf32, #tpu.memory_space<vmem>>, vector<1x16xf32>,
      %get3A_396 = arith.index_cast %scan3A_60 : i32 to index
      %get3A_397 = arith.constant 384 : index
      %get3A_398 = tpu.vector_load %arg6[%get3A_396, %get3A_397] {strides = array<i32>} : memref<32x768xf32, #tpu.memory_space<vmem>>, vector<1x16xf32>,
      %get3A_399 = vector.shape_cast %get3A_398 : vector<1x16xf32> to vector<16xf32>
      %get3A_400 = arith.index_cast %scan3A_60 : i32 to index
      %get3A_401 = arith.constant 384 : index
      %get3A_402 = tpu.vector_load %arg7[%get3A_400, %get3A_401] {strides = array<i32>} : memref<32x768xf32, #tpu.memory_space<vmem>>, vector<1x16xf32>,
      %get3A_403 = vector.shape_cast %get3A_402 : vector<1x16xf32> to vector<16xf32>
      %add3A_404 = arith.addf %get3A_399, %get3A_403 : vector<16xf32>
      %swap3A_405 = arith.index_cast %scan3A_60 : i32 to index
      %swap3A_406 = arith.constant 384 : index
      %swap3A_407 = tpu.vector_load %arg6[%swap3A_405, %swap3A_406] {strides = array<i32>} : memref<32x768xf32, #tpu.memory_space<vmem>>, vector<1x16xf32>,
      %swap3A_408 = vector.shape_cast %swap3A_407 : vector<1x16xf32> to vector<16xf32>
      %swap3A_409 = vector.shape_cast %add3A_404 : vector<16xf32> to vector<1x16xf32>
      tpu.vector_store %arg6[%swap3A_405, %swap3A_406], %swap3A_409 {strides = array<i32>} : memref<32x768xf32, #tpu.memory_space<vmem>>, vector<1x16xf32>,
      %get3A_410 = arith.index_cast %scan3A_60 : i32 to index
      %get3A_411 = arith.constant 400 : index
      %get3A_412 = tpu.vector_load %arg6[%get3A_410, %get3A_411] {strides = array<i32>} : memref<32x768xf32, #tpu.memory_space<vmem>>, vector<1x16xf32>,
      %get3A_413 = vector.shape_cast %get3A_412 : vector<1x16xf32> to vector<16xf32>
      %get3A_414 = arith.index_cast %scan3A_60 : i32 to index
      %get3A_415 = arith.constant 400 : index
      %get3A_416 = tpu.vector_load %arg7[%get3A_414, %get3A_415] {strides = array<i32>} : memref<32x768xf32, #tpu.memory_space<vmem>>, vector<1x16xf32>,
      %get3A_417 = vector.shape_cast %get3A_416 : vector<1x16xf32> to vector<16xf32>
      %add3A_418 = arith.addf %get3A_413, %get3A_417 : vector<16xf32>
      %swap3A_419 = arith.index_cast %scan3A_60 : i32 to index
      %swap3A_420 = arith.constant 400 : index
      %swap3A_421 = tpu.vector_load %arg6[%swap3A_419, %swap3A_420] {strides = array<i32>} : memref<32x768xf32, #tpu.memory_space<vmem>>, vector<1x16xf32>,
      %swap3A_422 = vector.shape_cast %swap3A_421 : vector<1x16xf32> to vector<16xf32>
      %swap3A_423 = vector.shape_cast %add3A_418 : vector<16xf32> to vector<1x16xf32>
      tpu.vector_store %arg6[%swap3A_419, %swap3A_420], %swap3A_423 {strides = array<i32>} : memref<32x768xf32, #tpu.memory_space<vmem>>, vector<1x16xf32>,
      %get3A_424 = arith.index_cast %scan3A_60 : i32 to index
      %get3A_425 = arith.constant 416 : index
      %get3A_426 = tpu.vector_load %arg6[%get3A_424, %get3A_425] {strides = array<i32>} : memref<32x768xf32, #tpu.memory_space<vmem>>, vector<1x16xf32>,
      %get3A_427 = vector.shape_cast %get3A_426 : vector<1x16xf32> to vector<16xf32>
      %get3A_428 = arith.index_cast %scan3A_60 : i32 to index
      %get3A_429 = arith.constant 416 : index
      %get3A_430 = tpu.vector_load %arg7[%get3A_428, %get3A_429] {strides = array<i32>} : memref<32x768xf32, #tpu.memory_space<vmem>>, vector<1x16xf32>,
      %get3A_431 = vector.shape_cast %get3A_430 : vector<1x16xf32> to vector<16xf32>
      %add3A_432 = arith.addf %get3A_427, %get3A_431 : vector<16xf32>
      %swap3A_433 = arith.index_cast %scan3A_60 : i32 to index
      %swap3A_434 = arith.constant 416 : index
      %swap3A_435 = tpu.vector_load %arg6[%swap3A_433, %swap3A_434] {strides = array<i32>} : memref<32x768xf32, #tpu.memory_space<vmem>>, vector<1x16xf32>,
      %swap3A_436 = vector.shape_cast %swap3A_435 : vector<1x16xf32> to vector<16xf32>
      %swap3A_437 = vector.shape_cast %add3A_432 : vector<16xf32> to vector<1x16xf32>
      tpu.vector_store %arg6[%swap3A_433, %swap3A_434], %swap3A_437 {strides = array<i32>} : memref<32x768xf32, #tpu.memory_space<vmem>>, vector<1x16xf32>,
      %get3A_438 = arith.index_cast %scan3A_60 : i32 to index
      %get3A_439 = arith.constant 432 : index
      %get3A_440 = tpu.vector_load %arg6[%get3A_438, %get3A_439] {strides = array<i32>} : memref<32x768xf32, #tpu.memory_space<vmem>>, vector<1x16xf32>,
      %get3A_441 = vector.shape_cast %get3A_440 : vector<1x16xf32> to vector<16xf32>
      %get3A_442 = arith.index_cast %scan3A_60 : i32 to index
      %get3A_443 = arith.constant 432 : index
      %get3A_444 = tpu.vector_load %arg7[%get3A_442, %get3A_443] {strides = array<i32>} : memref<32x768xf32, #tpu.memory_space<vmem>>, vector<1x16xf32>,
      %get3A_445 = vector.shape_cast %get3A_444 : vector<1x16xf32> to vector<16xf32>
      %add3A_446 = arith.addf %get3A_441, %get3A_445 : vector<16xf32>
      %swap3A_447 = arith.index_cast %scan3A_60 : i32 to index
      %swap3A_448 = arith.constant 432 : index
      %swap3A_449 = tpu.vector_load %arg6[%swap3A_447, %swap3A_448] {strides = array<i32>} : memref<32x768xf32, #tpu.memory_space<vmem>>, vector<1x16xf32>,
      %swap3A_450 = vector.shape_cast %swap3A_449 : vector<1x16xf32> to vector<16xf32>
      %swap3A_451 = vector.shape_cast %add3A_446 : vector<16xf32> to vector<1x16xf32>
      tpu.vector_store %arg6[%swap3A_447, %swap3A_448], %swap3A_451 {strides = array<i32>} : memref<32x768xf32, #tpu.memory_space<vmem>>, vector<1x16xf32>,
      %get3A_452 = arith.index_cast %scan3A_60 : i32 to index
      %get3A_453 = arith.constant 448 : index
      %get3A_454 = tpu.vector_load %arg6[%get3A_452, %get3A_453] {strides = array<i32>} : memref<32x768xf32, #tpu.memory_space<vmem>>, vector<1x16xf32>,
      %get3A_455 = vector.shape_cast %get3A_454 : vector<1x16xf32> to vector<16xf32>
      %get3A_456 = arith.index_cast %scan3A_60 : i32 to index
      %get3A_457 = arith.constant 448 : index
      %get3A_458 = tpu.vector_load %arg7[%get3A_456, %get3A_457] {strides = array<i32>} : memref<32x768xf32, #tpu.memory_space<vmem>>, vector<1x16xf32>,
      %get3A_459 = vector.shape_cast %get3A_458 : vector<1x16xf32> to vector<16xf32>
      %add3A_460 = arith.addf %get3A_455, %get3A_459 : vector<16xf32>
      %swap3A_461 = arith.index_cast %scan3A_60 : i32 to index
      %swap3A_462 = arith.constant 448 : index
      %swap3A_463 = tpu.vector_load %arg6[%swap3A_461, %swap3A_462] {strides = array<i32>} : memref<32x768xf32, #tpu.memory_space<vmem>>, vector<1x16xf32>,
      %swap3A_464 = vector.shape_cast %swap3A_463 : vector<1x16xf32> to vector<16xf32>
      %swap3A_465 = vector.shape_cast %add3A_460 : vector<16xf32> to vector<1x16xf32>
      tpu.vector_store %arg6[%swap3A_461, %swap3A_462], %swap3A_465 {strides = array<i32>} : memref<32x768xf32, #tpu.memory_space<vmem>>, vector<1x16xf32>,
      %get3A_466 = arith.index_cast %scan3A_60 : i32 to index
      %get3A_467 = arith.constant 464 : index
      %get3A_468 = tpu.vector_load %arg6[%get3A_466, %get3A_467] {strides = array<i32>} : memref<32x768xf32, #tpu.memory_space<vmem>>, vector<1x16xf32>,
      %get3A_469 = vector.shape_cast %get3A_468 : vector<1x16xf32> to vector<16xf32>
      %get3A_470 = arith.index_cast %scan3A_60 : i32 to index
      %get3A_471 = arith.constant 464 : index
      %get3A_472 = tpu.vector_load %arg7[%get3A_470, %get3A_471] {strides = array<i32>} : memref<32x768xf32, #tpu.memory_space<vmem>>, vector<1x16xf32>,
      %get3A_473 = vector.shape_cast %get3A_472 : vector<1x16xf32> to vector<16xf32>
      %add3A_474 = arith.addf %get3A_469, %get3A_473 : vector<16xf32>
      %swap3A_475 = arith.index_cast %scan3A_60 : i32 to index
      %swap3A_476 = arith.constant 464 : index
      %swap3A_477 = tpu.vector_load %arg6[%swap3A_475, %swap3A_476] {strides = array<i32>} : memref<32x768xf32, #tpu.memory_space<vmem>>, vector<1x16xf32>,
      %swap3A_478 = vector.shape_cast %swap3A_477 : vector<1x16xf32> to vector<16xf32>
      %swap3A_479 = vector.shape_cast %add3A_474 : vector<16xf32> to vector<1x16xf32>
      tpu.vector_store %arg6[%swap3A_475, %swap3A_476], %swap3A_479 {strides = array<i32>} : memref<32x768xf32, #tpu.memory_space<vmem>>, vector<1x16xf32>,
      %get3A_480 = arith.index_cast %scan3A_60 : i32 to index
      %get3A_481 = arith.constant 480 : index
      %get3A_482 = tpu.vector_load %arg6[%get3A_480, %get3A_481] {strides = array<i32>} : memref<32x768xf32, #tpu.memory_space<vmem>>, vector<1x16xf32>,
      %get3A_483 = vector.shape_cast %get3A_482 : vector<1x16xf32> to vector<16xf32>
      %get3A_484 = arith.index_cast %scan3A_60 : i32 to index
      %get3A_485 = arith.constant 480 : index
      %get3A_486 = tpu.vector_load %arg7[%get3A_484, %get3A_485] {strides = array<i32>} : memref<32x768xf32, #tpu.memory_space<vmem>>, vector<1x16xf32>,
      %get3A_487 = vector.shape_cast %get3A_486 : vector<1x16xf32> to vector<16xf32>
      %add3A_488 = arith.addf %get3A_483, %get3A_487 : vector<16xf32>
      %swap3A_489 = arith.index_cast %scan3A_60 : i32 to index
      %swap3A_490 = arith.constant 480 : index
      %swap3A_491 = tpu.vector_load %arg6[%swap3A_489, %swap3A_490] {strides = array<i32>} : memref<32x768xf32, #tpu.memory_space<vmem>>, vector<1x16xf32>,
      %swap3A_492 = vector.shape_cast %swap3A_491 : vector<1x16xf32> to vector<16xf32>
      %swap3A_493 = vector.shape_cast %add3A_488 : vector<16xf32> to vector<1x16xf32>
      tpu.vector_store %arg6[%swap3A_489, %swap3A_490], %swap3A_493 {strides = array<i32>} : memref<32x768xf32, #tpu.memory_space<vmem>>, vector<1x16xf32>,
      %get3A_494 = arith.index_cast %scan3A_60 : i32 to index
      %get3A_495 = arith.constant 496 : index
      %get3A_496 = tpu.vector_load %arg6[%get3A_494, %get3A_495] {strides = array<i32>} : memref<32x768xf32, #tpu.memory_space<vmem>>, vector<1x16xf32>,
      %get3A_497 = vector.shape_cast %get3A_496 : vector<1x16xf32> to vector<16xf32>
      %get3A_498 = arith.index_cast %scan3A_60 : i32 to index
      %get3A_499 = arith.constant 496 : index
      %get3A_500 = tpu.vector_load %arg7[%get3A_498, %get3A_499] {strides = array<i32>} : memref<32x768xf32, #tpu.memory_space<vmem>>, vector<1x16xf32>,
      %get3A_501 = vector.shape_cast %get3A_500 : vector<1x16xf32> to vector<16xf32>
      %add3A_502 = arith.addf %get3A_497, %get3A_501 : vector<16xf32>
      %swap3A_503 = arith.index_cast %scan3A_60 : i32 to index
      %swap3A_504 = arith.constant 496 : index
      %swap3A_505 = tpu.vector_load %arg6[%swap3A_503, %swap3A_504] {strides = array<i32>} : memref<32x768xf32, #tpu.memory_space<vmem>>, vector<1x16xf32>,
      %swap3A_506 = vector.shape_cast %swap3A_505 : vector<1x16xf32> to vector<16xf32>
      %swap3A_507 = vector.shape_cast %add3A_502 : vector<16xf32> to vector<1x16xf32>
      tpu.vector_store %arg6[%swap3A_503, %swap3A_504], %swap3A_507 {strides = array<i32>} : memref<32x768xf32, #tpu.memory_space<vmem>>, vector<1x16xf32>,
      %get3A_508 = arith.index_cast %scan3A_60 : i32 to index
      %get3A_509 = arith.constant 512 : index
      %get3A_510 = tpu.vector_load %arg6[%get3A_508, %get3A_509] {strides = array<i32>} : memref<32x768xf32, #tpu.memory_space<vmem>>, vector<1x16xf32>,
      %get3A_511 = vector.shape_cast %get3A_510 : vector<1x16xf32> to vector<16xf32>
      %get3A_512 = arith.index_cast %scan3A_60 : i32 to index
      %get3A_513 = arith.constant 512 : index
      %get3A_514 = tpu.vector_load %arg7[%get3A_512, %get3A_513] {strides = array<i32>} : memref<32x768xf32, #tpu.memory_space<vmem>>, vector<1x16xf32>,
      %get3A_515 = vector.shape_cast %get3A_514 : vector<1x16xf32> to vector<16xf32>
      %add3A_516 = arith.addf %get3A_511, %get3A_515 : vector<16xf32>
      %swap3A_517 = arith.index_cast %scan3A_60 : i32 to index
      %swap3A_518 = arith.constant 512 : index
      %swap3A_519 = tpu.vector_load %arg6[%swap3A_517, %swap3A_518] {strides = array<i32>} : memref<32x768xf32, #tpu.memory_space<vmem>>, vector<1x16xf32>,
      %swap3A_520 = vector.shape_cast %swap3A_519 : vector<1x16xf32> to vector<16xf32>
      %swap3A_521 = vector.shape_cast %add3A_516 : vector<16xf32> to vector<1x16xf32>
      tpu.vector_store %arg6[%swap3A_517, %swap3A_518], %swap3A_521 {strides = array<i32>} : memref<32x768xf32, #tpu.memory_space<vmem>>, vector<1x16xf32>,
      %get3A_522 = arith.index_cast %scan3A_60 : i32 to index
      %get3A_523 = arith.constant 528 : index
      %get3A_524 = tpu.vector_load %arg6[%get3A_522, %get3A_523] {strides = array<i32>} : memref<32x768xf32, #tpu.memory_space<vmem>>, vector<1x16xf32>,
      %get3A_525 = vector.shape_cast %get3A_524 : vector<1x16xf32> to vector<16xf32>
      %get3A_526 = arith.index_cast %scan3A_60 : i32 to index
      %get3A_527 = arith.constant 528 : index
      %get3A_528 = tpu.vector_load %arg7[%get3A_526, %get3A_527] {strides = array<i32>} : memref<32x768xf32, #tpu.memory_space<vmem>>, vector<1x16xf32>,
      %get3A_529 = vector.shape_cast %get3A_528 : vector<1x16xf32> to vector<16xf32>
      %add3A_530 = arith.addf %get3A_525, %get3A_529 : vector<16xf32>
      %swap3A_531 = arith.index_cast %scan3A_60 : i32 to index
      %swap3A_532 = arith.constant 528 : index
      %swap3A_533 = tpu.vector_load %arg6[%swap3A_531, %swap3A_532] {strides = array<i32>} : memref<32x768xf32, #tpu.memory_space<vmem>>, vector<1x16xf32>,
      %swap3A_534 = vector.shape_cast %swap3A_533 : vector<1x16xf32> to vector<16xf32>
      %swap3A_535 = vector.shape_cast %add3A_530 : vector<16xf32> to vector<1x16xf32>
      tpu.vector_store %arg6[%swap3A_531, %swap3A_532], %swap3A_535 {strides = array<i32>} : memref<32x768xf32, #tpu.memory_space<vmem>>, vector<1x16xf32>,
      %get3A_536 = arith.index_cast %scan3A_60 : i32 to index
      %get3A_537 = arith.constant 544 : index
      %get3A_538 = tpu.vector_load %arg6[%get3A_536, %get3A_537] {strides = array<i32>} : memref<32x768xf32, #tpu.memory_space<vmem>>, vector<1x16xf32>,
      %get3A_539 = vector.shape_cast %get3A_538 : vector<1x16xf32> to vector<16xf32>
      %get3A_540 = arith.index_cast %scan3A_60 : i32 to index
      %get3A_541 = arith.constant 544 : index
      %get3A_542 = tpu.vector_load %arg7[%get3A_540, %get3A_541] {strides = array<i32>} : memref<32x768xf32, #tpu.memory_space<vmem>>, vector<1x16xf32>,
      %get3A_543 = vector.shape_cast %get3A_542 : vector<1x16xf32> to vector<16xf32>
      %add3A_544 = arith.addf %get3A_539, %get3A_543 : vector<16xf32>
      %swap3A_545 = arith.index_cast %scan3A_60 : i32 to index
      %swap3A_546 = arith.constant 544 : index
      %swap3A_547 = tpu.vector_load %arg6[%swap3A_545, %swap3A_546] {strides = array<i32>} : memref<32x768xf32, #tpu.memory_space<vmem>>, vector<1x16xf32>,
      %swap3A_548 = vector.shape_cast %swap3A_547 : vector<1x16xf32> to vector<16xf32>
      %swap3A_549 = vector.shape_cast %add3A_544 : vector<16xf32> to vector<1x16xf32>
      tpu.vector_store %arg6[%swap3A_545, %swap3A_546], %swap3A_549 {strides = array<i32>} : memref<32x768xf32, #tpu.memory_space<vmem>>, vector<1x16xf32>,
      %get3A_550 = arith.index_cast %scan3A_60 : i32 to index
      %get3A_551 = arith.constant 560 : index
      %get3A_552 = tpu.vector_load %arg6[%get3A_550, %get3A_551] {strides = array<i32>} : memref<32x768xf32, #tpu.memory_space<vmem>>, vector<1x16xf32>,
      %get3A_553 = vector.shape_cast %get3A_552 : vector<1x16xf32> to vector<16xf32>
      %get3A_554 = arith.index_cast %scan3A_60 : i32 to index
      %get3A_555 = arith.constant 560 : index
      %get3A_556 = tpu.vector_load %arg7[%get3A_554, %get3A_555] {strides = array<i32>} : memref<32x768xf32, #tpu.memory_space<vmem>>, vector<1x16xf32>,
      %get3A_557 = vector.shape_cast %get3A_556 : vector<1x16xf32> to vector<16xf32>
      %add3A_558 = arith.addf %get3A_553, %get3A_557 : vector<16xf32>
      %swap3A_559 = arith.index_cast %scan3A_60 : i32 to index
      %swap3A_560 = arith.constant 560 : index
      %swap3A_561 = tpu.vector_load %arg6[%swap3A_559, %swap3A_560] {strides = array<i32>} : memref<32x768xf32, #tpu.memory_space<vmem>>, vector<1x16xf32>,
      %swap3A_562 = vector.shape_cast %swap3A_561 : vector<1x16xf32> to vector<16xf32>
      %swap3A_563 = vector.shape_cast %add3A_558 : vector<16xf32> to vector<1x16xf32>
      tpu.vector_store %arg6[%swap3A_559, %swap3A_560], %swap3A_563 {strides = array<i32>} : memref<32x768xf32, #tpu.memory_space<vmem>>, vector<1x16xf32>,
      %get3A_564 = arith.index_cast %scan3A_60 : i32 to index
      %get3A_565 = arith.constant 576 : index
      %get3A_566 = tpu.vector_load %arg6[%get3A_564, %get3A_565] {strides = array<i32>} : memref<32x768xf32, #tpu.memory_space<vmem>>, vector<1x16xf32>,
      %get3A_567 = vector.shape_cast %get3A_566 : vector<1x16xf32> to vector<16xf32>
      %get3A_568 = arith.index_cast %scan3A_60 : i32 to index
      %get3A_569 = arith.constant 576 : index
      %get3A_570 = tpu.vector_load %arg7[%get3A_568, %get3A_569] {strides = array<i32>} : memref<32x768xf32, #tpu.memory_space<vmem>>, vector<1x16xf32>,
      %get3A_571 = vector.shape_cast %get3A_570 : vector<1x16xf32> to vector<16xf32>
      %add3A_572 = arith.addf %get3A_567, %get3A_571 : vector<16xf32>
      %swap3A_573 = arith.index_cast %scan3A_60 : i32 to index
      %swap3A_574 = arith.constant 576 : index
      %swap3A_575 = tpu.vector_load %arg6[%swap3A_573, %swap3A_574] {strides = array<i32>} : memref<32x768xf32, #tpu.memory_space<vmem>>, vector<1x16xf32>,
      %swap3A_576 = vector.shape_cast %swap3A_575 : vector<1x16xf32> to vector<16xf32>
      %swap3A_577 = vector.shape_cast %add3A_572 : vector<16xf32> to vector<1x16xf32>
      tpu.vector_store %arg6[%swap3A_573, %swap3A_574], %swap3A_577 {strides = array<i32>} : memref<32x768xf32, #tpu.memory_space<vmem>>, vector<1x16xf32>,
      %get3A_578 = arith.index_cast %scan3A_60 : i32 to index
      %get3A_579 = arith.constant 592 : index
      %get3A_580 = tpu.vector_load %arg6[%get3A_578, %get3A_579] {strides = array<i32>} : memref<32x768xf32, #tpu.memory_space<vmem>>, vector<1x16xf32>,
      %get3A_581 = vector.shape_cast %get3A_580 : vector<1x16xf32> to vector<16xf32>
      %get3A_582 = arith.index_cast %scan3A_60 : i32 to index
      %get3A_583 = arith.constant 592 : index
      %get3A_584 = tpu.vector_load %arg7[%get3A_582, %get3A_583] {strides = array<i32>} : memref<32x768xf32, #tpu.memory_space<vmem>>, vector<1x16xf32>,
      %get3A_585 = vector.shape_cast %get3A_584 : vector<1x16xf32> to vector<16xf32>
      %add3A_586 = arith.addf %get3A_581, %get3A_585 : vector<16xf32>
      %swap3A_587 = arith.index_cast %scan3A_60 : i32 to index
      %swap3A_588 = arith.constant 592 : index
      %swap3A_589 = tpu.vector_load %arg6[%swap3A_587, %swap3A_588] {strides = array<i32>} : memref<32x768xf32, #tpu.memory_space<vmem>>, vector<1x16xf32>,
      %swap3A_590 = vector.shape_cast %swap3A_589 : vector<1x16xf32> to vector<16xf32>
      %swap3A_591 = vector.shape_cast %add3A_586 : vector<16xf32> to vector<1x16xf32>
      tpu.vector_store %arg6[%swap3A_587, %swap3A_588], %swap3A_591 {strides = array<i32>} : memref<32x768xf32, #tpu.memory_space<vmem>>, vector<1x16xf32>,
      %get3A_592 = arith.index_cast %scan3A_60 : i32 to index
      %get3A_593 = arith.constant 608 : index
      %get3A_594 = tpu.vector_load %arg6[%get3A_592, %get3A_593] {strides = array<i32>} : memref<32x768xf32, #tpu.memory_space<vmem>>, vector<1x16xf32>,
      %get3A_595 = vector.shape_cast %get3A_594 : vector<1x16xf32> to vector<16xf32>
      %get3A_596 = arith.index_cast %scan3A_60 : i32 to index
      %get3A_597 = arith.constant 608 : index
      %get3A_598 = tpu.vector_load %arg7[%get3A_596, %get3A_597] {strides = array<i32>} : memref<32x768xf32, #tpu.memory_space<vmem>>, vector<1x16xf32>,
      %get3A_599 = vector.shape_cast %get3A_598 : vector<1x16xf32> to vector<16xf32>
      %add3A_600 = arith.addf %get3A_595, %get3A_599 : vector<16xf32>
      %swap3A_601 = arith.index_cast %scan3A_60 : i32 to index
      %swap3A_602 = arith.constant 608 : index
      %swap3A_603 = tpu.vector_load %arg6[%swap3A_601, %swap3A_602] {strides = array<i32>} : memref<32x768xf32, #tpu.memory_space<vmem>>, vector<1x16xf32>,
      %swap3A_604 = vector.shape_cast %swap3A_603 : vector<1x16xf32> to vector<16xf32>
      %swap3A_605 = vector.shape_cast %add3A_600 : vector<16xf32> to vector<1x16xf32>
      tpu.vector_store %arg6[%swap3A_601, %swap3A_602], %swap3A_605 {strides = array<i32>} : memref<32x768xf32, #tpu.memory_space<vmem>>, vector<1x16xf32>,
      %get3A_606 = arith.index_cast %scan3A_60 : i32 to index
      %get3A_607 = arith.constant 624 : index
      %get3A_608 = tpu.vector_load %arg6[%get3A_606, %get3A_607] {strides = array<i32>} : memref<32x768xf32, #tpu.memory_space<vmem>>, vector<1x16xf32>,
      %get3A_609 = vector.shape_cast %get3A_608 : vector<1x16xf32> to vector<16xf32>
      %get3A_610 = arith.index_cast %scan3A_60 : i32 to index
      %get3A_611 = arith.constant 624 : index
      %get3A_612 = tpu.vector_load %arg7[%get3A_610, %get3A_611] {strides = array<i32>} : memref<32x768xf32, #tpu.memory_space<vmem>>, vector<1x16xf32>,
      %get3A_613 = vector.shape_cast %get3A_612 : vector<1x16xf32> to vector<16xf32>
      %add3A_614 = arith.addf %get3A_609, %get3A_613 : vector<16xf32>
      %swap3A_615 = arith.index_cast %scan3A_60 : i32 to index
      %swap3A_616 = arith.constant 624 : index
      %swap3A_617 = tpu.vector_load %arg6[%swap3A_615, %swap3A_616] {strides = array<i32>} : memref<32x768xf32, #tpu.memory_space<vmem>>, vector<1x16xf32>,
      %swap3A_618 = vector.shape_cast %swap3A_617 : vector<1x16xf32> to vector<16xf32>
      %swap3A_619 = vector.shape_cast %add3A_614 : vector<16xf32> to vector<1x16xf32>
      tpu.vector_store %arg6[%swap3A_615, %swap3A_616], %swap3A_619 {strides = array<i32>} : memref<32x768xf32, #tpu.memory_space<vmem>>, vector<1x16xf32>,
      %get3A_620 = arith.index_cast %scan3A_60 : i32 to index
      %get3A_621 = arith.constant 640 : index
      %get3A_622 = tpu.vector_load %arg6[%get3A_620, %get3A_621] {strides = array<i32>} : memref<32x768xf32, #tpu.memory_space<vmem>>, vector<1x16xf32>,
      %get3A_623 = vector.shape_cast %get3A_622 : vector<1x16xf32> to vector<16xf32>
      %get3A_624 = arith.index_cast %scan3A_60 : i32 to index
      %get3A_625 = arith.constant 640 : index
      %get3A_626 = tpu.vector_load %arg7[%get3A_624, %get3A_625] {strides = array<i32>} : memref<32x768xf32, #tpu.memory_space<vmem>>, vector<1x16xf32>,
      %get3A_627 = vector.shape_cast %get3A_626 : vector<1x16xf32> to vector<16xf32>
      %add3A_628 = arith.addf %get3A_623, %get3A_627 : vector<16xf32>
      %swap3A_629 = arith.index_cast %scan3A_60 : i32 to index
      %swap3A_630 = arith.constant 640 : index
      %swap3A_631 = tpu.vector_load %arg6[%swap3A_629, %swap3A_630] {strides = array<i32>} : memref<32x768xf32, #tpu.memory_space<vmem>>, vector<1x16xf32>,
      %swap3A_632 = vector.shape_cast %swap3A_631 : vector<1x16xf32> to vector<16xf32>
      %swap3A_633 = vector.shape_cast %add3A_628 : vector<16xf32> to vector<1x16xf32>
      tpu.vector_store %arg6[%swap3A_629, %swap3A_630], %swap3A_633 {strides = array<i32>} : memref<32x768xf32, #tpu.memory_space<vmem>>, vector<1x16xf32>,
      %get3A_634 = arith.index_cast %scan3A_60 : i32 to index
      %get3A_635 = arith.constant 656 : index
      %get3A_636 = tpu.vector_load %arg6[%get3A_634, %get3A_635] {strides = array<i32>} : memref<32x768xf32, #tpu.memory_space<vmem>>, vector<1x16xf32>,
      %get3A_637 = vector.shape_cast %get3A_636 : vector<1x16xf32> to vector<16xf32>
      %get3A_638 = arith.index_cast %scan3A_60 : i32 to index
      %get3A_639 = arith.constant 656 : index
      %get3A_640 = tpu.vector_load %arg7[%get3A_638, %get3A_639] {strides = array<i32>} : memref<32x768xf32, #tpu.memory_space<vmem>>, vector<1x16xf32>,
      %get3A_641 = vector.shape_cast %get3A_640 : vector<1x16xf32> to vector<16xf32>
      %add3A_642 = arith.addf %get3A_637, %get3A_641 : vector<16xf32>
      %swap3A_643 = arith.index_cast %scan3A_60 : i32 to index
      %swap3A_644 = arith.constant 656 : index
      %swap3A_645 = tpu.vector_load %arg6[%swap3A_643, %swap3A_644] {strides = array<i32>} : memref<32x768xf32, #tpu.memory_space<vmem>>, vector<1x16xf32>,
      %swap3A_646 = vector.shape_cast %swap3A_645 : vector<1x16xf32> to vector<16xf32>
      %swap3A_647 = vector.shape_cast %add3A_642 : vector<16xf32> to vector<1x16xf32>
      tpu.vector_store %arg6[%swap3A_643, %swap3A_644], %swap3A_647 {strides = array<i32>} : memref<32x768xf32, #tpu.memory_space<vmem>>, vector<1x16xf32>,
      %get3A_648 = arith.index_cast %scan3A_60 : i32 to index
      %get3A_649 = arith.constant 672 : index
      %get3A_650 = tpu.vector_load %arg6[%get3A_648, %get3A_649] {strides = array<i32>} : memref<32x768xf32, #tpu.memory_space<vmem>>, vector<1x16xf32>,
      %get3A_651 = vector.shape_cast %get3A_650 : vector<1x16xf32> to vector<16xf32>
      %get3A_652 = arith.index_cast %scan3A_60 : i32 to index
      %get3A_653 = arith.constant 672 : index
      %get3A_654 = tpu.vector_load %arg7[%get3A_652, %get3A_653] {strides = array<i32>} : memref<32x768xf32, #tpu.memory_space<vmem>>, vector<1x16xf32>,
      %get3A_655 = vector.shape_cast %get3A_654 : vector<1x16xf32> to vector<16xf32>
      %add3A_656 = arith.addf %get3A_651, %get3A_655 : vector<16xf32>
      %swap3A_657 = arith.index_cast %scan3A_60 : i32 to index
      %swap3A_658 = arith.constant 672 : index
      %swap3A_659 = tpu.vector_load %arg6[%swap3A_657, %swap3A_658] {strides = array<i32>} : memref<32x768xf32, #tpu.memory_space<vmem>>, vector<1x16xf32>,
      %swap3A_660 = vector.shape_cast %swap3A_659 : vector<1x16xf32> to vector<16xf32>
      %swap3A_661 = vector.shape_cast %add3A_656 : vector<16xf32> to vector<1x16xf32>
      tpu.vector_store %arg6[%swap3A_657, %swap3A_658], %swap3A_661 {strides = array<i32>} : memref<32x768xf32, #tpu.memory_space<vmem>>, vector<1x16xf32>,
      %get3A_662 = arith.index_cast %scan3A_60 : i32 to index
      %get3A_663 = arith.constant 688 : index
      %get3A_664 = tpu.vector_load %arg6[%get3A_662, %get3A_663] {strides = array<i32>} : memref<32x768xf32, #tpu.memory_space<vmem>>, vector<1x16xf32>,
      %get3A_665 = vector.shape_cast %get3A_664 : vector<1x16xf32> to vector<16xf32>
      %get3A_666 = arith.index_cast %scan3A_60 : i32 to index
      %get3A_667 = arith.constant 688 : index
      %get3A_668 = tpu.vector_load %arg7[%get3A_666, %get3A_667] {strides = array<i32>} : memref<32x768xf32, #tpu.memory_space<vmem>>, vector<1x16xf32>,
      %get3A_669 = vector.shape_cast %get3A_668 : vector<1x16xf32> to vector<16xf32>
      %add3A_670 = arith.addf %get3A_665, %get3A_669 : vector<16xf32>
      %swap3A_671 = arith.index_cast %scan3A_60 : i32 to index
      %swap3A_672 = arith.constant 688 : index
      %swap3A_673 = tpu.vector_load %arg6[%swap3A_671, %swap3A_672] {strides = array<i32>} : memref<32x768xf32, #tpu.memory_space<vmem>>, vector<1x16xf32>,
      %swap3A_674 = vector.shape_cast %swap3A_673 : vector<1x16xf32> to vector<16xf32>
      %swap3A_675 = vector.shape_cast %add3A_670 : vector<16xf32> to vector<1x16xf32>
      tpu.vector_store %arg6[%swap3A_671, %swap3A_672], %swap3A_675 {strides = array<i32>} : memref<32x768xf32, #tpu.memory_space<vmem>>, vector<1x16xf32>,
      %get3A_676 = arith.index_cast %scan3A_60 : i32 to index
      %get3A_677 = arith.constant 704 : index
      %get3A_678 = tpu.vector_load %arg6[%get3A_676, %get3A_677] {strides = array<i32>} : memref<32x768xf32, #tpu.memory_space<vmem>>, vector<1x16xf32>,
      %get3A_679 = vector.shape_cast %get3A_678 : vector<1x16xf32> to vector<16xf32>
      %get3A_680 = arith.index_cast %scan3A_60 : i32 to index
      %get3A_681 = arith.constant 704 : index
      %get3A_682 = tpu.vector_load %arg7[%get3A_680, %get3A_681] {strides = array<i32>} : memref<32x768xf32, #tpu.memory_space<vmem>>, vector<1x16xf32>,
      %get3A_683 = vector.shape_cast %get3A_682 : vector<1x16xf32> to vector<16xf32>
      %add3A_684 = arith.addf %get3A_679, %get3A_683 : vector<16xf32>
      %swap3A_685 = arith.index_cast %scan3A_60 : i32 to index
      %swap3A_686 = arith.constant 704 : index
      %swap3A_687 = tpu.vector_load %arg6[%swap3A_685, %swap3A_686] {strides = array<i32>} : memref<32x768xf32, #tpu.memory_space<vmem>>, vector<1x16xf32>,
      %swap3A_688 = vector.shape_cast %swap3A_687 : vector<1x16xf32> to vector<16xf32>
      %swap3A_689 = vector.shape_cast %add3A_684 : vector<16xf32> to vector<1x16xf32>
      tpu.vector_store %arg6[%swap3A_685, %swap3A_686], %swap3A_689 {strides = array<i32>} : memref<32x768xf32, #tpu.memory_space<vmem>>, vector<1x16xf32>,
      %get3A_690 = arith.index_cast %scan3A_60 : i32 to index
      %get3A_691 = arith.constant 720 : index
      %get3A_692 = tpu.vector_load %arg6[%get3A_690, %get3A_691] {strides = array<i32>} : memref<32x768xf32, #tpu.memory_space<vmem>>, vector<1x16xf32>,
      %get3A_693 = vector.shape_cast %get3A_692 : vector<1x16xf32> to vector<16xf32>
      %get3A_694 = arith.index_cast %scan3A_60 : i32 to index
      %get3A_695 = arith.constant 720 : index
      %get3A_696 = tpu.vector_load %arg7[%get3A_694, %get3A_695] {strides = array<i32>} : memref<32x768xf32, #tpu.memory_space<vmem>>, vector<1x16xf32>,
      %get3A_697 = vector.shape_cast %get3A_696 : vector<1x16xf32> to vector<16xf32>
      %add3A_698 = arith.addf %get3A_693, %get3A_697 : vector<16xf32>
      %swap3A_699 = arith.index_cast %scan3A_60 : i32 to index
      %swap3A_700 = arith.constant 720 : index
      %swap3A_701 = tpu.vector_load %arg6[%swap3A_699, %swap3A_700] {strides = array<i32>} : memref<32x768xf32, #tpu.memory_space<vmem>>, vector<1x16xf32>,
      %swap3A_702 = vector.shape_cast %swap3A_701 : vector<1x16xf32> to vector<16xf32>
      %swap3A_703 = vector.shape_cast %add3A_698 : vector<16xf32> to vector<1x16xf32>
      tpu.vector_store %arg6[%swap3A_699, %swap3A_700], %swap3A_703 {strides = array<i32>} : memref<32x768xf32, #tpu.memory_space<vmem>>, vector<1x16xf32>,
      %get3A_704 = arith.index_cast %scan3A_60 : i32 to index
      %get3A_705 = arith.constant 736 : index
      %get3A_706 = tpu.vector_load %arg6[%get3A_704, %get3A_705] {strides = array<i32>} : memref<32x768xf32, #tpu.memory_space<vmem>>, vector<1x16xf32>,
      %get3A_707 = vector.shape_cast %get3A_706 : vector<1x16xf32> to vector<16xf32>
      %get3A_708 = arith.index_cast %scan3A_60 : i32 to index
      %get3A_709 = arith.constant 736 : index
      %get3A_710 = tpu.vector_load %arg7[%get3A_708, %get3A_709] {strides = array<i32>} : memref<32x768xf32, #tpu.memory_space<vmem>>, vector<1x16xf32>,
      %get3A_711 = vector.shape_cast %get3A_710 : vector<1x16xf32> to vector<16xf32>
      %add3A_712 = arith.addf %get3A_707, %get3A_711 : vector<16xf32>
      %swap3A_713 = arith.index_cast %scan3A_60 : i32 to index
      %swap3A_714 = arith.constant 736 : index
      %swap3A_715 = tpu.vector_load %arg6[%swap3A_713, %swap3A_714] {strides = array<i32>} : memref<32x768xf32, #tpu.memory_space<vmem>>, vector<1x16xf32>,
      %swap3A_716 = vector.shape_cast %swap3A_715 : vector<1x16xf32> to vector<16xf32>
      %swap3A_717 = vector.shape_cast %add3A_712 : vector<16xf32> to vector<1x16xf32>
      tpu.vector_store %arg6[%swap3A_713, %swap3A_714], %swap3A_717 {strides = array<i32>} : memref<32x768xf32, #tpu.memory_space<vmem>>, vector<1x16xf32>,
      %get3A_718 = arith.index_cast %scan3A_60 : i32 to index
      %get3A_719 = arith.constant 752 : index
      %get3A_720 = tpu.vector_load %arg6[%get3A_718, %get3A_719] {strides = array<i32>} : memref<32x768xf32, #tpu.memory_space<vmem>>, vector<1x16xf32>,
      %get3A_721 = vector.shape_cast %get3A_720 : vector<1x16xf32> to vector<16xf32>
      %get3A_722 = arith.index_cast %scan3A_60 : i32 to index
      %get3A_723 = arith.constant 752 : index
      %get3A_724 = tpu.vector_load %arg7[%get3A_722, %get3A_723] {strides = array<i32>} : memref<32x768xf32, #tpu.memory_space<vmem>>, vector<1x16xf32>,
      %get3A_725 = vector.shape_cast %get3A_724 : vector<1x16xf32> to vector<16xf32>
      %add3A_726 = arith.addf %get3A_721, %get3A_725 : vector<16xf32>
      %swap3A_727 = arith.index_cast %scan3A_60 : i32 to index
      %swap3A_728 = arith.constant 752 : index
      %swap3A_729 = tpu.vector_load %arg6[%swap3A_727, %swap3A_728] {strides = array<i32>} : memref<32x768xf32, #tpu.memory_space<vmem>>, vector<1x16xf32>,
      %swap3A_730 = vector.shape_cast %swap3A_729 : vector<1x16xf32> to vector<16xf32>
      %swap3A_731 = vector.shape_cast %add3A_726 : vector<16xf32> to vector<1x16xf32>
      tpu.vector_store %arg6[%swap3A_727, %swap3A_728], %swap3A_731 {strides = array<i32>} : memref<32x768xf32, #tpu.memory_space<vmem>>, vector<1x16xf32>,
      %scan3A_732 = arith.constant 0 : i32
      scf.yield %scan3A_732 : i32
    }
    %scan3A_28 = arith.constant 32 : i32
    %dma_start3A_29 = arith.constant 0 : i32
    %dma_start3A_30 = tpu.memref_slice %arg5[%mul3A_2, %dma_start3A_29] : memref<2048x768xf32, #tpu.memory_space<hbm>> -> memref<32x768xf32, #tpu.memory_space<hbm>>
    %dma_start3A_31 = arith.constant 0 : i32
    %dma_start3A_32 = tpu.memref_slice %arg5[%mul3A_2, %dma_start3A_31] : memref<2048x768xf32, #tpu.memory_space<hbm>> -> memref<32x768xf32, #tpu.memory_space<hbm>>
    tpu.enqueue_dma source(%arg6 : memref<32x768xf32, #tpu.memory_space<vmem>>) target(%dma_start3A_32 : memref<32x768xf32, #tpu.memory_space<hbm>>) target_semaphore(%arg16 : memref<!tpu.dma_semaphore, #tpu.memory_space<semaphore_mem>>)
    %dma_wait3A_33 = arith.constant 0 : i32
    %dma_wait3A_34 = arith.constant 0 : i32
    %dma_wait3A_35 = tpu.memref_slice %arg2[%dma_wait3A_33, %dma_wait3A_34] : memref<12160x768xf32, #tpu.memory_space<hbm>> -> memref<12160x768xf32, #tpu.memory_space<hbm>>
    tpu.wait_indirect_dma semaphore(%arg15 : memref<!tpu.dma_semaphore, #tpu.memory_space<semaphore_mem>>) src(%dma_wait3A_35 : memref<12160x768xf32, #tpu.memory_space<hbm>>) dst(%arg8 : memref<32x768xf32, #tpu.memory_space<vmem>>)
    %dma_wait3A_36 = arith.constant 0 : i32
    %dma_wait3A_37 = arith.constant 0 : i32
    %dma_wait3A_38 = tpu.memref_slice %arg2[%dma_wait3A_36, %dma_wait3A_37] : memref<12160x768xf32, #tpu.memory_space<hbm>> -> memref<12160x768xf32, #tpu.memory_space<hbm>>
    tpu.wait_indirect_dma semaphore(%arg15 : memref<!tpu.dma_semaphore, #tpu.memory_space<semaphore_mem>>) src(%dma_wait3A_38 : memref<12160x768xf32, #tpu.memory_space<hbm>>) dst(%arg9 : memref<32x768xf32, #tpu.memory_space<vmem>>)
    %scan3A_39 = arith.constant 0 : i32
    %scan3A_40 = arith.constant 0 : i32
    %scan3A_41 = arith.constant 32 : i32
    %scan3A_42 = arith.addi %scan3A_40, %scan3A_41 : i32
    %scan3A_43 = arith.constant 1 : i32
    %scan3A_44 = scf.for %scan3A_60 = %scan3A_40 to %scan3A_42 step %scan3A_43 iter_args(%scan3A_61 = %scan3A_39) -> (i32)  : i32 {
      %get3A = arith.index_cast %scan3A_60 : i32 to index
      %get3A_62 = arith.constant 0 : index
      %get3A_63 = tpu.vector_load %arg8[%get3A, %get3A_62] {strides = array<i32>} : memref<32x768xf32, #tpu.memory_space<vmem>>, vector<1x16xf32>,
      %get3A_64 = vector.shape_cast %get3A_63 : vector<1x16xf32> to vector<16xf32>
      %get3A_65 = arith.index_cast %scan3A_60 : i32 to index
      %get3A_66 = arith.constant 0 : index
      %get3A_67 = tpu.vector_load %arg9[%get3A_65, %get3A_66] {strides = array<i32>} : memref<32x768xf32, #tpu.memory_space<vmem>>, vector<1x16xf32>,
      %get3A_68 = vector.shape_cast %get3A_67 : vector<1x16xf32> to vector<16xf32>
      %add3A_69 = arith.addf %get3A_64, %get3A_68 : vector<16xf32>
      %swap3A = arith.index_cast %scan3A_60 : i32 to index
      %swap3A_70 = arith.constant 0 : index
      %swap3A_71 = tpu.vector_load %arg8[%swap3A, %swap3A_70] {strides = array<i32>} : memref<32x768xf32, #tpu.memory_space<vmem>>, vector<1x16xf32>,
      %swap3A_72 = vector.shape_cast %swap3A_71 : vector<1x16xf32> to vector<16xf32>
      %swap3A_73 = vector.shape_cast %add3A_69 : vector<16xf32> to vector<1x16xf32>
      tpu.vector_store %arg8[%swap3A, %swap3A_70], %swap3A_73 {strides = array<i32>} : memref<32x768xf32, #tpu.memory_space<vmem>>, vector<1x16xf32>,
      %get3A_74 = arith.index_cast %scan3A_60 : i32 to index
      %get3A_75 = arith.constant 16 : index
      %get3A_76 = tpu.vector_load %arg8[%get3A_74, %get3A_75] {strides = array<i32>} : memref<32x768xf32, #tpu.memory_space<vmem>>, vector<1x16xf32>,
      %get3A_77 = vector.shape_cast %get3A_76 : vector<1x16xf32> to vector<16xf32>
      %get3A_78 = arith.index_cast %scan3A_60 : i32 to index
      %get3A_79 = arith.constant 16 : index
      %get3A_80 = tpu.vector_load %arg9[%get3A_78, %get3A_79] {strides = array<i32>} : memref<32x768xf32, #tpu.memory_space<vmem>>, vector<1x16xf32>,
      %get3A_81 = vector.shape_cast %get3A_80 : vector<1x16xf32> to vector<16xf32>
      %add3A_82 = arith.addf %get3A_77, %get3A_81 : vector<16xf32>
      %swap3A_83 = arith.index_cast %scan3A_60 : i32 to index
      %swap3A_84 = arith.constant 16 : index
      %swap3A_85 = tpu.vector_load %arg8[%swap3A_83, %swap3A_84] {strides = array<i32>} : memref<32x768xf32, #tpu.memory_space<vmem>>, vector<1x16xf32>,
      %swap3A_86 = vector.shape_cast %swap3A_85 : vector<1x16xf32> to vector<16xf32>
      %swap3A_87 = vector.shape_cast %add3A_82 : vector<16xf32> to vector<1x16xf32>
      tpu.vector_store %arg8[%swap3A_83, %swap3A_84], %swap3A_87 {strides = array<i32>} : memref<32x768xf32, #tpu.memory_space<vmem>>, vector<1x16xf32>,
      %get3A_88 = arith.index_cast %scan3A_60 : i32 to index
      %get3A_89 = arith.constant 32 : index
      %get3A_90 = tpu.vector_load %arg8[%get3A_88, %get3A_89] {strides = array<i32>} : memref<32x768xf32, #tpu.memory_space<vmem>>, vector<1x16xf32>,
      %get3A_91 = vector.shape_cast %get3A_90 : vector<1x16xf32> to vector<16xf32>
      %get3A_92 = arith.index_cast %scan3A_60 : i32 to index
      %get3A_93 = arith.constant 32 : index
      %get3A_94 = tpu.vector_load %arg9[%get3A_92, %get3A_93] {strides = array<i32>} : memref<32x768xf32, #tpu.memory_space<vmem>>, vector<1x16xf32>,
      %get3A_95 = vector.shape_cast %get3A_94 : vector<1x16xf32> to vector<16xf32>
      %add3A_96 = arith.addf %get3A_91, %get3A_95 : vector<16xf32>
      %swap3A_97 = arith.index_cast %scan3A_60 : i32 to index
      %swap3A_98 = arith.constant 32 : index
      %swap3A_99 = tpu.vector_load %arg8[%swap3A_97, %swap3A_98] {strides = array<i32>} : memref<32x768xf32, #tpu.memory_space<vmem>>, vector<1x16xf32>,
      %swap3A_100 = vector.shape_cast %swap3A_99 : vector<1x16xf32> to vector<16xf32>
      %swap3A_101 = vector.shape_cast %add3A_96 : vector<16xf32> to vector<1x16xf32>
      tpu.vector_store %arg8[%swap3A_97, %swap3A_98], %swap3A_101 {strides = array<i32>} : memref<32x768xf32, #tpu.memory_space<vmem>>, vector<1x16xf32>,
      %get3A_102 = arith.index_cast %scan3A_60 : i32 to index
      %get3A_103 = arith.constant 48 : index
      %get3A_104 = tpu.vector_load %arg8[%get3A_102, %get3A_103] {strides = array<i32>} : memref<32x768xf32, #tpu.memory_space<vmem>>, vector<1x16xf32>,
      %get3A_105 = vector.shape_cast %get3A_104 : vector<1x16xf32> to vector<16xf32>
      %get3A_106 = arith.index_cast %scan3A_60 : i32 to index
      %get3A_107 = arith.constant 48 : index
      %get3A_108 = tpu.vector_load %arg9[%get3A_106, %get3A_107] {strides = array<i32>} : memref<32x768xf32, #tpu.memory_space<vmem>>, vector<1x16xf32>,
      %get3A_109 = vector.shape_cast %get3A_108 : vector<1x16xf32> to vector<16xf32>
      %add3A_110 = arith.addf %get3A_105, %get3A_109 : vector<16xf32>
      %swap3A_111 = arith.index_cast %scan3A_60 : i32 to index
      %swap3A_112 = arith.constant 48 : index
      %swap3A_113 = tpu.vector_load %arg8[%swap3A_111, %swap3A_112] {strides = array<i32>} : memref<32x768xf32, #tpu.memory_space<vmem>>, vector<1x16xf32>,
      %swap3A_114 = vector.shape_cast %swap3A_113 : vector<1x16xf32> to vector<16xf32>
      %swap3A_115 = vector.shape_cast %add3A_110 : vector<16xf32> to vector<1x16xf32>
      tpu.vector_store %arg8[%swap3A_111, %swap3A_112], %swap3A_115 {strides = array<i32>} : memref<32x768xf32, #tpu.memory_space<vmem>>, vector<1x16xf32>,
      %get3A_116 = arith.index_cast %scan3A_60 : i32 to index
      %get3A_117 = arith.constant 64 : index
      %get3A_118 = tpu.vector_load %arg8[%get3A_116, %get3A_117] {strides = array<i32>} : memref<32x768xf32, #tpu.memory_space<vmem>>, vector<1x16xf32>,
      %get3A_119 = vector.shape_cast %get3A_118 : vector<1x16xf32> to vector<16xf32>
      %get3A_120 = arith.index_cast %scan3A_60 : i32 to index
      %get3A_121 = arith.constant 64 : index
      %get3A_122 = tpu.vector_load %arg9[%get3A_120, %get3A_121] {strides = array<i32>} : memref<32x768xf32, #tpu.memory_space<vmem>>, vector<1x16xf32>,
      %get3A_123 = vector.shape_cast %get3A_122 : vector<1x16xf32> to vector<16xf32>
      %add3A_124 = arith.addf %get3A_119, %get3A_123 : vector<16xf32>
      %swap3A_125 = arith.index_cast %scan3A_60 : i32 to index
      %swap3A_126 = arith.constant 64 : index
      %swap3A_127 = tpu.vector_load %arg8[%swap3A_125, %swap3A_126] {strides = array<i32>} : memref<32x768xf32, #tpu.memory_space<vmem>>, vector<1x16xf32>,
      %swap3A_128 = vector.shape_cast %swap3A_127 : vector<1x16xf32> to vector<16xf32>
      %swap3A_129 = vector.shape_cast %add3A_124 : vector<16xf32> to vector<1x16xf32>
      tpu.vector_store %arg8[%swap3A_125, %swap3A_126], %swap3A_129 {strides = array<i32>} : memref<32x768xf32, #tpu.memory_space<vmem>>, vector<1x16xf32>,
      %get3A_130 = arith.index_cast %scan3A_60 : i32 to index
      %get3A_131 = arith.constant 80 : index
      %get3A_132 = tpu.vector_load %arg8[%get3A_130, %get3A_131] {strides = array<i32>} : memref<32x768xf32, #tpu.memory_space<vmem>>, vector<1x16xf32>,
      %get3A_133 = vector.shape_cast %get3A_132 : vector<1x16xf32> to vector<16xf32>
      %get3A_134 = arith.index_cast %scan3A_60 : i32 to index
      %get3A_135 = arith.constant 80 : index
      %get3A_136 = tpu.vector_load %arg9[%get3A_134, %get3A_135] {strides = array<i32>} : memref<32x768xf32, #tpu.memory_space<vmem>>, vector<1x16xf32>,
      %get3A_137 = vector.shape_cast %get3A_136 : vector<1x16xf32> to vector<16xf32>
      %add3A_138 = arith.addf %get3A_133, %get3A_137 : vector<16xf32>
      %swap3A_139 = arith.index_cast %scan3A_60 : i32 to index
      %swap3A_140 = arith.constant 80 : index
      %swap3A_141 = tpu.vector_load %arg8[%swap3A_139, %swap3A_140] {strides = array<i32>} : memref<32x768xf32, #tpu.memory_space<vmem>>, vector<1x16xf32>,
      %swap3A_142 = vector.shape_cast %swap3A_141 : vector<1x16xf32> to vector<16xf32>
      %swap3A_143 = vector.shape_cast %add3A_138 : vector<16xf32> to vector<1x16xf32>
      tpu.vector_store %arg8[%swap3A_139, %swap3A_140], %swap3A_143 {strides = array<i32>} : memref<32x768xf32, #tpu.memory_space<vmem>>, vector<1x16xf32>,
      %get3A_144 = arith.index_cast %scan3A_60 : i32 to index
      %get3A_145 = arith.constant 96 : index
      %get3A_146 = tpu.vector_load %arg8[%get3A_144, %get3A_145] {strides = array<i32>} : memref<32x768xf32, #tpu.memory_space<vmem>>, vector<1x16xf32>,
      %get3A_147 = vector.shape_cast %get3A_146 : vector<1x16xf32> to vector<16xf32>
      %get3A_148 = arith.index_cast %scan3A_60 : i32 to index
      %get3A_149 = arith.constant 96 : index
      %get3A_150 = tpu.vector_load %arg9[%get3A_148, %get3A_149] {strides = array<i32>} : memref<32x768xf32, #tpu.memory_space<vmem>>, vector<1x16xf32>,
      %get3A_151 = vector.shape_cast %get3A_150 : vector<1x16xf32> to vector<16xf32>
      %add3A_152 = arith.addf %get3A_147, %get3A_151 : vector<16xf32>
      %swap3A_153 = arith.index_cast %scan3A_60 : i32 to index
      %swap3A_154 = arith.constant 96 : index
      %swap3A_155 = tpu.vector_load %arg8[%swap3A_153, %swap3A_154] {strides = array<i32>} : memref<32x768xf32, #tpu.memory_space<vmem>>, vector<1x16xf32>,
      %swap3A_156 = vector.shape_cast %swap3A_155 : vector<1x16xf32> to vector<16xf32>
      %swap3A_157 = vector.shape_cast %add3A_152 : vector<16xf32> to vector<1x16xf32>
      tpu.vector_store %arg8[%swap3A_153, %swap3A_154], %swap3A_157 {strides = array<i32>} : memref<32x768xf32, #tpu.memory_space<vmem>>, vector<1x16xf32>,
      %get3A_158 = arith.index_cast %scan3A_60 : i32 to index
      %get3A_159 = arith.constant 112 : index
      %get3A_160 = tpu.vector_load %arg8[%get3A_158, %get3A_159] {strides = array<i32>} : memref<32x768xf32, #tpu.memory_space<vmem>>, vector<1x16xf32>,
      %get3A_161 = vector.shape_cast %get3A_160 : vector<1x16xf32> to vector<16xf32>
      %get3A_162 = arith.index_cast %scan3A_60 : i32 to index
      %get3A_163 = arith.constant 112 : index
      %get3A_164 = tpu.vector_load %arg9[%get3A_162, %get3A_163] {strides = array<i32>} : memref<32x768xf32, #tpu.memory_space<vmem>>, vector<1x16xf32>,
      %get3A_165 = vector.shape_cast %get3A_164 : vector<1x16xf32> to vector<16xf32>
      %add3A_166 = arith.addf %get3A_161, %get3A_165 : vector<16xf32>
      %swap3A_167 = arith.index_cast %scan3A_60 : i32 to index
      %swap3A_168 = arith.constant 112 : index
      %swap3A_169 = tpu.vector_load %arg8[%swap3A_167, %swap3A_168] {strides = array<i32>} : memref<32x768xf32, #tpu.memory_space<vmem>>, vector<1x16xf32>,
      %swap3A_170 = vector.shape_cast %swap3A_169 : vector<1x16xf32> to vector<16xf32>
      %swap3A_171 = vector.shape_cast %add3A_166 : vector<16xf32> to vector<1x16xf32>
      tpu.vector_store %arg8[%swap3A_167, %swap3A_168], %swap3A_171 {strides = array<i32>} : memref<32x768xf32, #tpu.memory_space<vmem>>, vector<1x16xf32>,
      %get3A_172 = arith.index_cast %scan3A_60 : i32 to index
      %get3A_173 = arith.constant 128 : index
      %get3A_174 = tpu.vector_load %arg8[%get3A_172, %get3A_173] {strides = array<i32>} : memref<32x768xf32, #tpu.memory_space<vmem>>, vector<1x16xf32>,
      %get3A_175 = vector.shape_cast %get3A_174 : vector<1x16xf32> to vector<16xf32>
      %get3A_176 = arith.index_cast %scan3A_60 : i32 to index
      %get3A_177 = arith.constant 128 : index
      %get3A_178 = tpu.vector_load %arg9[%get3A_176, %get3A_177] {strides = array<i32>} : memref<32x768xf32, #tpu.memory_space<vmem>>, vector<1x16xf32>,
      %get3A_179 = vector.shape_cast %get3A_178 : vector<1x16xf32> to vector<16xf32>
      %add3A_180 = arith.addf %get3A_175, %get3A_179 : vector<16xf32>
      %swap3A_181 = arith.index_cast %scan3A_60 : i32 to index
      %swap3A_182 = arith.constant 128 : index
      %swap3A_183 = tpu.vector_load %arg8[%swap3A_181, %swap3A_182] {strides = array<i32>} : memref<32x768xf32, #tpu.memory_space<vmem>>, vector<1x16xf32>,
      %swap3A_184 = vector.shape_cast %swap3A_183 : vector<1x16xf32> to vector<16xf32>
      %swap3A_185 = vector.shape_cast %add3A_180 : vector<16xf32> to vector<1x16xf32>
      tpu.vector_store %arg8[%swap3A_181, %swap3A_182], %swap3A_185 {strides = array<i32>} : memref<32x768xf32, #tpu.memory_space<vmem>>, vector<1x16xf32>,
      %get3A_186 = arith.index_cast %scan3A_60 : i32 to index
      %get3A_187 = arith.constant 144 : index
      %get3A_188 = tpu.vector_load %arg8[%get3A_186, %get3A_187] {strides = array<i32>} : memref<32x768xf32, #tpu.memory_space<vmem>>, vector<1x16xf32>,
      %get3A_189 = vector.shape_cast %get3A_188 : vector<1x16xf32> to vector<16xf32>
      %get3A_190 = arith.index_cast %scan3A_60 : i32 to index
      %get3A_191 = arith.constant 144 : index
      %get3A_192 = tpu.vector_load %arg9[%get3A_190, %get3A_191] {strides = array<i32>} : memref<32x768xf32, #tpu.memory_space<vmem>>, vector<1x16xf32>,
      %get3A_193 = vector.shape_cast %get3A_192 : vector<1x16xf32> to vector<16xf32>
      %add3A_194 = arith.addf %get3A_189, %get3A_193 : vector<16xf32>
      %swap3A_195 = arith.index_cast %scan3A_60 : i32 to index
      %swap3A_196 = arith.constant 144 : index
      %swap3A_197 = tpu.vector_load %arg8[%swap3A_195, %swap3A_196] {strides = array<i32>} : memref<32x768xf32, #tpu.memory_space<vmem>>, vector<1x16xf32>,
      %swap3A_198 = vector.shape_cast %swap3A_197 : vector<1x16xf32> to vector<16xf32>
      %swap3A_199 = vector.shape_cast %add3A_194 : vector<16xf32> to vector<1x16xf32>
      tpu.vector_store %arg8[%swap3A_195, %swap3A_196], %swap3A_199 {strides = array<i32>} : memref<32x768xf32, #tpu.memory_space<vmem>>, vector<1x16xf32>,
      %get3A_200 = arith.index_cast %scan3A_60 : i32 to index
      %get3A_201 = arith.constant 160 : index
      %get3A_202 = tpu.vector_load %arg8[%get3A_200, %get3A_201] {strides = array<i32>} : memref<32x768xf32, #tpu.memory_space<vmem>>, vector<1x16xf32>,
      %get3A_203 = vector.shape_cast %get3A_202 : vector<1x16xf32> to vector<16xf32>
      %get3A_204 = arith.index_cast %scan3A_60 : i32 to index
      %get3A_205 = arith.constant 160 : index
      %get3A_206 = tpu.vector_load %arg9[%get3A_204, %get3A_205] {strides = array<i32>} : memref<32x768xf32, #tpu.memory_space<vmem>>, vector<1x16xf32>,
      %get3A_207 = vector.shape_cast %get3A_206 : vector<1x16xf32> to vector<16xf32>
      %add3A_208 = arith.addf %get3A_203, %get3A_207 : vector<16xf32>
      %swap3A_209 = arith.index_cast %scan3A_60 : i32 to index
      %swap3A_210 = arith.constant 160 : index
      %swap3A_211 = tpu.vector_load %arg8[%swap3A_209, %swap3A_210] {strides = array<i32>} : memref<32x768xf32, #tpu.memory_space<vmem>>, vector<1x16xf32>,
      %swap3A_212 = vector.shape_cast %swap3A_211 : vector<1x16xf32> to vector<16xf32>
      %swap3A_213 = vector.shape_cast %add3A_208 : vector<16xf32> to vector<1x16xf32>
      tpu.vector_store %arg8[%swap3A_209, %swap3A_210], %swap3A_213 {strides = array<i32>} : memref<32x768xf32, #tpu.memory_space<vmem>>, vector<1x16xf32>,
      %get3A_214 = arith.index_cast %scan3A_60 : i32 to index
      %get3A_215 = arith.constant 176 : index
      %get3A_216 = tpu.vector_load %arg8[%get3A_214, %get3A_215] {strides = array<i32>} : memref<32x768xf32, #tpu.memory_space<vmem>>, vector<1x16xf32>,
      %get3A_217 = vector.shape_cast %get3A_216 : vector<1x16xf32> to vector<16xf32>
      %get3A_218 = arith.index_cast %scan3A_60 : i32 to index
      %get3A_219 = arith.constant 176 : index
      %get3A_220 = tpu.vector_load %arg9[%get3A_218, %get3A_219] {strides = array<i32>} : memref<32x768xf32, #tpu.memory_space<vmem>>, vector<1x16xf32>,
      %get3A_221 = vector.shape_cast %get3A_220 : vector<1x16xf32> to vector<16xf32>
      %add3A_222 = arith.addf %get3A_217, %get3A_221 : vector<16xf32>
      %swap3A_223 = arith.index_cast %scan3A_60 : i32 to index
      %swap3A_224 = arith.constant 176 : index
      %swap3A_225 = tpu.vector_load %arg8[%swap3A_223, %swap3A_224] {strides = array<i32>} : memref<32x768xf32, #tpu.memory_space<vmem>>, vector<1x16xf32>,
      %swap3A_226 = vector.shape_cast %swap3A_225 : vector<1x16xf32> to vector<16xf32>
      %swap3A_227 = vector.shape_cast %add3A_222 : vector<16xf32> to vector<1x16xf32>
      tpu.vector_store %arg8[%swap3A_223, %swap3A_224], %swap3A_227 {strides = array<i32>} : memref<32x768xf32, #tpu.memory_space<vmem>>, vector<1x16xf32>,
      %get3A_228 = arith.index_cast %scan3A_60 : i32 to index
      %get3A_229 = arith.constant 192 : index
      %get3A_230 = tpu.vector_load %arg8[%get3A_228, %get3A_229] {strides = array<i32>} : memref<32x768xf32, #tpu.memory_space<vmem>>, vector<1x16xf32>,
      %get3A_231 = vector.shape_cast %get3A_230 : vector<1x16xf32> to vector<16xf32>
      %get3A_232 = arith.index_cast %scan3A_60 : i32 to index
      %get3A_233 = arith.constant 192 : index
      %get3A_234 = tpu.vector_load %arg9[%get3A_232, %get3A_233] {strides = array<i32>} : memref<32x768xf32, #tpu.memory_space<vmem>>, vector<1x16xf32>,
      %get3A_235 = vector.shape_cast %get3A_234 : vector<1x16xf32> to vector<16xf32>
      %add3A_236 = arith.addf %get3A_231, %get3A_235 : vector<16xf32>
      %swap3A_237 = arith.index_cast %scan3A_60 : i32 to index
      %swap3A_238 = arith.constant 192 : index
      %swap3A_239 = tpu.vector_load %arg8[%swap3A_237, %swap3A_238] {strides = array<i32>} : memref<32x768xf32, #tpu.memory_space<vmem>>, vector<1x16xf32>,
      %swap3A_240 = vector.shape_cast %swap3A_239 : vector<1x16xf32> to vector<16xf32>
      %swap3A_241 = vector.shape_cast %add3A_236 : vector<16xf32> to vector<1x16xf32>
      tpu.vector_store %arg8[%swap3A_237, %swap3A_238], %swap3A_241 {strides = array<i32>} : memref<32x768xf32, #tpu.memory_space<vmem>>, vector<1x16xf32>,
      %get3A_242 = arith.index_cast %scan3A_60 : i32 to index
      %get3A_243 = arith.constant 208 : index
      %get3A_244 = tpu.vector_load %arg8[%get3A_242, %get3A_243] {strides = array<i32>} : memref<32x768xf32, #tpu.memory_space<vmem>>, vector<1x16xf32>,
      %get3A_245 = vector.shape_cast %get3A_244 : vector<1x16xf32> to vector<16xf32>
      %get3A_246 = arith.index_cast %scan3A_60 : i32 to index
      %get3A_247 = arith.constant 208 : index
      %get3A_248 = tpu.vector_load %arg9[%get3A_246, %get3A_247] {strides = array<i32>} : memref<32x768xf32, #tpu.memory_space<vmem>>, vector<1x16xf32>,
      %get3A_249 = vector.shape_cast %get3A_248 : vector<1x16xf32> to vector<16xf32>
      %add3A_250 = arith.addf %get3A_245, %get3A_249 : vector<16xf32>
      %swap3A_251 = arith.index_cast %scan3A_60 : i32 to index
      %swap3A_252 = arith.constant 208 : index
      %swap3A_253 = tpu.vector_load %arg8[%swap3A_251, %swap3A_252] {strides = array<i32>} : memref<32x768xf32, #tpu.memory_space<vmem>>, vector<1x16xf32>,
      %swap3A_254 = vector.shape_cast %swap3A_253 : vector<1x16xf32> to vector<16xf32>
      %swap3A_255 = vector.shape_cast %add3A_250 : vector<16xf32> to vector<1x16xf32>
      tpu.vector_store %arg8[%swap3A_251, %swap3A_252], %swap3A_255 {strides = array<i32>} : memref<32x768xf32, #tpu.memory_space<vmem>>, vector<1x16xf32>,
      %get3A_256 = arith.index_cast %scan3A_60 : i32 to index
      %get3A_257 = arith.constant 224 : index
      %get3A_258 = tpu.vector_load %arg8[%get3A_256, %get3A_257] {strides = array<i32>} : memref<32x768xf32, #tpu.memory_space<vmem>>, vector<1x16xf32>,
      %get3A_259 = vector.shape_cast %get3A_258 : vector<1x16xf32> to vector<16xf32>
      %get3A_260 = arith.index_cast %scan3A_60 : i32 to index
      %get3A_261 = arith.constant 224 : index
      %get3A_262 = tpu.vector_load %arg9[%get3A_260, %get3A_261] {strides = array<i32>} : memref<32x768xf32, #tpu.memory_space<vmem>>, vector<1x16xf32>,
      %get3A_263 = vector.shape_cast %get3A_262 : vector<1x16xf32> to vector<16xf32>
      %add3A_264 = arith.addf %get3A_259, %get3A_263 : vector<16xf32>
      %swap3A_265 = arith.index_cast %scan3A_60 : i32 to index
      %swap3A_266 = arith.constant 224 : index
      %swap3A_267 = tpu.vector_load %arg8[%swap3A_265, %swap3A_266] {strides = array<i32>} : memref<32x768xf32, #tpu.memory_space<vmem>>, vector<1x16xf32>,
      %swap3A_268 = vector.shape_cast %swap3A_267 : vector<1x16xf32> to vector<16xf32>
      %swap3A_269 = vector.shape_cast %add3A_264 : vector<16xf32> to vector<1x16xf32>
      tpu.vector_store %arg8[%swap3A_265, %swap3A_266], %swap3A_269 {strides = array<i32>} : memref<32x768xf32, #tpu.memory_space<vmem>>, vector<1x16xf32>,
      %get3A_270 = arith.index_cast %scan3A_60 : i32 to index
      %get3A_271 = arith.constant 240 : index
      %get3A_272 = tpu.vector_load %arg8[%get3A_270, %get3A_271] {strides = array<i32>} : memref<32x768xf32, #tpu.memory_space<vmem>>, vector<1x16xf32>,
      %get3A_273 = vector.shape_cast %get3A_272 : vector<1x16xf32> to vector<16xf32>
      %get3A_274 = arith.index_cast %scan3A_60 : i32 to index
      %get3A_275 = arith.constant 240 : index
      %get3A_276 = tpu.vector_load %arg9[%get3A_274, %get3A_275] {strides = array<i32>} : memref<32x768xf32, #tpu.memory_space<vmem>>, vector<1x16xf32>,
      %get3A_277 = vector.shape_cast %get3A_276 : vector<1x16xf32> to vector<16xf32>
      %add3A_278 = arith.addf %get3A_273, %get3A_277 : vector<16xf32>
      %swap3A_279 = arith.index_cast %scan3A_60 : i32 to index
      %swap3A_280 = arith.constant 240 : index
      %swap3A_281 = tpu.vector_load %arg8[%swap3A_279, %swap3A_280] {strides = array<i32>} : memref<32x768xf32, #tpu.memory_space<vmem>>, vector<1x16xf32>,
      %swap3A_282 = vector.shape_cast %swap3A_281 : vector<1x16xf32> to vector<16xf32>
      %swap3A_283 = vector.shape_cast %add3A_278 : vector<16xf32> to vector<1x16xf32>
      tpu.vector_store %arg8[%swap3A_279, %swap3A_280], %swap3A_283 {strides = array<i32>} : memref<32x768xf32, #tpu.memory_space<vmem>>, vector<1x16xf32>,
      %get3A_284 = arith.index_cast %scan3A_60 : i32 to index
      %get3A_285 = arith.constant 256 : index
      %get3A_286 = tpu.vector_load %arg8[%get3A_284, %get3A_285] {strides = array<i32>} : memref<32x768xf32, #tpu.memory_space<vmem>>, vector<1x16xf32>,
      %get3A_287 = vector.shape_cast %get3A_286 : vector<1x16xf32> to vector<16xf32>
      %get3A_288 = arith.index_cast %scan3A_60 : i32 to index
      %get3A_289 = arith.constant 256 : index
      %get3A_290 = tpu.vector_load %arg9[%get3A_288, %get3A_289] {strides = array<i32>} : memref<32x768xf32, #tpu.memory_space<vmem>>, vector<1x16xf32>,
      %get3A_291 = vector.shape_cast %get3A_290 : vector<1x16xf32> to vector<16xf32>
      %add3A_292 = arith.addf %get3A_287, %get3A_291 : vector<16xf32>
      %swap3A_293 = arith.index_cast %scan3A_60 : i32 to index
      %swap3A_294 = arith.constant 256 : index
      %swap3A_295 = tpu.vector_load %arg8[%swap3A_293, %swap3A_294] {strides = array<i32>} : memref<32x768xf32, #tpu.memory_space<vmem>>, vector<1x16xf32>,
      %swap3A_296 = vector.shape_cast %swap3A_295 : vector<1x16xf32> to vector<16xf32>
      %swap3A_297 = vector.shape_cast %add3A_292 : vector<16xf32> to vector<1x16xf32>
      tpu.vector_store %arg8[%swap3A_293, %swap3A_294], %swap3A_297 {strides = array<i32>} : memref<32x768xf32, #tpu.memory_space<vmem>>, vector<1x16xf32>,
      %get3A_298 = arith.index_cast %scan3A_60 : i32 to index
      %get3A_299 = arith.constant 272 : index
      %get3A_300 = tpu.vector_load %arg8[%get3A_298, %get3A_299] {strides = array<i32>} : memref<32x768xf32, #tpu.memory_space<vmem>>, vector<1x16xf32>,
      %get3A_301 = vector.shape_cast %get3A_300 : vector<1x16xf32> to vector<16xf32>
      %get3A_302 = arith.index_cast %scan3A_60 : i32 to index
      %get3A_303 = arith.constant 272 : index
      %get3A_304 = tpu.vector_load %arg9[%get3A_302, %get3A_303] {strides = array<i32>} : memref<32x768xf32, #tpu.memory_space<vmem>>, vector<1x16xf32>,
      %get3A_305 = vector.shape_cast %get3A_304 : vector<1x16xf32> to vector<16xf32>
      %add3A_306 = arith.addf %get3A_301, %get3A_305 : vector<16xf32>
      %swap3A_307 = arith.index_cast %scan3A_60 : i32 to index
      %swap3A_308 = arith.constant 272 : index
      %swap3A_309 = tpu.vector_load %arg8[%swap3A_307, %swap3A_308] {strides = array<i32>} : memref<32x768xf32, #tpu.memory_space<vmem>>, vector<1x16xf32>,
      %swap3A_310 = vector.shape_cast %swap3A_309 : vector<1x16xf32> to vector<16xf32>
      %swap3A_311 = vector.shape_cast %add3A_306 : vector<16xf32> to vector<1x16xf32>
      tpu.vector_store %arg8[%swap3A_307, %swap3A_308], %swap3A_311 {strides = array<i32>} : memref<32x768xf32, #tpu.memory_space<vmem>>, vector<1x16xf32>,
      %get3A_312 = arith.index_cast %scan3A_60 : i32 to index
      %get3A_313 = arith.constant 288 : index
      %get3A_314 = tpu.vector_load %arg8[%get3A_312, %get3A_313] {strides = array<i32>} : memref<32x768xf32, #tpu.memory_space<vmem>>, vector<1x16xf32>,
      %get3A_315 = vector.shape_cast %get3A_314 : vector<1x16xf32> to vector<16xf32>
      %get3A_316 = arith.index_cast %scan3A_60 : i32 to index
      %get3A_317 = arith.constant 288 : index
      %get3A_318 = tpu.vector_load %arg9[%get3A_316, %get3A_317] {strides = array<i32>} : memref<32x768xf32, #tpu.memory_space<vmem>>, vector<1x16xf32>,
      %get3A_319 = vector.shape_cast %get3A_318 : vector<1x16xf32> to vector<16xf32>
      %add3A_320 = arith.addf %get3A_315, %get3A_319 : vector<16xf32>
      %swap3A_321 = arith.index_cast %scan3A_60 : i32 to index
      %swap3A_322 = arith.constant 288 : index
      %swap3A_323 = tpu.vector_load %arg8[%swap3A_321, %swap3A_322] {strides = array<i32>} : memref<32x768xf32, #tpu.memory_space<vmem>>, vector<1x16xf32>,
      %swap3A_324 = vector.shape_cast %swap3A_323 : vector<1x16xf32> to vector<16xf32>
      %swap3A_325 = vector.shape_cast %add3A_320 : vector<16xf32> to vector<1x16xf32>
      tpu.vector_store %arg8[%swap3A_321, %swap3A_322], %swap3A_325 {strides = array<i32>} : memref<32x768xf32, #tpu.memory_space<vmem>>, vector<1x16xf32>,
      %get3A_326 = arith.index_cast %scan3A_60 : i32 to index
      %get3A_327 = arith.constant 304 : index
      %get3A_328 = tpu.vector_load %arg8[%get3A_326, %get3A_327] {strides = array<i32>} : memref<32x768xf32, #tpu.memory_space<vmem>>, vector<1x16xf32>,
      %get3A_329 = vector.shape_cast %get3A_328 : vector<1x16xf32> to vector<16xf32>
      %get3A_330 = arith.index_cast %scan3A_60 : i32 to index
      %get3A_331 = arith.constant 304 : index
      %get3A_332 = tpu.vector_load %arg9[%get3A_330, %get3A_331] {strides = array<i32>} : memref<32x768xf32, #tpu.memory_space<vmem>>, vector<1x16xf32>,
      %get3A_333 = vector.shape_cast %get3A_332 : vector<1x16xf32> to vector<16xf32>
      %add3A_334 = arith.addf %get3A_329, %get3A_333 : vector<16xf32>
      %swap3A_335 = arith.index_cast %scan3A_60 : i32 to index
      %swap3A_336 = arith.constant 304 : index
      %swap3A_337 = tpu.vector_load %arg8[%swap3A_335, %swap3A_336] {strides = array<i32>} : memref<32x768xf32, #tpu.memory_space<vmem>>, vector<1x16xf32>,
      %swap3A_338 = vector.shape_cast %swap3A_337 : vector<1x16xf32> to vector<16xf32>
      %swap3A_339 = vector.shape_cast %add3A_334 : vector<16xf32> to vector<1x16xf32>
      tpu.vector_store %arg8[%swap3A_335, %swap3A_336], %swap3A_339 {strides = array<i32>} : memref<32x768xf32, #tpu.memory_space<vmem>>, vector<1x16xf32>,
      %get3A_340 = arith.index_cast %scan3A_60 : i32 to index
      %get3A_341 = arith.constant 320 : index
      %get3A_342 = tpu.vector_load %arg8[%get3A_340, %get3A_341] {strides = array<i32>} : memref<32x768xf32, #tpu.memory_space<vmem>>, vector<1x16xf32>,
      %get3A_343 = vector.shape_cast %get3A_342 : vector<1x16xf32> to vector<16xf32>
      %get3A_344 = arith.index_cast %scan3A_60 : i32 to index
      %get3A_345 = arith.constant 320 : index
      %get3A_346 = tpu.vector_load %arg9[%get3A_344, %get3A_345] {strides = array<i32>} : memref<32x768xf32, #tpu.memory_space<vmem>>, vector<1x16xf32>,
      %get3A_347 = vector.shape_cast %get3A_346 : vector<1x16xf32> to vector<16xf32>
      %add3A_348 = arith.addf %get3A_343, %get3A_347 : vector<16xf32>
      %swap3A_349 = arith.index_cast %scan3A_60 : i32 to index
      %swap3A_350 = arith.constant 320 : index
      %swap3A_351 = tpu.vector_load %arg8[%swap3A_349, %swap3A_350] {strides = array<i32>} : memref<32x768xf32, #tpu.memory_space<vmem>>, vector<1x16xf32>,
      %swap3A_352 = vector.shape_cast %swap3A_351 : vector<1x16xf32> to vector<16xf32>
      %swap3A_353 = vector.shape_cast %add3A_348 : vector<16xf32> to vector<1x16xf32>
      tpu.vector_store %arg8[%swap3A_349, %swap3A_350], %swap3A_353 {strides = array<i32>} : memref<32x768xf32, #tpu.memory_space<vmem>>, vector<1x16xf32>,
      %get3A_354 = arith.index_cast %scan3A_60 : i32 to index
      %get3A_355 = arith.constant 336 : index
      %get3A_356 = tpu.vector_load %arg8[%get3A_354, %get3A_355] {strides = array<i32>} : memref<32x768xf32, #tpu.memory_space<vmem>>, vector<1x16xf32>,
      %get3A_357 = vector.shape_cast %get3A_356 : vector<1x16xf32> to vector<16xf32>
      %get3A_358 = arith.index_cast %scan3A_60 : i32 to index
      %get3A_359 = arith.constant 336 : index
      %get3A_360 = tpu.vector_load %arg9[%get3A_358, %get3A_359] {strides = array<i32>} : memref<32x768xf32, #tpu.memory_space<vmem>>, vector<1x16xf32>,
      %get3A_361 = vector.shape_cast %get3A_360 : vector<1x16xf32> to vector<16xf32>
      %add3A_362 = arith.addf %get3A_357, %get3A_361 : vector<16xf32>
      %swap3A_363 = arith.index_cast %scan3A_60 : i32 to index
      %swap3A_364 = arith.constant 336 : index
      %swap3A_365 = tpu.vector_load %arg8[%swap3A_363, %swap3A_364] {strides = array<i32>} : memref<32x768xf32, #tpu.memory_space<vmem>>, vector<1x16xf32>,
      %swap3A_366 = vector.shape_cast %swap3A_365 : vector<1x16xf32> to vector<16xf32>
      %swap3A_367 = vector.shape_cast %add3A_362 : vector<16xf32> to vector<1x16xf32>
      tpu.vector_store %arg8[%swap3A_363, %swap3A_364], %swap3A_367 {strides = array<i32>} : memref<32x768xf32, #tpu.memory_space<vmem>>, vector<1x16xf32>,
      %get3A_368 = arith.index_cast %scan3A_60 : i32 to index
      %get3A_369 = arith.constant 352 : index
      %get3A_370 = tpu.vector_load %arg8[%get3A_368, %get3A_369] {strides = array<i32>} : memref<32x768xf32, #tpu.memory_space<vmem>>, vector<1x16xf32>,
      %get3A_371 = vector.shape_cast %get3A_370 : vector<1x16xf32> to vector<16xf32>
      %get3A_372 = arith.index_cast %scan3A_60 : i32 to index
      %get3A_373 = arith.constant 352 : index
      %get3A_374 = tpu.vector_load %arg9[%get3A_372, %get3A_373] {strides = array<i32>} : memref<32x768xf32, #tpu.memory_space<vmem>>, vector<1x16xf32>,
      %get3A_375 = vector.shape_cast %get3A_374 : vector<1x16xf32> to vector<16xf32>
      %add3A_376 = arith.addf %get3A_371, %get3A_375 : vector<16xf32>
      %swap3A_377 = arith.index_cast %scan3A_60 : i32 to index
      %swap3A_378 = arith.constant 352 : index
      %swap3A_379 = tpu.vector_load %arg8[%swap3A_377, %swap3A_378] {strides = array<i32>} : memref<32x768xf32, #tpu.memory_space<vmem>>, vector<1x16xf32>,
      %swap3A_380 = vector.shape_cast %swap3A_379 : vector<1x16xf32> to vector<16xf32>
      %swap3A_381 = vector.shape_cast %add3A_376 : vector<16xf32> to vector<1x16xf32>
      tpu.vector_store %arg8[%swap3A_377, %swap3A_378], %swap3A_381 {strides = array<i32>} : memref<32x768xf32, #tpu.memory_space<vmem>>, vector<1x16xf32>,
      %get3A_382 = arith.index_cast %scan3A_60 : i32 to index
      %get3A_383 = arith.constant 368 : index
      %get3A_384 = tpu.vector_load %arg8[%get3A_382, %get3A_383] {strides = array<i32>} : memref<32x768xf32, #tpu.memory_space<vmem>>, vector<1x16xf32>,
      %get3A_385 = vector.shape_cast %get3A_384 : vector<1x16xf32> to vector<16xf32>
      %get3A_386 = arith.index_cast %scan3A_60 : i32 to index
      %get3A_387 = arith.constant 368 : index
      %get3A_388 = tpu.vector_load %arg9[%get3A_386, %get3A_387] {strides = array<i32>} : memref<32x768xf32, #tpu.memory_space<vmem>>, vector<1x16xf32>,
      %get3A_389 = vector.shape_cast %get3A_388 : vector<1x16xf32> to vector<16xf32>
      %add3A_390 = arith.addf %get3A_385, %get3A_389 : vector<16xf32>
      %swap3A_391 = arith.index_cast %scan3A_60 : i32 to index
      %swap3A_392 = arith.constant 368 : index
      %swap3A_393 = tpu.vector_load %arg8[%swap3A_391, %swap3A_392] {strides = array<i32>} : memref<32x768xf32, #tpu.memory_space<vmem>>, vector<1x16xf32>,
      %swap3A_394 = vector.shape_cast %swap3A_393 : vector<1x16xf32> to vector<16xf32>
      %swap3A_395 = vector.shape_cast %add3A_390 : vector<16xf32> to vector<1x16xf32>
      tpu.vector_store %arg8[%swap3A_391, %swap3A_392], %swap3A_395 {strides = array<i32>} : memref<32x768xf32, #tpu.memory_space<vmem>>, vector<1x16xf32>,
      %get3A_396 = arith.index_cast %scan3A_60 : i32 to index
      %get3A_397 = arith.constant 384 : index
      %get3A_398 = tpu.vector_load %arg8[%get3A_396, %get3A_397] {strides = array<i32>} : memref<32x768xf32, #tpu.memory_space<vmem>>, vector<1x16xf32>,
      %get3A_399 = vector.shape_cast %get3A_398 : vector<1x16xf32> to vector<16xf32>
      %get3A_400 = arith.index_cast %scan3A_60 : i32 to index
      %get3A_401 = arith.constant 384 : index
      %get3A_402 = tpu.vector_load %arg9[%get3A_400, %get3A_401] {strides = array<i32>} : memref<32x768xf32, #tpu.memory_space<vmem>>, vector<1x16xf32>,
      %get3A_403 = vector.shape_cast %get3A_402 : vector<1x16xf32> to vector<16xf32>
      %add3A_404 = arith.addf %get3A_399, %get3A_403 : vector<16xf32>
      %swap3A_405 = arith.index_cast %scan3A_60 : i32 to index
      %swap3A_406 = arith.constant 384 : index
      %swap3A_407 = tpu.vector_load %arg8[%swap3A_405, %swap3A_406] {strides = array<i32>} : memref<32x768xf32, #tpu.memory_space<vmem>>, vector<1x16xf32>,
      %swap3A_408 = vector.shape_cast %swap3A_407 : vector<1x16xf32> to vector<16xf32>
      %swap3A_409 = vector.shape_cast %add3A_404 : vector<16xf32> to vector<1x16xf32>
      tpu.vector_store %arg8[%swap3A_405, %swap3A_406], %swap3A_409 {strides = array<i32>} : memref<32x768xf32, #tpu.memory_space<vmem>>, vector<1x16xf32>,
      %get3A_410 = arith.index_cast %scan3A_60 : i32 to index
      %get3A_411 = arith.constant 400 : index
      %get3A_412 = tpu.vector_load %arg8[%get3A_410, %get3A_411] {strides = array<i32>} : memref<32x768xf32, #tpu.memory_space<vmem>>, vector<1x16xf32>,
      %get3A_413 = vector.shape_cast %get3A_412 : vector<1x16xf32> to vector<16xf32>
      %get3A_414 = arith.index_cast %scan3A_60 : i32 to index
      %get3A_415 = arith.constant 400 : index
      %get3A_416 = tpu.vector_load %arg9[%get3A_414, %get3A_415] {strides = array<i32>} : memref<32x768xf32, #tpu.memory_space<vmem>>, vector<1x16xf32>,
      %get3A_417 = vector.shape_cast %get3A_416 : vector<1x16xf32> to vector<16xf32>
      %add3A_418 = arith.addf %get3A_413, %get3A_417 : vector<16xf32>
      %swap3A_419 = arith.index_cast %scan3A_60 : i32 to index
      %swap3A_420 = arith.constant 400 : index
      %swap3A_421 = tpu.vector_load %arg8[%swap3A_419, %swap3A_420] {strides = array<i32>} : memref<32x768xf32, #tpu.memory_space<vmem>>, vector<1x16xf32>,
      %swap3A_422 = vector.shape_cast %swap3A_421 : vector<1x16xf32> to vector<16xf32>
      %swap3A_423 = vector.shape_cast %add3A_418 : vector<16xf32> to vector<1x16xf32>
      tpu.vector_store %arg8[%swap3A_419, %swap3A_420], %swap3A_423 {strides = array<i32>} : memref<32x768xf32, #tpu.memory_space<vmem>>, vector<1x16xf32>,
      %get3A_424 = arith.index_cast %scan3A_60 : i32 to index
      %get3A_425 = arith.constant 416 : index
      %get3A_426 = tpu.vector_load %arg8[%get3A_424, %get3A_425] {strides = array<i32>} : memref<32x768xf32, #tpu.memory_space<vmem>>, vector<1x16xf32>,
      %get3A_427 = vector.shape_cast %get3A_426 : vector<1x16xf32> to vector<16xf32>
      %get3A_428 = arith.index_cast %scan3A_60 : i32 to index
      %get3A_429 = arith.constant 416 : index
      %get3A_430 = tpu.vector_load %arg9[%get3A_428, %get3A_429] {strides = array<i32>} : memref<32x768xf32, #tpu.memory_space<vmem>>, vector<1x16xf32>,
      %get3A_431 = vector.shape_cast %get3A_430 : vector<1x16xf32> to vector<16xf32>
      %add3A_432 = arith.addf %get3A_427, %get3A_431 : vector<16xf32>
      %swap3A_433 = arith.index_cast %scan3A_60 : i32 to index
      %swap3A_434 = arith.constant 416 : index
      %swap3A_435 = tpu.vector_load %arg8[%swap3A_433, %swap3A_434] {strides = array<i32>} : memref<32x768xf32, #tpu.memory_space<vmem>>, vector<1x16xf32>,
      %swap3A_436 = vector.shape_cast %swap3A_435 : vector<1x16xf32> to vector<16xf32>
      %swap3A_437 = vector.shape_cast %add3A_432 : vector<16xf32> to vector<1x16xf32>
      tpu.vector_store %arg8[%swap3A_433, %swap3A_434], %swap3A_437 {strides = array<i32>} : memref<32x768xf32, #tpu.memory_space<vmem>>, vector<1x16xf32>,
      %get3A_438 = arith.index_cast %scan3A_60 : i32 to index
      %get3A_439 = arith.constant 432 : index
      %get3A_440 = tpu.vector_load %arg8[%get3A_438, %get3A_439] {strides = array<i32>} : memref<32x768xf32, #tpu.memory_space<vmem>>, vector<1x16xf32>,
      %get3A_441 = vector.shape_cast %get3A_440 : vector<1x16xf32> to vector<16xf32>
      %get3A_442 = arith.index_cast %scan3A_60 : i32 to index
      %get3A_443 = arith.constant 432 : index
      %get3A_444 = tpu.vector_load %arg9[%get3A_442, %get3A_443] {strides = array<i32>} : memref<32x768xf32, #tpu.memory_space<vmem>>, vector<1x16xf32>,
      %get3A_445 = vector.shape_cast %get3A_444 : vector<1x16xf32> to vector<16xf32>
      %add3A_446 = arith.addf %get3A_441, %get3A_445 : vector<16xf32>
      %swap3A_447 = arith.index_cast %scan3A_60 : i32 to index
      %swap3A_448 = arith.constant 432 : index
      %swap3A_449 = tpu.vector_load %arg8[%swap3A_447, %swap3A_448] {strides = array<i32>} : memref<32x768xf32, #tpu.memory_space<vmem>>, vector<1x16xf32>,
      %swap3A_450 = vector.shape_cast %swap3A_449 : vector<1x16xf32> to vector<16xf32>
      %swap3A_451 = vector.shape_cast %add3A_446 : vector<16xf32> to vector<1x16xf32>
      tpu.vector_store %arg8[%swap3A_447, %swap3A_448], %swap3A_451 {strides = array<i32>} : memref<32x768xf32, #tpu.memory_space<vmem>>, vector<1x16xf32>,
      %get3A_452 = arith.index_cast %scan3A_60 : i32 to index
      %get3A_453 = arith.constant 448 : index
      %get3A_454 = tpu.vector_load %arg8[%get3A_452, %get3A_453] {strides = array<i32>} : memref<32x768xf32, #tpu.memory_space<vmem>>, vector<1x16xf32>,
      %get3A_455 = vector.shape_cast %get3A_454 : vector<1x16xf32> to vector<16xf32>
      %get3A_456 = arith.index_cast %scan3A_60 : i32 to index
      %get3A_457 = arith.constant 448 : index
      %get3A_458 = tpu.vector_load %arg9[%get3A_456, %get3A_457] {strides = array<i32>} : memref<32x768xf32, #tpu.memory_space<vmem>>, vector<1x16xf32>,
      %get3A_459 = vector.shape_cast %get3A_458 : vector<1x16xf32> to vector<16xf32>
      %add3A_460 = arith.addf %get3A_455, %get3A_459 : vector<16xf32>
      %swap3A_461 = arith.index_cast %scan3A_60 : i32 to index
      %swap3A_462 = arith.constant 448 : index
      %swap3A_463 = tpu.vector_load %arg8[%swap3A_461, %swap3A_462] {strides = array<i32>} : memref<32x768xf32, #tpu.memory_space<vmem>>, vector<1x16xf32>,
      %swap3A_464 = vector.shape_cast %swap3A_463 : vector<1x16xf32> to vector<16xf32>
      %swap3A_465 = vector.shape_cast %add3A_460 : vector<16xf32> to vector<1x16xf32>
      tpu.vector_store %arg8[%swap3A_461, %swap3A_462], %swap3A_465 {strides = array<i32>} : memref<32x768xf32, #tpu.memory_space<vmem>>, vector<1x16xf32>,
      %get3A_466 = arith.index_cast %scan3A_60 : i32 to index
      %get3A_467 = arith.constant 464 : index
      %get3A_468 = tpu.vector_load %arg8[%get3A_466, %get3A_467] {strides = array<i32>} : memref<32x768xf32, #tpu.memory_space<vmem>>, vector<1x16xf32>,
      %get3A_469 = vector.shape_cast %get3A_468 : vector<1x16xf32> to vector<16xf32>
      %get3A_470 = arith.index_cast %scan3A_60 : i32 to index
      %get3A_471 = arith.constant 464 : index
      %get3A_472 = tpu.vector_load %arg9[%get3A_470, %get3A_471] {strides = array<i32>} : memref<32x768xf32, #tpu.memory_space<vmem>>, vector<1x16xf32>,
      %get3A_473 = vector.shape_cast %get3A_472 : vector<1x16xf32> to vector<16xf32>
      %add3A_474 = arith.addf %get3A_469, %get3A_473 : vector<16xf32>
      %swap3A_475 = arith.index_cast %scan3A_60 : i32 to index
      %swap3A_476 = arith.constant 464 : index
      %swap3A_477 = tpu.vector_load %arg8[%swap3A_475, %swap3A_476] {strides = array<i32>} : memref<32x768xf32, #tpu.memory_space<vmem>>, vector<1x16xf32>,
      %swap3A_478 = vector.shape_cast %swap3A_477 : vector<1x16xf32> to vector<16xf32>
      %swap3A_479 = vector.shape_cast %add3A_474 : vector<16xf32> to vector<1x16xf32>
      tpu.vector_store %arg8[%swap3A_475, %swap3A_476], %swap3A_479 {strides = array<i32>} : memref<32x768xf32, #tpu.memory_space<vmem>>, vector<1x16xf32>,
      %get3A_480 = arith.index_cast %scan3A_60 : i32 to index
      %get3A_481 = arith.constant 480 : index
      %get3A_482 = tpu.vector_load %arg8[%get3A_480, %get3A_481] {strides = array<i32>} : memref<32x768xf32, #tpu.memory_space<vmem>>, vector<1x16xf32>,
      %get3A_483 = vector.shape_cast %get3A_482 : vector<1x16xf32> to vector<16xf32>
      %get3A_484 = arith.index_cast %scan3A_60 : i32 to index
      %get3A_485 = arith.constant 480 : index
      %get3A_486 = tpu.vector_load %arg9[%get3A_484, %get3A_485] {strides = array<i32>} : memref<32x768xf32, #tpu.memory_space<vmem>>, vector<1x16xf32>,
      %get3A_487 = vector.shape_cast %get3A_486 : vector<1x16xf32> to vector<16xf32>
      %add3A_488 = arith.addf %get3A_483, %get3A_487 : vector<16xf32>
      %swap3A_489 = arith.index_cast %scan3A_60 : i32 to index
      %swap3A_490 = arith.constant 480 : index
      %swap3A_491 = tpu.vector_load %arg8[%swap3A_489, %swap3A_490] {strides = array<i32>} : memref<32x768xf32, #tpu.memory_space<vmem>>, vector<1x16xf32>,
      %swap3A_492 = vector.shape_cast %swap3A_491 : vector<1x16xf32> to vector<16xf32>
      %swap3A_493 = vector.shape_cast %add3A_488 : vector<16xf32> to vector<1x16xf32>
      tpu.vector_store %arg8[%swap3A_489, %swap3A_490], %swap3A_493 {strides = array<i32>} : memref<32x768xf32, #tpu.memory_space<vmem>>, vector<1x16xf32>,
      %get3A_494 = arith.index_cast %scan3A_60 : i32 to index
      %get3A_495 = arith.constant 496 : index
      %get3A_496 = tpu.vector_load %arg8[%get3A_494, %get3A_495] {strides = array<i32>} : memref<32x768xf32, #tpu.memory_space<vmem>>, vector<1x16xf32>,
      %get3A_497 = vector.shape_cast %get3A_496 : vector<1x16xf32> to vector<16xf32>
      %get3A_498 = arith.index_cast %scan3A_60 : i32 to index
      %get3A_499 = arith.constant 496 : index
      %get3A_500 = tpu.vector_load %arg9[%get3A_498, %get3A_499] {strides = array<i32>} : memref<32x768xf32, #tpu.memory_space<vmem>>, vector<1x16xf32>,
      %get3A_501 = vector.shape_cast %get3A_500 : vector<1x16xf32> to vector<16xf32>
      %add3A_502 = arith.addf %get3A_497, %get3A_501 : vector<16xf32>
      %swap3A_503 = arith.index_cast %scan3A_60 : i32 to index
      %swap3A_504 = arith.constant 496 : index
      %swap3A_505 = tpu.vector_load %arg8[%swap3A_503, %swap3A_504] {strides = array<i32>} : memref<32x768xf32, #tpu.memory_space<vmem>>, vector<1x16xf32>,
      %swap3A_506 = vector.shape_cast %swap3A_505 : vector<1x16xf32> to vector<16xf32>
      %swap3A_507 = vector.shape_cast %add3A_502 : vector<16xf32> to vector<1x16xf32>
      tpu.vector_store %arg8[%swap3A_503, %swap3A_504], %swap3A_507 {strides = array<i32>} : memref<32x768xf32, #tpu.memory_space<vmem>>, vector<1x16xf32>,
      %get3A_508 = arith.index_cast %scan3A_60 : i32 to index
      %get3A_509 = arith.constant 512 : index
      %get3A_510 = tpu.vector_load %arg8[%get3A_508, %get3A_509] {strides = array<i32>} : memref<32x768xf32, #tpu.memory_space<vmem>>, vector<1x16xf32>,
      %get3A_511 = vector.shape_cast %get3A_510 : vector<1x16xf32> to vector<16xf32>
      %get3A_512 = arith.index_cast %scan3A_60 : i32 to index
      %get3A_513 = arith.constant 512 : index
      %get3A_514 = tpu.vector_load %arg9[%get3A_512, %get3A_513] {strides = array<i32>} : memref<32x768xf32, #tpu.memory_space<vmem>>, vector<1x16xf32>,
      %get3A_515 = vector.shape_cast %get3A_514 : vector<1x16xf32> to vector<16xf32>
      %add3A_516 = arith.addf %get3A_511, %get3A_515 : vector<16xf32>
      %swap3A_517 = arith.index_cast %scan3A_60 : i32 to index
      %swap3A_518 = arith.constant 512 : index
      %swap3A_519 = tpu.vector_load %arg8[%swap3A_517, %swap3A_518] {strides = array<i32>} : memref<32x768xf32, #tpu.memory_space<vmem>>, vector<1x16xf32>,
      %swap3A_520 = vector.shape_cast %swap3A_519 : vector<1x16xf32> to vector<16xf32>
      %swap3A_521 = vector.shape_cast %add3A_516 : vector<16xf32> to vector<1x16xf32>
      tpu.vector_store %arg8[%swap3A_517, %swap3A_518], %swap3A_521 {strides = array<i32>} : memref<32x768xf32, #tpu.memory_space<vmem>>, vector<1x16xf32>,
      %get3A_522 = arith.index_cast %scan3A_60 : i32 to index
      %get3A_523 = arith.constant 528 : index
      %get3A_524 = tpu.vector_load %arg8[%get3A_522, %get3A_523] {strides = array<i32>} : memref<32x768xf32, #tpu.memory_space<vmem>>, vector<1x16xf32>,
      %get3A_525 = vector.shape_cast %get3A_524 : vector<1x16xf32> to vector<16xf32>
      %get3A_526 = arith.index_cast %scan3A_60 : i32 to index
      %get3A_527 = arith.constant 528 : index
      %get3A_528 = tpu.vector_load %arg9[%get3A_526, %get3A_527] {strides = array<i32>} : memref<32x768xf32, #tpu.memory_space<vmem>>, vector<1x16xf32>,
      %get3A_529 = vector.shape_cast %get3A_528 : vector<1x16xf32> to vector<16xf32>
      %add3A_530 = arith.addf %get3A_525, %get3A_529 : vector<16xf32>
      %swap3A_531 = arith.index_cast %scan3A_60 : i32 to index
      %swap3A_532 = arith.constant 528 : index
      %swap3A_533 = tpu.vector_load %arg8[%swap3A_531, %swap3A_532] {strides = array<i32>} : memref<32x768xf32, #tpu.memory_space<vmem>>, vector<1x16xf32>,
      %swap3A_534 = vector.shape_cast %swap3A_533 : vector<1x16xf32> to vector<16xf32>
      %swap3A_535 = vector.shape_cast %add3A_530 : vector<16xf32> to vector<1x16xf32>
      tpu.vector_store %arg8[%swap3A_531, %swap3A_532], %swap3A_535 {strides = array<i32>} : memref<32x768xf32, #tpu.memory_space<vmem>>, vector<1x16xf32>,
      %get3A_536 = arith.index_cast %scan3A_60 : i32 to index
      %get3A_537 = arith.constant 544 : index
      %get3A_538 = tpu.vector_load %arg8[%get3A_536, %get3A_537] {strides = array<i32>} : memref<32x768xf32, #tpu.memory_space<vmem>>, vector<1x16xf32>,
      %get3A_539 = vector.shape_cast %get3A_538 : vector<1x16xf32> to vector<16xf32>
      %get3A_540 = arith.index_cast %scan3A_60 : i32 to index
      %get3A_541 = arith.constant 544 : index
      %get3A_542 = tpu.vector_load %arg9[%get3A_540, %get3A_541] {strides = array<i32>} : memref<32x768xf32, #tpu.memory_space<vmem>>, vector<1x16xf32>,
      %get3A_543 = vector.shape_cast %get3A_542 : vector<1x16xf32> to vector<16xf32>
      %add3A_544 = arith.addf %get3A_539, %get3A_543 : vector<16xf32>
      %swap3A_545 = arith.index_cast %scan3A_60 : i32 to index
      %swap3A_546 = arith.constant 544 : index
      %swap3A_547 = tpu.vector_load %arg8[%swap3A_545, %swap3A_546] {strides = array<i32>} : memref<32x768xf32, #tpu.memory_space<vmem>>, vector<1x16xf32>,
      %swap3A_548 = vector.shape_cast %swap3A_547 : vector<1x16xf32> to vector<16xf32>
      %swap3A_549 = vector.shape_cast %add3A_544 : vector<16xf32> to vector<1x16xf32>
      tpu.vector_store %arg8[%swap3A_545, %swap3A_546], %swap3A_549 {strides = array<i32>} : memref<32x768xf32, #tpu.memory_space<vmem>>, vector<1x16xf32>,
      %get3A_550 = arith.index_cast %scan3A_60 : i32 to index
      %get3A_551 = arith.constant 560 : index
      %get3A_552 = tpu.vector_load %arg8[%get3A_550, %get3A_551] {strides = array<i32>} : memref<32x768xf32, #tpu.memory_space<vmem>>, vector<1x16xf32>,
      %get3A_553 = vector.shape_cast %get3A_552 : vector<1x16xf32> to vector<16xf32>
      %get3A_554 = arith.index_cast %scan3A_60 : i32 to index
      %get3A_555 = arith.constant 560 : index
      %get3A_556 = tpu.vector_load %arg9[%get3A_554, %get3A_555] {strides = array<i32>} : memref<32x768xf32, #tpu.memory_space<vmem>>, vector<1x16xf32>,
      %get3A_557 = vector.shape_cast %get3A_556 : vector<1x16xf32> to vector<16xf32>
      %add3A_558 = arith.addf %get3A_553, %get3A_557 : vector<16xf32>
      %swap3A_559 = arith.index_cast %scan3A_60 : i32 to index
      %swap3A_560 = arith.constant 560 : index
      %swap3A_561 = tpu.vector_load %arg8[%swap3A_559, %swap3A_560] {strides = array<i32>} : memref<32x768xf32, #tpu.memory_space<vmem>>, vector<1x16xf32>,
      %swap3A_562 = vector.shape_cast %swap3A_561 : vector<1x16xf32> to vector<16xf32>
      %swap3A_563 = vector.shape_cast %add3A_558 : vector<16xf32> to vector<1x16xf32>
      tpu.vector_store %arg8[%swap3A_559, %swap3A_560], %swap3A_563 {strides = array<i32>} : memref<32x768xf32, #tpu.memory_space<vmem>>, vector<1x16xf32>,
      %get3A_564 = arith.index_cast %scan3A_60 : i32 to index
      %get3A_565 = arith.constant 576 : index
      %get3A_566 = tpu.vector_load %arg8[%get3A_564, %get3A_565] {strides = array<i32>} : memref<32x768xf32, #tpu.memory_space<vmem>>, vector<1x16xf32>,
      %get3A_567 = vector.shape_cast %get3A_566 : vector<1x16xf32> to vector<16xf32>
      %get3A_568 = arith.index_cast %scan3A_60 : i32 to index
      %get3A_569 = arith.constant 576 : index
      %get3A_570 = tpu.vector_load %arg9[%get3A_568, %get3A_569] {strides = array<i32>} : memref<32x768xf32, #tpu.memory_space<vmem>>, vector<1x16xf32>,
      %get3A_571 = vector.shape_cast %get3A_570 : vector<1x16xf32> to vector<16xf32>
      %add3A_572 = arith.addf %get3A_567, %get3A_571 : vector<16xf32>
      %swap3A_573 = arith.index_cast %scan3A_60 : i32 to index
      %swap3A_574 = arith.constant 576 : index
      %swap3A_575 = tpu.vector_load %arg8[%swap3A_573, %swap3A_574] {strides = array<i32>} : memref<32x768xf32, #tpu.memory_space<vmem>>, vector<1x16xf32>,
      %swap3A_576 = vector.shape_cast %swap3A_575 : vector<1x16xf32> to vector<16xf32>
      %swap3A_577 = vector.shape_cast %add3A_572 : vector<16xf32> to vector<1x16xf32>
      tpu.vector_store %arg8[%swap3A_573, %swap3A_574], %swap3A_577 {strides = array<i32>} : memref<32x768xf32, #tpu.memory_space<vmem>>, vector<1x16xf32>,
      %get3A_578 = arith.index_cast %scan3A_60 : i32 to index
      %get3A_579 = arith.constant 592 : index
      %get3A_580 = tpu.vector_load %arg8[%get3A_578, %get3A_579] {strides = array<i32>} : memref<32x768xf32, #tpu.memory_space<vmem>>, vector<1x16xf32>,
      %get3A_581 = vector.shape_cast %get3A_580 : vector<1x16xf32> to vector<16xf32>
      %get3A_582 = arith.index_cast %scan3A_60 : i32 to index
      %get3A_583 = arith.constant 592 : index
      %get3A_584 = tpu.vector_load %arg9[%get3A_582, %get3A_583] {strides = array<i32>} : memref<32x768xf32, #tpu.memory_space<vmem>>, vector<1x16xf32>,
      %get3A_585 = vector.shape_cast %get3A_584 : vector<1x16xf32> to vector<16xf32>
      %add3A_586 = arith.addf %get3A_581, %get3A_585 : vector<16xf32>
      %swap3A_587 = arith.index_cast %scan3A_60 : i32 to index
      %swap3A_588 = arith.constant 592 : index
      %swap3A_589 = tpu.vector_load %arg8[%swap3A_587, %swap3A_588] {strides = array<i32>} : memref<32x768xf32, #tpu.memory_space<vmem>>, vector<1x16xf32>,
      %swap3A_590 = vector.shape_cast %swap3A_589 : vector<1x16xf32> to vector<16xf32>
      %swap3A_591 = vector.shape_cast %add3A_586 : vector<16xf32> to vector<1x16xf32>
      tpu.vector_store %arg8[%swap3A_587, %swap3A_588], %swap3A_591 {strides = array<i32>} : memref<32x768xf32, #tpu.memory_space<vmem>>, vector<1x16xf32>,
      %get3A_592 = arith.index_cast %scan3A_60 : i32 to index
      %get3A_593 = arith.constant 608 : index
      %get3A_594 = tpu.vector_load %arg8[%get3A_592, %get3A_593] {strides = array<i32>} : memref<32x768xf32, #tpu.memory_space<vmem>>, vector<1x16xf32>,
      %get3A_595 = vector.shape_cast %get3A_594 : vector<1x16xf32> to vector<16xf32>
      %get3A_596 = arith.index_cast %scan3A_60 : i32 to index
      %get3A_597 = arith.constant 608 : index
      %get3A_598 = tpu.vector_load %arg9[%get3A_596, %get3A_597] {strides = array<i32>} : memref<32x768xf32, #tpu.memory_space<vmem>>, vector<1x16xf32>,
      %get3A_599 = vector.shape_cast %get3A_598 : vector<1x16xf32> to vector<16xf32>
      %add3A_600 = arith.addf %get3A_595, %get3A_599 : vector<16xf32>
      %swap3A_601 = arith.index_cast %scan3A_60 : i32 to index
      %swap3A_602 = arith.constant 608 : index
      %swap3A_603 = tpu.vector_load %arg8[%swap3A_601, %swap3A_602] {strides = array<i32>} : memref<32x768xf32, #tpu.memory_space<vmem>>, vector<1x16xf32>,
      %swap3A_604 = vector.shape_cast %swap3A_603 : vector<1x16xf32> to vector<16xf32>
      %swap3A_605 = vector.shape_cast %add3A_600 : vector<16xf32> to vector<1x16xf32>
      tpu.vector_store %arg8[%swap3A_601, %swap3A_602], %swap3A_605 {strides = array<i32>} : memref<32x768xf32, #tpu.memory_space<vmem>>, vector<1x16xf32>,
      %get3A_606 = arith.index_cast %scan3A_60 : i32 to index
      %get3A_607 = arith.constant 624 : index
      %get3A_608 = tpu.vector_load %arg8[%get3A_606, %get3A_607] {strides = array<i32>} : memref<32x768xf32, #tpu.memory_space<vmem>>, vector<1x16xf32>,
      %get3A_609 = vector.shape_cast %get3A_608 : vector<1x16xf32> to vector<16xf32>
      %get3A_610 = arith.index_cast %scan3A_60 : i32 to index
      %get3A_611 = arith.constant 624 : index
      %get3A_612 = tpu.vector_load %arg9[%get3A_610, %get3A_611] {strides = array<i32>} : memref<32x768xf32, #tpu.memory_space<vmem>>, vector<1x16xf32>,
      %get3A_613 = vector.shape_cast %get3A_612 : vector<1x16xf32> to vector<16xf32>
      %add3A_614 = arith.addf %get3A_609, %get3A_613 : vector<16xf32>
      %swap3A_615 = arith.index_cast %scan3A_60 : i32 to index
      %swap3A_616 = arith.constant 624 : index
      %swap3A_617 = tpu.vector_load %arg8[%swap3A_615, %swap3A_616] {strides = array<i32>} : memref<32x768xf32, #tpu.memory_space<vmem>>, vector<1x16xf32>,
      %swap3A_618 = vector.shape_cast %swap3A_617 : vector<1x16xf32> to vector<16xf32>
      %swap3A_619 = vector.shape_cast %add3A_614 : vector<16xf32> to vector<1x16xf32>
      tpu.vector_store %arg8[%swap3A_615, %swap3A_616], %swap3A_619 {strides = array<i32>} : memref<32x768xf32, #tpu.memory_space<vmem>>, vector<1x16xf32>,
      %get3A_620 = arith.index_cast %scan3A_60 : i32 to index
      %get3A_621 = arith.constant 640 : index
      %get3A_622 = tpu.vector_load %arg8[%get3A_620, %get3A_621] {strides = array<i32>} : memref<32x768xf32, #tpu.memory_space<vmem>>, vector<1x16xf32>,
      %get3A_623 = vector.shape_cast %get3A_622 : vector<1x16xf32> to vector<16xf32>
      %get3A_624 = arith.index_cast %scan3A_60 : i32 to index
      %get3A_625 = arith.constant 640 : index
      %get3A_626 = tpu.vector_load %arg9[%get3A_624, %get3A_625] {strides = array<i32>} : memref<32x768xf32, #tpu.memory_space<vmem>>, vector<1x16xf32>,
      %get3A_627 = vector.shape_cast %get3A_626 : vector<1x16xf32> to vector<16xf32>
      %add3A_628 = arith.addf %get3A_623, %get3A_627 : vector<16xf32>
      %swap3A_629 = arith.index_cast %scan3A_60 : i32 to index
      %swap3A_630 = arith.constant 640 : index
      %swap3A_631 = tpu.vector_load %arg8[%swap3A_629, %swap3A_630] {strides = array<i32>} : memref<32x768xf32, #tpu.memory_space<vmem>>, vector<1x16xf32>,
      %swap3A_632 = vector.shape_cast %swap3A_631 : vector<1x16xf32> to vector<16xf32>
      %swap3A_633 = vector.shape_cast %add3A_628 : vector<16xf32> to vector<1x16xf32>
      tpu.vector_store %arg8[%swap3A_629, %swap3A_630], %swap3A_633 {strides = array<i32>} : memref<32x768xf32, #tpu.memory_space<vmem>>, vector<1x16xf32>,
      %get3A_634 = arith.index_cast %scan3A_60 : i32 to index
      %get3A_635 = arith.constant 656 : index
      %get3A_636 = tpu.vector_load %arg8[%get3A_634, %get3A_635] {strides = array<i32>} : memref<32x768xf32, #tpu.memory_space<vmem>>, vector<1x16xf32>,
      %get3A_637 = vector.shape_cast %get3A_636 : vector<1x16xf32> to vector<16xf32>
      %get3A_638 = arith.index_cast %scan3A_60 : i32 to index
      %get3A_639 = arith.constant 656 : index
      %get3A_640 = tpu.vector_load %arg9[%get3A_638, %get3A_639] {strides = array<i32>} : memref<32x768xf32, #tpu.memory_space<vmem>>, vector<1x16xf32>,
      %get3A_641 = vector.shape_cast %get3A_640 : vector<1x16xf32> to vector<16xf32>
      %add3A_642 = arith.addf %get3A_637, %get3A_641 : vector<16xf32>
      %swap3A_643 = arith.index_cast %scan3A_60 : i32 to index
      %swap3A_644 = arith.constant 656 : index
      %swap3A_645 = tpu.vector_load %arg8[%swap3A_643, %swap3A_644] {strides = array<i32>} : memref<32x768xf32, #tpu.memory_space<vmem>>, vector<1x16xf32>,
      %swap3A_646 = vector.shape_cast %swap3A_645 : vector<1x16xf32> to vector<16xf32>
      %swap3A_647 = vector.shape_cast %add3A_642 : vector<16xf32> to vector<1x16xf32>
      tpu.vector_store %arg8[%swap3A_643, %swap3A_644], %swap3A_647 {strides = array<i32>} : memref<32x768xf32, #tpu.memory_space<vmem>>, vector<1x16xf32>,
      %get3A_648 = arith.index_cast %scan3A_60 : i32 to index
      %get3A_649 = arith.constant 672 : index
      %get3A_650 = tpu.vector_load %arg8[%get3A_648, %get3A_649] {strides = array<i32>} : memref<32x768xf32, #tpu.memory_space<vmem>>, vector<1x16xf32>,
      %get3A_651 = vector.shape_cast %get3A_650 : vector<1x16xf32> to vector<16xf32>
      %get3A_652 = arith.index_cast %scan3A_60 : i32 to index
      %get3A_653 = arith.constant 672 : index
      %get3A_654 = tpu.vector_load %arg9[%get3A_652, %get3A_653] {strides = array<i32>} : memref<32x768xf32, #tpu.memory_space<vmem>>, vector<1x16xf32>,
      %get3A_655 = vector.shape_cast %get3A_654 : vector<1x16xf32> to vector<16xf32>
      %add3A_656 = arith.addf %get3A_651, %get3A_655 : vector<16xf32>
      %swap3A_657 = arith.index_cast %scan3A_60 : i32 to index
      %swap3A_658 = arith.constant 672 : index
      %swap3A_659 = tpu.vector_load %arg8[%swap3A_657, %swap3A_658] {strides = array<i32>} : memref<32x768xf32, #tpu.memory_space<vmem>>, vector<1x16xf32>,
      %swap3A_660 = vector.shape_cast %swap3A_659 : vector<1x16xf32> to vector<16xf32>
      %swap3A_661 = vector.shape_cast %add3A_656 : vector<16xf32> to vector<1x16xf32>
      tpu.vector_store %arg8[%swap3A_657, %swap3A_658], %swap3A_661 {strides = array<i32>} : memref<32x768xf32, #tpu.memory_space<vmem>>, vector<1x16xf32>,
      %get3A_662 = arith.index_cast %scan3A_60 : i32 to index
      %get3A_663 = arith.constant 688 : index
      %get3A_664 = tpu.vector_load %arg8[%get3A_662, %get3A_663] {strides = array<i32>} : memref<32x768xf32, #tpu.memory_space<vmem>>, vector<1x16xf32>,
      %get3A_665 = vector.shape_cast %get3A_664 : vector<1x16xf32> to vector<16xf32>
      %get3A_666 = arith.index_cast %scan3A_60 : i32 to index
      %get3A_667 = arith.constant 688 : index
      %get3A_668 = tpu.vector_load %arg9[%get3A_666, %get3A_667] {strides = array<i32>} : memref<32x768xf32, #tpu.memory_space<vmem>>, vector<1x16xf32>,
      %get3A_669 = vector.shape_cast %get3A_668 : vector<1x16xf32> to vector<16xf32>
      %add3A_670 = arith.addf %get3A_665, %get3A_669 : vector<16xf32>
      %swap3A_671 = arith.index_cast %scan3A_60 : i32 to index
      %swap3A_672 = arith.constant 688 : index
      %swap3A_673 = tpu.vector_load %arg8[%swap3A_671, %swap3A_672] {strides = array<i32>} : memref<32x768xf32, #tpu.memory_space<vmem>>, vector<1x16xf32>,
      %swap3A_674 = vector.shape_cast %swap3A_673 : vector<1x16xf32> to vector<16xf32>
      %swap3A_675 = vector.shape_cast %add3A_670 : vector<16xf32> to vector<1x16xf32>
      tpu.vector_store %arg8[%swap3A_671, %swap3A_672], %swap3A_675 {strides = array<i32>} : memref<32x768xf32, #tpu.memory_space<vmem>>, vector<1x16xf32>,
      %get3A_676 = arith.index_cast %scan3A_60 : i32 to index
      %get3A_677 = arith.constant 704 : index
      %get3A_678 = tpu.vector_load %arg8[%get3A_676, %get3A_677] {strides = array<i32>} : memref<32x768xf32, #tpu.memory_space<vmem>>, vector<1x16xf32>,
      %get3A_679 = vector.shape_cast %get3A_678 : vector<1x16xf32> to vector<16xf32>
      %get3A_680 = arith.index_cast %scan3A_60 : i32 to index
      %get3A_681 = arith.constant 704 : index
      %get3A_682 = tpu.vector_load %arg9[%get3A_680, %get3A_681] {strides = array<i32>} : memref<32x768xf32, #tpu.memory_space<vmem>>, vector<1x16xf32>,
      %get3A_683 = vector.shape_cast %get3A_682 : vector<1x16xf32> to vector<16xf32>
      %add3A_684 = arith.addf %get3A_679, %get3A_683 : vector<16xf32>
      %swap3A_685 = arith.index_cast %scan3A_60 : i32 to index
      %swap3A_686 = arith.constant 704 : index
      %swap3A_687 = tpu.vector_load %arg8[%swap3A_685, %swap3A_686] {strides = array<i32>} : memref<32x768xf32, #tpu.memory_space<vmem>>, vector<1x16xf32>,
      %swap3A_688 = vector.shape_cast %swap3A_687 : vector<1x16xf32> to vector<16xf32>
      %swap3A_689 = vector.shape_cast %add3A_684 : vector<16xf32> to vector<1x16xf32>
      tpu.vector_store %arg8[%swap3A_685, %swap3A_686], %swap3A_689 {strides = array<i32>} : memref<32x768xf32, #tpu.memory_space<vmem>>, vector<1x16xf32>,
      %get3A_690 = arith.index_cast %scan3A_60 : i32 to index
      %get3A_691 = arith.constant 720 : index
      %get3A_692 = tpu.vector_load %arg8[%get3A_690, %get3A_691] {strides = array<i32>} : memref<32x768xf32, #tpu.memory_space<vmem>>, vector<1x16xf32>,
      %get3A_693 = vector.shape_cast %get3A_692 : vector<1x16xf32> to vector<16xf32>
      %get3A_694 = arith.index_cast %scan3A_60 : i32 to index
      %get3A_695 = arith.constant 720 : index
      %get3A_696 = tpu.vector_load %arg9[%get3A_694, %get3A_695] {strides = array<i32>} : memref<32x768xf32, #tpu.memory_space<vmem>>, vector<1x16xf32>,
      %get3A_697 = vector.shape_cast %get3A_696 : vector<1x16xf32> to vector<16xf32>
      %add3A_698 = arith.addf %get3A_693, %get3A_697 : vector<16xf32>
      %swap3A_699 = arith.index_cast %scan3A_60 : i32 to index
      %swap3A_700 = arith.constant 720 : index
      %swap3A_701 = tpu.vector_load %arg8[%swap3A_699, %swap3A_700] {strides = array<i32>} : memref<32x768xf32, #tpu.memory_space<vmem>>, vector<1x16xf32>,
      %swap3A_702 = vector.shape_cast %swap3A_701 : vector<1x16xf32> to vector<16xf32>
      %swap3A_703 = vector.shape_cast %add3A_698 : vector<16xf32> to vector<1x16xf32>
      tpu.vector_store %arg8[%swap3A_699, %swap3A_700], %swap3A_703 {strides = array<i32>} : memref<32x768xf32, #tpu.memory_space<vmem>>, vector<1x16xf32>,
      %get3A_704 = arith.index_cast %scan3A_60 : i32 to index
      %get3A_705 = arith.constant 736 : index
      %get3A_706 = tpu.vector_load %arg8[%get3A_704, %get3A_705] {strides = array<i32>} : memref<32x768xf32, #tpu.memory_space<vmem>>, vector<1x16xf32>,
      %get3A_707 = vector.shape_cast %get3A_706 : vector<1x16xf32> to vector<16xf32>
      %get3A_708 = arith.index_cast %scan3A_60 : i32 to index
      %get3A_709 = arith.constant 736 : index
      %get3A_710 = tpu.vector_load %arg9[%get3A_708, %get3A_709] {strides = array<i32>} : memref<32x768xf32, #tpu.memory_space<vmem>>, vector<1x16xf32>,
      %get3A_711 = vector.shape_cast %get3A_710 : vector<1x16xf32> to vector<16xf32>
      %add3A_712 = arith.addf %get3A_707, %get3A_711 : vector<16xf32>
      %swap3A_713 = arith.index_cast %scan3A_60 : i32 to index
      %swap3A_714 = arith.constant 736 : index
      %swap3A_715 = tpu.vector_load %arg8[%swap3A_713, %swap3A_714] {strides = array<i32>} : memref<32x768xf32, #tpu.memory_space<vmem>>, vector<1x16xf32>,
      %swap3A_716 = vector.shape_cast %swap3A_715 : vector<1x16xf32> to vector<16xf32>
      %swap3A_717 = vector.shape_cast %add3A_712 : vector<16xf32> to vector<1x16xf32>
      tpu.vector_store %arg8[%swap3A_713, %swap3A_714], %swap3A_717 {strides = array<i32>} : memref<32x768xf32, #tpu.memory_space<vmem>>, vector<1x16xf32>,
      %get3A_718 = arith.index_cast %scan3A_60 : i32 to index
      %get3A_719 = arith.constant 752 : index
      %get3A_720 = tpu.vector_load %arg8[%get3A_718, %get3A_719] {strides = array<i32>} : memref<32x768xf32, #tpu.memory_space<vmem>>, vector<1x16xf32>,
      %get3A_721 = vector.shape_cast %get3A_720 : vector<1x16xf32> to vector<16xf32>
      %get3A_722 = arith.index_cast %scan3A_60 : i32 to index
      %get3A_723 = arith.constant 752 : index
      %get3A_724 = tpu.vector_load %arg9[%get3A_722, %get3A_723] {strides = array<i32>} : memref<32x768xf32, #tpu.memory_space<vmem>>, vector<1x16xf32>,
      %get3A_725 = vector.shape_cast %get3A_724 : vector<1x16xf32> to vector<16xf32>
      %add3A_726 = arith.addf %get3A_721, %get3A_725 : vector<16xf32>
      %swap3A_727 = arith.index_cast %scan3A_60 : i32 to index
      %swap3A_728 = arith.constant 752 : index
      %swap3A_729 = tpu.vector_load %arg8[%swap3A_727, %swap3A_728] {strides = array<i32>} : memref<32x768xf32, #tpu.memory_space<vmem>>, vector<1x16xf32>,
      %swap3A_730 = vector.shape_cast %swap3A_729 : vector<1x16xf32> to vector<16xf32>
      %swap3A_731 = vector.shape_cast %add3A_726 : vector<16xf32> to vector<1x16xf32>
      tpu.vector_store %arg8[%swap3A_727, %swap3A_728], %swap3A_731 {strides = array<i32>} : memref<32x768xf32, #tpu.memory_space<vmem>>, vector<1x16xf32>,
      %scan3A_732 = arith.constant 0 : i32
      scf.yield %scan3A_732 : i32
    }
    %scan3A_45 = arith.constant 32 : i32
    %add3A_46 = arith.constant 32 : i32
    %add3A_47 = arith.addi %mul3A_2, %add3A_46 : i32
    %dma_start3A_48 = arith.constant 0 : i32
    %dma_start3A_49 = tpu.memref_slice %arg5[%add3A_47, %dma_start3A_48] : memref<2048x768xf32, #tpu.memory_space<hbm>> -> memref<32x768xf32, #tpu.memory_space<hbm>>
    %dma_start3A_50 = arith.constant 0 : i32
    %dma_start3A_51 = tpu.memref_slice %arg5[%add3A_47, %dma_start3A_50] : memref<2048x768xf32, #tpu.memory_space<hbm>> -> memref<32x768xf32, #tpu.memory_space<hbm>>
    tpu.enqueue_dma source(%arg8 : memref<32x768xf32, #tpu.memory_space<vmem>>) target(%dma_start3A_51 : memref<32x768xf32, #tpu.memory_space<hbm>>) target_semaphore(%arg16 : memref<!tpu.dma_semaphore, #tpu.memory_space<semaphore_mem>>)
    %dma_wait3A_52 = arith.constant 0 : i32
    %dma_wait3A_53 = tpu.memref_slice %arg5[%mul3A_2, %dma_wait3A_52] : memref<2048x768xf32, #tpu.memory_space<hbm>> -> memref<32x768xf32, #tpu.memory_space<hbm>>
    %dma_wait3A_54 = arith.constant 0 : i32
    %dma_wait3A_55 = tpu.memref_slice %arg5[%mul3A_2, %dma_wait3A_54] : memref<2048x768xf32, #tpu.memory_space<hbm>> -> memref<32x768xf32, #tpu.memory_space<hbm>>
    tpu.wait_dma2 semaphore(%arg16 : memref<!tpu.dma_semaphore, #tpu.memory_space<semaphore_mem>>) src(%arg6 : memref<32x768xf32, #tpu.memory_space<vmem>>) dst(%dma_wait3A_55 : memref<32x768xf32, #tpu.memory_space<hbm>>)
    %dma_wait3A_56 = arith.constant 0 : i32
    %dma_wait3A_57 = tpu.memref_slice %arg5[%add3A_47, %dma_wait3A_56] : memref<2048x768xf32, #tpu.memory_space<hbm>> -> memref<32x768xf32, #tpu.memory_space<hbm>>
    %dma_wait3A_58 = arith.constant 0 : i32
    %dma_wait3A_59 = tpu.memref_slice %arg5[%add3A_47, %dma_wait3A_58] : memref<2048x768xf32, #tpu.memory_space<hbm>> -> memref<32x768xf32, #tpu.memory_space<hbm>>
    tpu.wait_dma2 semaphore(%arg16 : memref<!tpu.dma_semaphore, #tpu.memory_space<semaphore_mem>>) src(%arg8 : memref<32x768xf32, #tpu.memory_space<vmem>>) dst(%dma_wait3A_59 : memref<32x768xf32, #tpu.memory_space<hbm>>)
    return
  }
}

#map = affine_map<(d0, d1) -> (0, 0)>
#map1 = affine_map<(d0, d1) -> (0)>
module attributes {stable_mosaic.version = 14 : i64} {
  func.func @k(%arg0: i32, %arg1: i32, %arg2: memref<2048x768xf32, #tpu.memory_space<hbm>>, %arg3: memref<2048xi32, #tpu.memory_space<hbm>>, %arg4: memref<2048xi32, #tpu.memory_space<hbm>>, %arg5: memref<12160x768xf32, #tpu.memory_space<hbm>>, %arg6: memref<64x768xf32, #tpu.memory_space<vmem>>, %arg7: memref<64xi32, #tpu.memory_space<vmem>>, %arg8: memref<64xi32, #tpu.memory_space<vmem>>, %arg9: memref<!tpu.dma_semaphore, #tpu.memory_space<semaphore_mem>>, %arg10: memref<!tpu.dma_semaphore, #tpu.memory_space<semaphore_mem>>) attributes {dimension_semantics = [#tpu.dimension_semantics<core_parallel>, #tpu.dimension_semantics<subcore_parallel>], iteration_bounds = array<i64: 2, 16>, scalar_prefetch = 0 : i64, scratch_operands = 5 : i64, tpu.core_type = #tpu.core_type<sc_vector_subcore>, window_params = [{transform_indices = #map}, {transform_indices = #map1}, {transform_indices = #map1}, {transform_indices = #map}]} {
    %mul3A = arith.constant 2 : i32
    %mul3A_0 = arith.muli %arg1, %mul3A : i32
    %add3A = arith.addi %mul3A_0, %arg0 : i32
    %mul3A_1 = arith.constant 64 : i32
    %mul3A_2 = arith.muli %add3A, %mul3A_1 : i32
    "tpu.region"() ({
      %run_scoped3A = tpu.sem_alloc : memref<!tpu.dma_semaphore, #tpu.memory_space<semaphore_mem>>
      %dma_start3A_13 = arith.constant 0 : i32
      %dma_start3A_14 = tpu.memref_slice %arg2[%mul3A_2, %dma_start3A_13] : memref<2048x768xf32, #tpu.memory_space<hbm>> -> memref<64x768xf32, #tpu.memory_space<hbm>>
      %dma_start3A_15 = arith.constant 0 : i32
      %dma_start3A_16 = tpu.memref_slice %arg2[%mul3A_2, %dma_start3A_15] : memref<2048x768xf32, #tpu.memory_space<hbm>> -> memref<64x768xf32, #tpu.memory_space<hbm>>
      tpu.enqueue_dma source(%dma_start3A_16 : memref<64x768xf32, #tpu.memory_space<hbm>>) target(%arg6 : memref<64x768xf32, #tpu.memory_space<vmem>>) target_semaphore(%run_scoped3A : memref<!tpu.dma_semaphore, #tpu.memory_space<semaphore_mem>>)
      %dma_wait3A_17 = arith.constant 0 : i32
      %dma_wait3A_18 = tpu.memref_slice %arg2[%mul3A_2, %dma_wait3A_17] : memref<2048x768xf32, #tpu.memory_space<hbm>> -> memref<64x768xf32, #tpu.memory_space<hbm>>
      %dma_wait3A_19 = arith.constant 0 : i32
      %dma_wait3A_20 = tpu.memref_slice %arg2[%mul3A_2, %dma_wait3A_19] : memref<2048x768xf32, #tpu.memory_space<hbm>> -> memref<64x768xf32, #tpu.memory_space<hbm>>
      tpu.wait_dma2 semaphore(%run_scoped3A : memref<!tpu.dma_semaphore, #tpu.memory_space<semaphore_mem>>) src(%dma_wait3A_20 : memref<64x768xf32, #tpu.memory_space<hbm>>) dst(%arg6 : memref<64x768xf32, #tpu.memory_space<vmem>>)
      tpu.yield
    }) : () -> ()
    "tpu.region"() ({
      %run_scoped3A = tpu.sem_alloc : memref<!tpu.dma_semaphore, #tpu.memory_space<semaphore_mem>>
      %dma_start3A_13 = tpu.memref_slice %arg3[%mul3A_2] : memref<2048xi32, #tpu.memory_space<hbm>> -> memref<64xi32, #tpu.memory_space<hbm>>
      %dma_start3A_14 = tpu.memref_slice %arg3[%mul3A_2] : memref<2048xi32, #tpu.memory_space<hbm>> -> memref<64xi32, #tpu.memory_space<hbm>>
      tpu.enqueue_dma source(%dma_start3A_14 : memref<64xi32, #tpu.memory_space<hbm>>) target(%arg7 : memref<64xi32, #tpu.memory_space<vmem>>) target_semaphore(%run_scoped3A : memref<!tpu.dma_semaphore, #tpu.memory_space<semaphore_mem>>)
      %dma_wait3A_15 = tpu.memref_slice %arg3[%mul3A_2] : memref<2048xi32, #tpu.memory_space<hbm>> -> memref<64xi32, #tpu.memory_space<hbm>>
      %dma_wait3A_16 = tpu.memref_slice %arg3[%mul3A_2] : memref<2048xi32, #tpu.memory_space<hbm>> -> memref<64xi32, #tpu.memory_space<hbm>>
      tpu.wait_dma2 semaphore(%run_scoped3A : memref<!tpu.dma_semaphore, #tpu.memory_space<semaphore_mem>>) src(%dma_wait3A_16 : memref<64xi32, #tpu.memory_space<hbm>>) dst(%arg7 : memref<64xi32, #tpu.memory_space<vmem>>)
      tpu.yield
    }) : () -> ()
    "tpu.region"() ({
      %run_scoped3A = tpu.sem_alloc : memref<!tpu.dma_semaphore, #tpu.memory_space<semaphore_mem>>
      %dma_start3A_13 = tpu.memref_slice %arg4[%mul3A_2] : memref<2048xi32, #tpu.memory_space<hbm>> -> memref<64xi32, #tpu.memory_space<hbm>>
      %dma_start3A_14 = tpu.memref_slice %arg4[%mul3A_2] : memref<2048xi32, #tpu.memory_space<hbm>> -> memref<64xi32, #tpu.memory_space<hbm>>
      tpu.enqueue_dma source(%dma_start3A_14 : memref<64xi32, #tpu.memory_space<hbm>>) target(%arg8 : memref<64xi32, #tpu.memory_space<vmem>>) target_semaphore(%run_scoped3A : memref<!tpu.dma_semaphore, #tpu.memory_space<semaphore_mem>>)
      %dma_wait3A_15 = tpu.memref_slice %arg4[%mul3A_2] : memref<2048xi32, #tpu.memory_space<hbm>> -> memref<64xi32, #tpu.memory_space<hbm>>
      %dma_wait3A_16 = tpu.memref_slice %arg4[%mul3A_2] : memref<2048xi32, #tpu.memory_space<hbm>> -> memref<64xi32, #tpu.memory_space<hbm>>
      tpu.wait_dma2 semaphore(%run_scoped3A : memref<!tpu.dma_semaphore, #tpu.memory_space<semaphore_mem>>) src(%dma_wait3A_16 : memref<64xi32, #tpu.memory_space<hbm>>) dst(%arg8 : memref<64xi32, #tpu.memory_space<vmem>>)
      tpu.yield
    }) : () -> ()
    %dma_start3A = arith.constant 0 : i32
    %dma_start3A_3 = arith.constant 0 : i32
    %dma_start3A_4 = tpu.memref_slice %arg5[%dma_start3A, %dma_start3A_3] : memref<12160x768xf32, #tpu.memory_space<hbm>> -> memref<12160x768xf32, #tpu.memory_space<hbm>>
    tpu.enqueue_indirect_dma source(%arg6 : memref<64x768xf32, #tpu.memory_space<vmem>>) target(%dma_start3A_4 : memref<12160x768xf32, #tpu.memory_space<hbm>>) offsets(%arg7 : memref<64xi32, #tpu.memory_space<vmem>>) semaphore(%arg9 : memref<!tpu.dma_semaphore, #tpu.memory_space<semaphore_mem>>)
    %dma_start3A_5 = arith.constant 0 : i32
    %dma_start3A_6 = arith.constant 0 : i32
    %dma_start3A_7 = tpu.memref_slice %arg5[%dma_start3A_5, %dma_start3A_6] : memref<12160x768xf32, #tpu.memory_space<hbm>> -> memref<12160x768xf32, #tpu.memory_space<hbm>>
    tpu.enqueue_indirect_dma source(%arg6 : memref<64x768xf32, #tpu.memory_space<vmem>>) target(%dma_start3A_7 : memref<12160x768xf32, #tpu.memory_space<hbm>>) offsets(%arg8 : memref<64xi32, #tpu.memory_space<vmem>>) semaphore(%arg10 : memref<!tpu.dma_semaphore, #tpu.memory_space<semaphore_mem>>)
    %dma_wait3A = arith.constant 0 : i32
    %dma_wait3A_8 = arith.constant 0 : i32
    %dma_wait3A_9 = tpu.memref_slice %arg5[%dma_wait3A, %dma_wait3A_8] : memref<12160x768xf32, #tpu.memory_space<hbm>> -> memref<12160x768xf32, #tpu.memory_space<hbm>>
    tpu.wait_indirect_dma semaphore(%arg9 : memref<!tpu.dma_semaphore, #tpu.memory_space<semaphore_mem>>) src(%arg6 : memref<64x768xf32, #tpu.memory_space<vmem>>) dst(%dma_wait3A_9 : memref<12160x768xf32, #tpu.memory_space<hbm>>)
    %dma_wait3A_10 = arith.constant 0 : i32
    %dma_wait3A_11 = arith.constant 0 : i32
    %dma_wait3A_12 = tpu.memref_slice %arg5[%dma_wait3A_10, %dma_wait3A_11] : memref<12160x768xf32, #tpu.memory_space<hbm>> -> memref<12160x768xf32, #tpu.memory_space<hbm>>
    tpu.wait_indirect_dma semaphore(%arg10 : memref<!tpu.dma_semaphore, #tpu.memory_space<semaphore_mem>>) src(%arg6 : memref<64x768xf32, #tpu.memory_space<vmem>>) dst(%dma_wait3A_12 : memref<12160x768xf32, #tpu.memory_space<hbm>>)
    return
  }
}

module attributes {stable_mosaic.version = 14 : i64} {
  func.func @_gate_kernel(%arg0: i32, %arg1: memref<128x768xf32, #tpu.memory_space<vmem>>, %arg2: memref<768x64xf32, #tpu.memory_space<vmem>>, %arg3: memref<1x64xf32, #tpu.memory_space<vmem>>, %arg4: memref<1x128x1xi32, #tpu.memory_space<vmem>>, %arg5: memref<1x128x1xi32, #tpu.memory_space<vmem>>, %arg6: memref<1x128x1xf32, #tpu.memory_space<vmem>>, %arg7: memref<1x128x1xf32, #tpu.memory_space<vmem>>, %arg8: memref<1x128x1xi32, #tpu.memory_space<vmem>>, %arg9: memref<1x128x1xi32, #tpu.memory_space<vmem>>, %arg10: memref<1x64xf32, #tpu.memory_space<vmem>>) attributes {dimension_semantics = [#tpu.dimension_semantics<arbitrary>], iteration_bounds = array<i64: 16>, scalar_prefetch = 0 : i64, scratch_operands = 0 : i64, tpu.core_type = #tpu.core_type<tc>, window_params = [{transform_indices = @transform_0, window_bounds = array<i64: 128, 768>}, {pipeline_mode = #tpu.pipeline_mode<synchronous>, transform_indices = @transform_1, window_bounds = array<i64: 768, 64>}, {pipeline_mode = #tpu.pipeline_mode<synchronous>, transform_indices = @transform_2, window_bounds = array<i64: 1, 64>}, {transform_indices = @transform_3, window_bounds = array<i64: 1, 128, 1>}, {transform_indices = @transform_4, window_bounds = array<i64: 1, 128, 1>}, {transform_indices = @transform_5, window_bounds = array<i64: 1, 128, 1>}, {transform_indices = @transform_6, window_bounds = array<i64: 1, 128, 1>}, {transform_indices = @transform_7, window_bounds = array<i64: 1, 128, 1>}, {transform_indices = @transform_8, window_bounds = array<i64: 1, 128, 1>}, {pipeline_mode = #tpu.pipeline_mode<synchronous>, transform_indices = @transform_9, window_bounds = array<i64: 1, 64>}]} {
    %eq3A = arith.constant 0 : i32
    %eq3A_0 = arith.cmpi eq, %arg0, %eq3A : i32
    %convert_element_type3A = arith.extui %eq3A_0 : i1 to i32
    %cond3A = arith.constant 0 : i32
    %cond3A_1 = arith.cmpi ne, %convert_element_type3A, %cond3A : i32
    scf.if %cond3A_1 {
      %broadcast_in_dim3A_115 = arith.constant 0.000000e+00 : f32
      %broadcast_in_dim3A_116 = vector.broadcast %broadcast_in_dim3A_115 : f32 to vector<1x64xf32>
      %swap3A_117 = arith.constant 0 : index
      %swap3A_118 = arith.constant 0 : index
      %swap3A_119 = vector.load %arg10[%swap3A_117, %swap3A_118] : memref<1x64xf32, #tpu.memory_space<vmem>>, vector<1x64xf32>
      tpu.vector_store %arg10[%swap3A_117, %swap3A_118], %broadcast_in_dim3A_116 {strides = array<i32>} : memref<1x64xf32, #tpu.memory_space<vmem>>, vector<1x64xf32>,
    } else {
    }
    %get3A = arith.constant 0 : index
    %get3A_2 = arith.constant 0 : index
    %get3A_3 = vector.load %arg1[%get3A, %get3A_2] : memref<128x768xf32, #tpu.memory_space<vmem>>, vector<128x768xf32>
    %get3A_4 = arith.constant 0 : index
    %get3A_5 = arith.constant 0 : index
    %get3A_6 = vector.load %arg2[%get3A_4, %get3A_5] : memref<768x64xf32, #tpu.memory_space<vmem>>, vector<768x64xf32>
    %dot_general3A = arith.constant dense<0.000000e+00> : vector<128x64xf32>
    %dot_general3A_7 = tpu.matmul %get3A_3, %get3A_6, %dot_general3A {dimension_numbers = #tpu.dot_dimension_numbers<[1], [0], [0], [1], [0, 0, 1, 1], [], []>, transpose_lhs_hint = false} : vector<128x768xf32>, vector<768x64xf32>, vector<128x64xf32> -> vector<128x64xf32>
    %get3A_8 = arith.constant 0 : index
    %get3A_9 = arith.constant 0 : index
    %get3A_10 = vector.load %arg3[%get3A_8, %get3A_9] : memref<1x64xf32, #tpu.memory_space<vmem>>, vector<1x64xf32>
    %add3A = vector.broadcast %get3A_10 : vector<1x64xf32> to vector<128x64xf32>
    %add3A_11 = arith.addf %dot_general3A_7, %add3A : vector<128x64xf32>
    %reduce_max3A = arith.constant dense<0xFF800000> : vector<128xf32>
    %reduce_max3A_12 = vector.multi_reduction <maximumf>, %add3A_11, %reduce_max3A [1] : vector<128x64xf32> to vector<128xf32>
    %broadcast_in_dim3A = vector.shape_cast %reduce_max3A_12 : vector<128xf32> to vector<128x1xf32>
    %sub3A = vector.broadcast %broadcast_in_dim3A : vector<128x1xf32> to vector<128x64xf32>
    %sub3A_13 = arith.subf %add3A_11, %sub3A : vector<128x64xf32>
    %exp3A = math.exp %sub3A_13 : vector<128x64xf32>
    %reduce_sum3A = arith.constant dense<0.000000e+00> : vector<128xf32>
    %reduce_sum3A_14 = vector.multi_reduction <add>, %exp3A, %reduce_sum3A [1] : vector<128x64xf32> to vector<128xf32>
    %broadcast_in_dim3A_15 = vector.shape_cast %reduce_sum3A_14 : vector<128xf32> to vector<128x1xf32>
    %div3A = vector.broadcast %broadcast_in_dim3A_15 : vector<128x1xf32> to vector<128x64xf32>
    %div3A_16 = arith.divf %exp3A, %div3A : vector<128x64xf32>
    %iota3A = tpu.iota {dimensions = array<i32: 1>} : vector<128x64xi32>
    %reduce_max3A_17 = arith.constant dense<0xFF800000> : vector<128xf32>
    %reduce_max3A_18 = vector.multi_reduction <maximumf>, %div3A_16, %reduce_max3A_17 [1] : vector<128x64xf32> to vector<128xf32>
    %broadcast_in_dim3A_19 = vector.shape_cast %reduce_max3A_18 : vector<128xf32> to vector<128x1xf32>
    %eq3A_20 = vector.broadcast %broadcast_in_dim3A_19 : vector<128x1xf32> to vector<128x64xf32>
    %eq3A_21 = arith.cmpf oeq, %div3A_16, %eq3A_20 : vector<128x64xf32>
    %jit3A = arith.constant 64 : i32
    %broadcast_in_dim3A_22 = vector.broadcast %jit3A : i32 to vector<128x64xi32>
    %select_n3A = arith.select %eq3A_21, %iota3A, %broadcast_in_dim3A_22 : vector<128x64xi1>, vector<128x64xi32>
    %reduce_min3A = arith.constant dense<2147483647> : vector<128xi32>
    %reduce_min3A_23 = vector.multi_reduction <minsi>, %select_n3A, %reduce_min3A [1] : vector<128x64xi32> to vector<128xi32>
    %broadcast_in_dim3A_24 = vector.shape_cast %reduce_min3A_23 : vector<128xi32> to vector<128x1xi32>
    %eq3A_25 = vector.broadcast %broadcast_in_dim3A_24 : vector<128x1xi32> to vector<128x64xi32>
    %eq3A_26 = arith.cmpi eq, %iota3A, %eq3A_25 : vector<128x64xi32>
    %jit3A_27 = arith.constant -1.000000e+00 : f32
    %broadcast_in_dim3A_28 = vector.broadcast %jit3A_27 : f32 to vector<128x64xf32>
    %select_n3A_29 = arith.select %eq3A_26, %broadcast_in_dim3A_28, %div3A_16 : vector<128x64xi1>, vector<128x64xf32>
    %reduce_max3A_30 = arith.constant dense<0xFF800000> : vector<128xf32>
    %reduce_max3A_31 = vector.multi_reduction <maximumf>, %select_n3A_29, %reduce_max3A_30 [1] : vector<128x64xf32> to vector<128xf32>
    %broadcast_in_dim3A_32 = vector.shape_cast %reduce_max3A_31 : vector<128xf32> to vector<128x1xf32>
    %eq3A_33 = vector.broadcast %broadcast_in_dim3A_32 : vector<128x1xf32> to vector<128x64xf32>
    %eq3A_34 = arith.cmpf oeq, %select_n3A_29, %eq3A_33 : vector<128x64xf32>
    %jit3A_35 = arith.constant 64 : i32
    %broadcast_in_dim3A_36 = vector.broadcast %jit3A_35 : i32 to vector<128x64xi32>
    %select_n3A_37 = arith.select %eq3A_34, %iota3A, %broadcast_in_dim3A_36 : vector<128x64xi1>, vector<128x64xi32>
    %reduce_min3A_38 = arith.constant dense<2147483647> : vector<128xi32>
    %reduce_min3A_39 = vector.multi_reduction <minsi>, %select_n3A_37, %reduce_min3A_38 [1] : vector<128x64xi32> to vector<128xi32>
    %broadcast_in_dim3A_40 = vector.shape_cast %reduce_min3A_39 : vector<128xi32> to vector<128x1xi32>
    %eq3A_41 = vector.broadcast %broadcast_in_dim3A_40 : vector<128x1xi32> to vector<128x64xi32>
    %eq3A_42 = arith.cmpi eq, %iota3A, %eq3A_41 : vector<128x64xi32>
    %add3A_43 = arith.addf %broadcast_in_dim3A_19, %broadcast_in_dim3A_32 : vector<128x1xf32>
    %convert_element_type3A_44 = arith.extui %eq3A_26 : vector<128x64xi1> to vector<128x64xi32>
    %convert_element_type3A_45 = arith.sitofp %convert_element_type3A_44 : vector<128x64xi32> to vector<128x64xf32>
    %convert_element_type3A_46 = arith.extui %eq3A_42 : vector<128x64xi1> to vector<128x64xi32>
    %convert_element_type3A_47 = arith.sitofp %convert_element_type3A_46 : vector<128x64xi32> to vector<128x64xf32>
    %iota3A_48 = tpu.iota {dimensions = array<i32: 0>} : vector<128x128xi32>
    %iota3A_49 = tpu.iota {dimensions = array<i32: 1>} : vector<128x128xi32>
    %gt3A = arith.cmpi sgt, %iota3A_48, %iota3A_49 : vector<128x128xi32>
    %convert_element_type3A_50 = arith.extui %gt3A : vector<128x128xi1> to vector<128x128xi32>
    %convert_element_type3A_51 = arith.sitofp %convert_element_type3A_50 : vector<128x128xi32> to vector<128x128xf32>
    %dot_general3A_52 = arith.constant dense<0.000000e+00> : vector<128x64xf32>
    %dot_general3A_53 = tpu.matmul %convert_element_type3A_51, %convert_element_type3A_45, %dot_general3A_52 {dimension_numbers = #tpu.dot_dimension_numbers<[1], [0], [0], [1], [0, 0, 1, 1], [], []>, transpose_lhs_hint = false} : vector<128x128xf32>, vector<128x64xf32>, vector<128x64xf32> -> vector<128x64xf32>
    %dot_general3A_54 = arith.constant dense<0.000000e+00> : vector<128x64xf32>
    %dot_general3A_55 = tpu.matmul %convert_element_type3A_51, %convert_element_type3A_47, %dot_general3A_54 {dimension_numbers = #tpu.dot_dimension_numbers<[1], [0], [0], [1], [0, 0, 1, 1], [], []>, transpose_lhs_hint = false} : vector<128x128xf32>, vector<128x64xf32>, vector<128x64xf32> -> vector<128x64xf32>
    %get3A_56 = arith.constant 0 : index
    %get3A_57 = arith.constant 0 : index
    %get3A_58 = vector.load %arg10[%get3A_56, %get3A_57] : memref<1x64xf32, #tpu.memory_space<vmem>>, vector<1x64xf32>
    %add3A_59 = vector.broadcast %get3A_58 : vector<1x64xf32> to vector<128x64xf32>
    %add3A_60 = arith.addf %add3A_59, %dot_general3A_53 : vector<128x64xf32>
    %mul3A = arith.mulf %add3A_60, %convert_element_type3A_45 : vector<128x64xf32>
    %reduce_sum3A_61 = arith.constant dense<0.000000e+00> : vector<128xf32>
    %reduce_sum3A_62 = vector.multi_reduction <add>, %mul3A, %reduce_sum3A_61 [1] : vector<128x64xf32> to vector<128xf32>
    %broadcast_in_dim3A_63 = vector.shape_cast %reduce_sum3A_62 : vector<128xf32> to vector<128x1xf32>
    %reduce_sum3A_64 = arith.constant dense<0.000000e+00> : vector<64xf32>
    %reduce_sum3A_65 = vector.multi_reduction <add>, %convert_element_type3A_45, %reduce_sum3A_64 [0] : vector<128x64xf32> to vector<64xf32>
    %broadcast_in_dim3A_66 = vector.shape_cast %reduce_sum3A_65 : vector<64xf32> to vector<1x64xf32>
    %add3A_67 = arith.addf %get3A_58, %broadcast_in_dim3A_66 : vector<1x64xf32>
    %add3A_68 = vector.broadcast %add3A_67 : vector<1x64xf32> to vector<128x64xf32>
    %add3A_69 = arith.addf %add3A_68, %dot_general3A_55 : vector<128x64xf32>
    %mul3A_70 = arith.mulf %add3A_69, %convert_element_type3A_47 : vector<128x64xf32>
    %reduce_sum3A_71 = arith.constant dense<0.000000e+00> : vector<128xf32>
    %reduce_sum3A_72 = vector.multi_reduction <add>, %mul3A_70, %reduce_sum3A_71 [1] : vector<128x64xf32> to vector<128xf32>
    %broadcast_in_dim3A_73 = vector.shape_cast %reduce_sum3A_72 : vector<128xf32> to vector<128x1xf32>
    %add3A_74 = arith.addf %get3A_58, %broadcast_in_dim3A_66 : vector<1x64xf32>
    %reduce_sum3A_75 = arith.constant dense<0.000000e+00> : vector<64xf32>
    %reduce_sum3A_76 = vector.multi_reduction <add>, %convert_element_type3A_47, %reduce_sum3A_75 [0] : vector<128x64xf32> to vector<64xf32>
    %broadcast_in_dim3A_77 = vector.shape_cast %reduce_sum3A_76 : vector<64xf32> to vector<1x64xf32>
    %add3A_78 = arith.addf %add3A_74, %broadcast_in_dim3A_77 : vector<1x64xf32>
    %swap3A = arith.constant 0 : index
    %swap3A_79 = arith.constant 0 : index
    %swap3A_80 = vector.load %arg10[%swap3A, %swap3A_79] : memref<1x64xf32, #tpu.memory_space<vmem>>, vector<1x64xf32>
    tpu.vector_store %arg10[%swap3A, %swap3A_79], %add3A_78 {strides = array<i32>} : memref<1x64xf32, #tpu.memory_space<vmem>>, vector<1x64xf32>,
    %broadcast_in_dim3A_81 = vector.shape_cast %broadcast_in_dim3A_24 : vector<128x1xi32> to vector<1x128x1xi32>
    %swap3A_82 = arith.constant 0 : index
    %swap3A_83 = arith.constant 0 : index
    %swap3A_84 = arith.constant 0 : index
    %swap3A_85 = vector.load %arg4[%swap3A_82, %swap3A_83, %swap3A_84] : memref<1x128x1xi32, #tpu.memory_space<vmem>>, vector<1x128x1xi32>
    tpu.vector_store %arg4[%swap3A_82, %swap3A_83, %swap3A_84], %broadcast_in_dim3A_81 {strides = array<i32>} : memref<1x128x1xi32, #tpu.memory_space<vmem>>, vector<1x128x1xi32>,
    %broadcast_in_dim3A_86 = vector.shape_cast %broadcast_in_dim3A_40 : vector<128x1xi32> to vector<1x128x1xi32>
    %swap3A_87 = arith.constant 0 : index
    %swap3A_88 = arith.constant 0 : index
    %swap3A_89 = arith.constant 0 : index
    %swap3A_90 = vector.load %arg5[%swap3A_87, %swap3A_88, %swap3A_89] : memref<1x128x1xi32, #tpu.memory_space<vmem>>, vector<1x128x1xi32>
    tpu.vector_store %arg5[%swap3A_87, %swap3A_88, %swap3A_89], %broadcast_in_dim3A_86 {strides = array<i32>} : memref<1x128x1xi32, #tpu.memory_space<vmem>>, vector<1x128x1xi32>,
    %div3A_91 = arith.divf %broadcast_in_dim3A_19, %add3A_43 : vector<128x1xf32>
    %broadcast_in_dim3A_92 = vector.shape_cast %div3A_91 : vector<128x1xf32> to vector<1x128x1xf32>
    %swap3A_93 = arith.constant 0 : index
    %swap3A_94 = arith.constant 0 : index
    %swap3A_95 = arith.constant 0 : index
    %swap3A_96 = vector.load %arg6[%swap3A_93, %swap3A_94, %swap3A_95] : memref<1x128x1xf32, #tpu.memory_space<vmem>>, vector<1x128x1xf32>
    tpu.vector_store %arg6[%swap3A_93, %swap3A_94, %swap3A_95], %broadcast_in_dim3A_92 {strides = array<i32>} : memref<1x128x1xf32, #tpu.memory_space<vmem>>, vector<1x128x1xf32>,
    %div3A_97 = arith.divf %broadcast_in_dim3A_32, %add3A_43 : vector<128x1xf32>
    %broadcast_in_dim3A_98 = vector.shape_cast %div3A_97 : vector<128x1xf32> to vector<1x128x1xf32>
    %swap3A_99 = arith.constant 0 : index
    %swap3A_100 = arith.constant 0 : index
    %swap3A_101 = arith.constant 0 : index
    %swap3A_102 = vector.load %arg7[%swap3A_99, %swap3A_100, %swap3A_101] : memref<1x128x1xf32, #tpu.memory_space<vmem>>, vector<1x128x1xf32>
    tpu.vector_store %arg7[%swap3A_99, %swap3A_100, %swap3A_101], %broadcast_in_dim3A_98 {strides = array<i32>} : memref<1x128x1xf32, #tpu.memory_space<vmem>>, vector<1x128x1xf32>,
    %convert_element_type3A_103 = arith.fptosi %broadcast_in_dim3A_63 : vector<128x1xf32> to vector<128x1xi32>
    %broadcast_in_dim3A_104 = vector.shape_cast %convert_element_type3A_103 : vector<128x1xi32> to vector<1x128x1xi32>
    %swap3A_105 = arith.constant 0 : index
    %swap3A_106 = arith.constant 0 : index
    %swap3A_107 = arith.constant 0 : index
    %swap3A_108 = vector.load %arg8[%swap3A_105, %swap3A_106, %swap3A_107] : memref<1x128x1xi32, #tpu.memory_space<vmem>>, vector<1x128x1xi32>
    tpu.vector_store %arg8[%swap3A_105, %swap3A_106, %swap3A_107], %broadcast_in_dim3A_104 {strides = array<i32>} : memref<1x128x1xi32, #tpu.memory_space<vmem>>, vector<1x128x1xi32>,
    %convert_element_type3A_109 = arith.fptosi %broadcast_in_dim3A_73 : vector<128x1xf32> to vector<128x1xi32>
    %broadcast_in_dim3A_110 = vector.shape_cast %convert_element_type3A_109 : vector<128x1xi32> to vector<1x128x1xi32>
    %swap3A_111 = arith.constant 0 : index
    %swap3A_112 = arith.constant 0 : index
    %swap3A_113 = arith.constant 0 : index
    %swap3A_114 = vector.load %arg9[%swap3A_111, %swap3A_112, %swap3A_113] : memref<1x128x1xi32, #tpu.memory_space<vmem>>, vector<1x128x1xi32>
    tpu.vector_store %arg9[%swap3A_111, %swap3A_112, %swap3A_113], %broadcast_in_dim3A_110 {strides = array<i32>} : memref<1x128x1xi32, #tpu.memory_space<vmem>>, vector<1x128x1xi32>,
    return
  }
  func.func @transform_0(%arg0: i32) -> (i32, i32) {
    %c0_i32 = arith.constant 0 : i32
    %c0_i32_0 = arith.constant 0 : i32
    return %arg0, %c0_i32 : i32, i32
  }
  func.func @transform_1(%arg0: i32) -> (i32, i32) {
    %c0_i32 = arith.constant 0 : i32
    %c0_i32_0 = arith.constant 0 : i32
    %c0_i32_1 = arith.constant 0 : i32
    return %c0_i32, %c0_i32_0 : i32, i32
  }
  func.func @transform_2(%arg0: i32) -> (i32, i32) {
    %c0_i32 = arith.constant 0 : i32
    %c0_i32_0 = arith.constant 0 : i32
    %c0_i32_1 = arith.constant 0 : i32
    return %c0_i32, %c0_i32_0 : i32, i32
  }
  func.func @transform_3(%arg0: i32) -> (i32, i32, i32) {
    %c0_i32 = arith.constant 0 : i32
    %c0_i32_0 = arith.constant 0 : i32
    %c0_i32_1 = arith.constant 0 : i32
    return %arg0, %c0_i32, %c0_i32_0 : i32, i32, i32
  }
  func.func @transform_4(%arg0: i32) -> (i32, i32, i32) {
    %c0_i32 = arith.constant 0 : i32
    %c0_i32_0 = arith.constant 0 : i32
    %c0_i32_1 = arith.constant 0 : i32
    return %arg0, %c0_i32, %c0_i32_0 : i32, i32, i32
  }
  func.func @transform_5(%arg0: i32) -> (i32, i32, i32) {
    %c0_i32 = arith.constant 0 : i32
    %c0_i32_0 = arith.constant 0 : i32
    %c0_i32_1 = arith.constant 0 : i32
    return %arg0, %c0_i32, %c0_i32_0 : i32, i32, i32
  }
  func.func @transform_6(%arg0: i32) -> (i32, i32, i32) {
    %c0_i32 = arith.constant 0 : i32
    %c0_i32_0 = arith.constant 0 : i32
    %c0_i32_1 = arith.constant 0 : i32
    return %arg0, %c0_i32, %c0_i32_0 : i32, i32, i32
  }
  func.func @transform_7(%arg0: i32) -> (i32, i32, i32) {
    %c0_i32 = arith.constant 0 : i32
    %c0_i32_0 = arith.constant 0 : i32
    %c0_i32_1 = arith.constant 0 : i32
    return %arg0, %c0_i32, %c0_i32_0 : i32, i32, i32
  }
  func.func @transform_8(%arg0: i32) -> (i32, i32, i32) {
    %c0_i32 = arith.constant 0 : i32
    %c0_i32_0 = arith.constant 0 : i32
    %c0_i32_1 = arith.constant 0 : i32
    return %arg0, %c0_i32, %c0_i32_0 : i32, i32, i32
  }
  func.func @transform_9(%arg0: i32) -> (i32, i32) {
    %c0_i32 = arith.constant 0 : i32
    %c0_i32_0 = arith.constant 0 : i32
    %c0_i32_1 = arith.constant 0 : i32
    return %c0_i32, %c0_i32_0 : i32, i32
  }
}

module attributes {stable_mosaic.version = 14 : i64} {
  func.func @_expert_kernel(%arg0: i32, %arg1: memref<95xi32, #tpu.memory_space<smem>>, %arg2: memref<1xi32, #tpu.memory_space<smem>>, %arg3: memref<128x768xf32, #tpu.memory_space<vmem>>, %arg4: memref<1x768x1536xf32, #tpu.memory_space<vmem>>, %arg5: memref<1x1x1536xf32, #tpu.memory_space<vmem>>, %arg6: memref<1x1536x768xf32, #tpu.memory_space<vmem>>, %arg7: memref<1x1x768xf32, #tpu.memory_space<vmem>>, %arg8: memref<128x1xf32, #tpu.memory_space<vmem>>, %arg9: memref<128x768xf32, #tpu.memory_space<vmem>>) attributes {dimension_semantics = [#tpu.dimension_semantics<arbitrary>], iteration_bounds = array<i64: 95>, scalar_prefetch = 2 : i64, scratch_operands = 0 : i64, tpu.core_type = #tpu.core_type<tc>, window_params = [{transform_indices = @transform_0, window_bounds = array<i64: 128, 768>}, {transform_indices = @transform_1, window_bounds = array<i64: 1, 768, 1536>}, {transform_indices = @transform_2, window_bounds = array<i64: 1, 1, 1536>}, {transform_indices = @transform_3, window_bounds = array<i64: 1, 1536, 768>}, {transform_indices = @transform_4, window_bounds = array<i64: 1, 1, 768>}, {transform_indices = @transform_5, window_bounds = array<i64: 128, 1>}, {transform_indices = @transform_6, window_bounds = array<i64: 128, 768>}]} {
    %get3A = arith.constant 0 : index
    %get3A_0 = memref.load %arg2[%get3A] : memref<1xi32, #tpu.memory_space<smem>>
    %lt3A = arith.cmpi slt, %arg0, %get3A_0 : i32
    %convert_element_type3A = arith.extui %lt3A : i1 to i32
    %cond3A = arith.constant 0 : i32
    %cond3A_1 = arith.cmpi ne, %convert_element_type3A, %cond3A : i32
    scf.if %cond3A_1 {
      %get3A_2 = arith.constant 0 : index
      %get3A_3 = arith.constant 0 : index
      %get3A_4 = vector.load %arg3[%get3A_2, %get3A_3] : memref<128x768xf32, #tpu.memory_space<vmem>>, vector<128x768xf32>
      %get3A_5 = arith.constant 0 : index
      %get3A_6 = arith.constant 0 : index
      %get3A_7 = arith.constant 0 : index
      %get3A_8 = vector.load %arg4[%get3A_5, %get3A_6, %get3A_7] : memref<1x768x1536xf32, #tpu.memory_space<vmem>>, vector<1x768x1536xf32>
      %get3A_9 = vector.shape_cast %get3A_8 : vector<1x768x1536xf32> to vector<768x1536xf32>
      %dot_general3A = arith.constant dense<0.000000e+00> : vector<128x1536xf32>
      %dot_general3A_10 = tpu.matmul %get3A_4, %get3A_9, %dot_general3A {dimension_numbers = #tpu.dot_dimension_numbers<[1], [0], [0], [1], [0, 0, 1, 1], [], []>, transpose_lhs_hint = false} : vector<128x768xf32>, vector<768x1536xf32>, vector<128x1536xf32> -> vector<128x1536xf32>
      %get3A_11 = arith.constant 0 : index
      %get3A_12 = arith.constant 0 : index
      %get3A_13 = arith.constant 0 : index
      %get3A_14 = vector.load %arg5[%get3A_11, %get3A_12, %get3A_13] : memref<1x1x1536xf32, #tpu.memory_space<vmem>>, vector<1x1x1536xf32>
      %get3A_15 = vector.shape_cast %get3A_14 : vector<1x1x1536xf32> to vector<1x1536xf32>
      %add3A = vector.broadcast %get3A_15 : vector<1x1536xf32> to vector<128x1536xf32>
      %add3A_16 = arith.addf %dot_general3A_10, %add3A : vector<128x1536xf32>
      %max3A = arith.constant 0.000000e+00 : f32
      %max3A_17 = vector.broadcast %max3A : f32 to vector<128x1536xf32>
      %max3A_18 = arith.maximumf %add3A_16, %max3A_17 : vector<128x1536xf32>
      %get3A_19 = arith.constant 0 : index
      %get3A_20 = arith.constant 0 : index
      %get3A_21 = arith.constant 0 : index
      %get3A_22 = vector.load %arg6[%get3A_19, %get3A_20, %get3A_21] : memref<1x1536x768xf32, #tpu.memory_space<vmem>>, vector<1x1536x768xf32>
      %get3A_23 = vector.shape_cast %get3A_22 : vector<1x1536x768xf32> to vector<1536x768xf32>
      %dot_general3A_24 = arith.constant dense<0.000000e+00> : vector<128x768xf32>
      %dot_general3A_25 = tpu.matmul %max3A_18, %get3A_23, %dot_general3A_24 {dimension_numbers = #tpu.dot_dimension_numbers<[1], [0], [0], [1], [0, 0, 1, 1], [], []>, transpose_lhs_hint = false} : vector<128x1536xf32>, vector<1536x768xf32>, vector<128x768xf32> -> vector<128x768xf32>
      %get3A_26 = arith.constant 0 : index
      %get3A_27 = arith.constant 0 : index
      %get3A_28 = arith.constant 0 : index
      %get3A_29 = vector.load %arg7[%get3A_26, %get3A_27, %get3A_28] : memref<1x1x768xf32, #tpu.memory_space<vmem>>, vector<1x1x768xf32>
      %get3A_30 = vector.shape_cast %get3A_29 : vector<1x1x768xf32> to vector<1x768xf32>
      %add3A_31 = vector.broadcast %get3A_30 : vector<1x768xf32> to vector<128x768xf32>
      %add3A_32 = arith.addf %dot_general3A_25, %add3A_31 : vector<128x768xf32>
      %get3A_33 = arith.constant 0 : index
      %get3A_34 = arith.constant 0 : index
      %get3A_35 = vector.load %arg8[%get3A_33, %get3A_34] : memref<128x1xf32, #tpu.memory_space<vmem>>, vector<128x1xf32>
      %mul3A = vector.broadcast %get3A_35 : vector<128x1xf32> to vector<128x768xf32>
      %mul3A_36 = arith.mulf %add3A_32, %mul3A : vector<128x768xf32>
      %swap3A = arith.constant 0 : index
      %swap3A_37 = arith.constant 0 : index
      %swap3A_38 = vector.load %arg9[%swap3A, %swap3A_37] : memref<128x768xf32, #tpu.memory_space<vmem>>, vector<128x768xf32>
      tpu.vector_store %arg9[%swap3A, %swap3A_37], %mul3A_36 {strides = array<i32>} : memref<128x768xf32, #tpu.memory_space<vmem>>, vector<128x768xf32>,
    } else {
    }
    return
  }
  func.func @transform_0(%arg0: i32, %arg1: memref<95xi32, #tpu.memory_space<smem>>, %arg2: memref<1xi32, #tpu.memory_space<smem>>) -> (i32, i32) {
    %get3A = arith.constant 0 : index
    %get3A_0 = memref.load %arg2[%get3A] : memref<1xi32, #tpu.memory_space<smem>>
    %sub3A = arith.constant 1 : i32
    %sub3A_1 = arith.subi %get3A_0, %sub3A : i32
    %min3A = arith.minsi %arg0, %sub3A_1 : i32
    %c0_i32 = arith.constant 0 : i32
    %c0_i32_2 = arith.constant 0 : i32
    return %min3A, %c0_i32 : i32, i32
  }
  func.func @transform_1(%arg0: i32, %arg1: memref<95xi32, #tpu.memory_space<smem>>, %arg2: memref<1xi32, #tpu.memory_space<smem>>) -> (i32, i32, i32) {
    %get3A = arith.index_cast %arg0 : i32 to index
    %get3A_0 = memref.load %arg1[%get3A] : memref<95xi32, #tpu.memory_space<smem>>
    %c0_i32 = arith.constant 0 : i32
    %c0_i32_1 = arith.constant 0 : i32
    %c0_i32_2 = arith.constant 0 : i32
    return %get3A_0, %c0_i32, %c0_i32_1 : i32, i32, i32
  }
  func.func @transform_2(%arg0: i32, %arg1: memref<95xi32, #tpu.memory_space<smem>>, %arg2: memref<1xi32, #tpu.memory_space<smem>>) -> (i32, i32, i32) {
    %get3A = arith.index_cast %arg0 : i32 to index
    %get3A_0 = memref.load %arg1[%get3A] : memref<95xi32, #tpu.memory_space<smem>>
    %c0_i32 = arith.constant 0 : i32
    %c0_i32_1 = arith.constant 0 : i32
    %c0_i32_2 = arith.constant 0 : i32
    return %get3A_0, %c0_i32, %c0_i32_1 : i32, i32, i32
  }
  func.func @transform_3(%arg0: i32, %arg1: memref<95xi32, #tpu.memory_space<smem>>, %arg2: memref<1xi32, #tpu.memory_space<smem>>) -> (i32, i32, i32) {
    %get3A = arith.index_cast %arg0 : i32 to index
    %get3A_0 = memref.load %arg1[%get3A] : memref<95xi32, #tpu.memory_space<smem>>
    %c0_i32 = arith.constant 0 : i32
    %c0_i32_1 = arith.constant 0 : i32
    %c0_i32_2 = arith.constant 0 : i32
    return %get3A_0, %c0_i32, %c0_i32_1 : i32, i32, i32
  }
  func.func @transform_4(%arg0: i32, %arg1: memref<95xi32, #tpu.memory_space<smem>>, %arg2: memref<1xi32, #tpu.memory_space<smem>>) -> (i32, i32, i32) {
    %get3A = arith.index_cast %arg0 : i32 to index
    %get3A_0 = memref.load %arg1[%get3A] : memref<95xi32, #tpu.memory_space<smem>>
    %c0_i32 = arith.constant 0 : i32
    %c0_i32_1 = arith.constant 0 : i32
    %c0_i32_2 = arith.constant 0 : i32
    return %get3A_0, %c0_i32, %c0_i32_1 : i32, i32, i32
  }
  func.func @transform_5(%arg0: i32, %arg1: memref<95xi32, #tpu.memory_space<smem>>, %arg2: memref<1xi32, #tpu.memory_space<smem>>) -> (i32, i32) {
    %get3A = arith.constant 0 : index
    %get3A_0 = memref.load %arg2[%get3A] : memref<1xi32, #tpu.memory_space<smem>>
    %sub3A = arith.constant 1 : i32
    %sub3A_1 = arith.subi %get3A_0, %sub3A : i32
    %min3A = arith.minsi %arg0, %sub3A_1 : i32
    %c0_i32 = arith.constant 0 : i32
    %c0_i32_2 = arith.constant 0 : i32
    return %min3A, %c0_i32 : i32, i32
  }
  func.func @transform_6(%arg0: i32, %arg1: memref<95xi32, #tpu.memory_space<smem>>, %arg2: memref<1xi32, #tpu.memory_space<smem>>) -> (i32, i32) {
    %get3A = arith.constant 0 : index
    %get3A_0 = memref.load %arg2[%get3A] : memref<1xi32, #tpu.memory_space<smem>>
    %sub3A = arith.constant 1 : i32
    %sub3A_1 = arith.subi %get3A_0, %sub3A : i32
    %min3A = arith.minsi %arg0, %sub3A_1 : i32
    %c0_i32 = arith.constant 0 : i32
    %c0_i32_2 = arith.constant 0 : i32
    return %min3A, %c0_i32 : i32, i32
  }
}

</mosaic_0001>

<sc_bundles>
// kernel: kernel.6.cloned.1.call-start
scs
__scs_entry_jumppad:
0x0: {  	(pc) =	sbr.rel $0x88, $3  }
0x1: {  	(tag) =	ssettag $0x0;
	lr =	simm.s32 $0x1  }
0x2: {  	[smem:$0x3F9A] =	sst lr;
	_ =	strace $0xD0000000  }
0x3: {  	_ = 	snop  }
0x4: {  	_ = 	snop  }
0x5: {  	_ = 	snop  }
0x6: {  	_ = 	snop  }
0x7: {  	_ = 	snop  }
__scs_overlays_trampoline_lowered:
0x8: {  	[smem:$0x3FA9] =	sst s0  }
0x9: {  	[smem:$0x3FAA] =	sst s1  }
0xa: {  	[smem:$0x3FAB] =	sst s2  }
0xb: {  	[smem:$0x3FAC] =	sst s3  }
0xc: {  	[smem:$0x3FAD] =	sst s4  }
0xd: {  	[smem:$0x3FAE] =	sst s5  }
0xe: {  	[smem:$0x3FAF] =	sst s6  }
0xf: {  	[smem:$0x3FB0] =	sst s7  }
0x10: {  	[smem:$0x3FB1] =	sst s8  }
0x11: {  	[smem:$0x3FB2] =	sst s9;
	s0 =	simm.s32 @!p0 $0x0  }
0x12: {  	s1 =	sld [smem:$0x3F98];
	s0 =	simm.s32 @p0 $0x1  }
0x13: {  	[smem:$0x3FB3] =	sst s0;
	s0 =	simm.s32 @!p1 $0x0  }
0x14: {  	s2 =	sld [smem:$0x3F97];
	s0 =	simm.s32 @p1 $0x1  }
0x15: {  	[smem:$0x3FB4] =	sst s0;
	s0 =	simm.s32 @!p2 $0x0  }
0x16: {  	s3 =	sld [smem:$0x3FDB];
	s0 =	simm.s32 @p2 $0x1  }
0x17: {  	s4 =	simm.s32 $0x1BF5;
	[smem:$0x3FB6] =	sst s0  }
0x18: {  	s0 =	sld [smem:$0x3F99];
	_ =	swait.ge [sflag:s4], $0x0  }
0x19: {  	s7 =	sld [smem:$0x3F9A]  }
0x1a: {  	s8 =	sadd.s32 $0xFFFFE003, lr  }
0x1b: {  	s9 =	sadd.s32 $0xFFFFFEF7, lr;
	s5 =	simm.s32 $0xFFFFFFFF;
	p2 =	slt.u32 s8, $0xFFFFF086  }
0x1c: {  	p1 =	slt.u32 s9, $0xF7A;
	s5 =	simm.s32 @!p2 $0x0  }
0x1d: {  	s5 =	simm.s32 @p1 $0x1;
	p0 =	seq.s32 s7, s2  }
0x1e: {  	s7 =	smul.u32 @!p0 $0xF7A, s2;
	p2 =	seq.s32 @!p0 s5, $0x0  }
0x1f: {  	s9 =	smul.u32 $0xF7A, s1;
	s8 =	simm.s32 @!p0 $0x1BF5;
	p2 =	por !p2, p0  }
0x20: {  	[sflag:s8] =	ssyncset.s32 @!p0 $0xFFFFF086;
	s6 =	sadd.s32 @!p0 s3, s7;
	s7 =	simm.s32 @!p0 $0x108  }
0x21: {  	s3 =	sadd.s32 s3, s9;
	s6 =	sadd.s32 @!p0 $0x88, s6;
	s7 =	simm.s32 @p2 $0x1082  }
0x22: {  	[simem:s7], [sflag:s8] =	dma.local @!p0 [hbm:s6], $0xF7A  }
0x23: {  	s9 =	sor.u32 $0xD0000000, s2;
	s6 =	simm.s32 $0x108;
	_ =	swait.ge @!p0 [sflag:s8], $0x0  }
0x24: {  	s3 =	sadd.s32 $0x88, s3;
	s6 =	simm.s32 @!p1 $0x1082;
	[sflag:s4] =	ssyncset.s32 $0xFFFFF086  }
0x25: {  	[simem:s6], [sflag:s4] =	dma.local [hbm:s3], $0xF7A  }
0x26: {  	[smem:$0x3F9A] =	sst s1;
	(tag) =	ssettag s2;
	_ =	strace s9  }
0x27: {  	s1 =	sld [smem:$0x3FAA]  }
0x28: {  	s2 =	sld [smem:$0x3FAB]  }
0x29: {  	s4 =	sld [smem:$0x3FAD]  }
0x2a: {  	p0 =	seq.s32 s5, $0x0;
	s5 =	sld [smem:$0x3FAE]  }
0x2b: {  	s6 =	sld [smem:$0x3FAF]  }
0x2c: {  	s7 =	sld [smem:$0x3FB0]  }
0x2d: {  	s3 =	simm.s32 $0x108;
	s8 =	sld [smem:$0x3FB1]  }
0x2e: {  	s3 =	simm.s32 @!p0 $0x1082;
	s9 =	sld [smem:$0x3FB2]  }
0x2f: {  	lr =	sadd.s32 s0, s3;
	s0 =	sld [smem:$0x3FA9]  }
0x30: {  	s3 =	sld [smem:$0x3FAC]  }
0x31: {  	[smem:$0x3FB5] =	sst s10  }
0x32: {  	s10 =	sld [smem:$0x3FB3];
	_ =	sdelay $0x3  }
0x33: {  	p0 =	seq.s32 s10, $0x1;
	s10 =	sld [smem:$0x3FB5];
	_ =	sdelay $0x3  }
0x34: {  	[smem:$0x3FB5] =	sst s10  }
0x35: {  	s10 =	sld [smem:$0x3FB4];
	_ =	sdelay $0x3  }
0x36: {  	p1 =	seq.s32 s10, $0x1;
	s10 =	sld [smem:$0x3FB5];
	_ =	sdelay $0x3  }
0x37: {  	[smem:$0x3FB5] =	sst s10  }
0x38: {  	s10 =	sld [smem:$0x3FB6]  }
0x39: {  	_ = 	snop;
	(pc) =	sbr.ind lr, $3  }
0x3a: {  	_ = 	snop  }
0x3b: {  	_ = 	snop  }
0x3c: {  	p2 =	seq.s32 s10, $0x1;
	s10 =	sld [smem:$0x3FB5]  }
0x3d: {  	_ =	shalt  }
0x3e: {  	_ =	shalt  }
0x3f: {  	_ =	shalt  }
0x40: {  	_ =	shalt  }
0x41: {  	_ =	shalt  }
0x42: {  	_ =	shalt  }
0x43: {  	_ =	shalt  }
0x44: {  	_ =	shalt  }
0x45: {  	_ =	shalt  }
0x46: {  	_ =	shalt  }
0x47: {  	_ =	shalt  }
0x48: {  	_ =	shalt  }
0x49: {  	_ =	shalt  }
0x4a: {  	_ =	shalt  }
0x4b: {  	_ =	shalt  }
0x4c: {  	_ =	shalt  }
0x4d: {  	_ =	shalt  }
0x4e: {  	_ =	shalt  }
0x4f: {  	_ =	shalt  }
0x50: {  	_ =	shalt  }
0x51: {  	_ =	shalt  }
0x52: {  	_ =	shalt  }
0x53: {  	_ =	shalt  }
0x54: {  	_ =	shalt  }
0x55: {  	_ =	shalt  }
0x56: {  	_ =	shalt  }
0x57: {  	_ =	shalt  }
0x58: {  	_ =	shalt  }
0x59: {  	_ =	shalt  }
0x5a: {  	_ =	shalt  }
0x5b: {  	_ =	shalt  }
0x5c: {  	_ =	shalt  }
0x5d: {  	_ =	shalt  }
0x5e: {  	_ =	shalt  }
0x5f: {  	_ =	shalt  }
0x60: {  	_ =	shalt  }
0x61: {  	_ =	shalt  }
0x62: {  	_ =	shalt  }
0x63: {  	_ =	shalt  }
0x64: {  	_ =	shalt  }
0x65: {  	_ =	shalt  }
0x66: {  	_ =	shalt  }
0x67: {  	_ =	shalt  }
0x68: {  	_ =	shalt  }
0x69: {  	_ =	shalt  }
0x6a: {  	_ =	shalt  }
0x6b: {  	_ =	shalt  }
0x6c: {  	_ =	shalt  }
0x6d: {  	_ =	shalt  }
0x6e: {  	_ =	shalt  }
0x6f: {  	_ =	shalt  }
0x70: {  	_ =	shalt  }
0x71: {  	_ =	shalt  }
0x72: {  	_ =	shalt  }
0x73: {  	_ =	shalt  }
0x74: {  	_ =	shalt  }
0x75: {  	_ =	shalt  }
0x76: {  	_ =	shalt  }
0x77: {  	_ =	shalt  }
0x78: {  	_ =	shalt  }
0x79: {  	_ =	shalt  }
0x7a: {  	_ =	shalt  }
0x7b: {  	_ =	shalt  }
0x7c: {  	_ =	shalt  }
0x7d: {  	_ =	shalt  }
0x7e: {  	_ =	shalt  }
0x7f: {  	_ =	shalt  }
0x80: {  	_ =	shalt  }
0x81: {  	_ =	shalt  }
0x82: {  	_ =	shalt  }
0x83: {  	_ =	shalt  }
0x84: {  	_ =	shalt  }
0x85: {  	_ =	shalt  }
0x86: {  	_ =	shalt  }
0x87: {  	_ =	shalt  }
.Lfunc_end0:
.L_simem_size_0:
called_computation_lowered:
.L_overlay_start_0:
0x88: {  	s2 =	sld [smem:$0x3FD9]  }
0x89: {  	s3 =	sld [smem:$0x3FFE];
	_ =	sdelay $0x1  }
0x8a: {  	s1 =	srdreg.scid  }
0x8b: {  	s0 =	sand.u32 $0x1, s1  }
0x8c: {  	s17 =	sshll.u32 s0, $0xA;
	s2 =	sadd.s32 s3, s2  }
0x8d: {  	s2 =	sadd.s32 s2, s17  }
0x8e: {  	[smem:$0x3FC1] =	sst s2  }
0x8f: {  	_ = 	snop  }
0x90: {  	s2 =	sld [smem:$0x3FC9];
	(tm) =	ssettm $0x1  }
0x91: {  	s18 =	sld [smem:$0x3FFB];
	_ =	sdelay $0x3  }
0x92: {  	_ =	strace s18  }
0x93: {  	s3 =	sld [smem:$0x3FFC];
	_ =	sdelay $0x3  }
0x94: {  	_ =	strace s3  }
0x95: {  	s3 =	sld [smem:$0x3FFD];
	_ =	sdelay $0x3  }
0x96: {  	_ =	strace s3  }
0x97: {  	_ =	strace $0x8FFFFFFF  }
0x98: {  	s19 =	sld [smem:$0x3FDB];
	_ =	sdelay $0x1  }
0x99: {  	s4 =	simm.s32 $_scs_section_size  }
0x9a: {  	s5 =	simm.s32 $_size__tile_overlayer_lowered;
	s6 =	simm.s32 $_tile_overlayer_lowered  }
0x9b: {  	s22 =	simm.s32 $0x1BFF;
	s21 =	sshll.u32 s6, $0x1;
	s3 =	sadd.s32 s4, s19  }
0x9c: {  	s7 =	simm.s32 $0x0;
	s20 =	sshll.u32 s5, $0x1;
	s5 =	sadd.s32 s21, s3  }
0x9d: {  	[timem:s7], [sflag:s22] =	dma.local [hbm:s5], s20  }
0x9e: {  	_ =	swait.ge [sflag:s22], s20  }
0x9f: {  	s4 =	ssub.s32 $0x0, s20;
	[sflag:s22] =	ssyncset.done $0x0  }
0xa0: {  	[sflag:s22] =	ssyncadd.s32 s4;
	_ =	sdelay $0x1  }
0xa1: {  	s23 =	simm.s32 $0x1B8B  }
0xa2: {  	_ =	swait.ge [sflag:s23], $0x1  }
0xa3: {  	[sflag:s23] =	ssyncset.done $0x0  }
0xa4: {  	s25 =	simm.s32 $0x1B8E;
	s24 =	sld [smem:$0x3FFE];
	[sflag:s23] =	ssyncadd.s32 $0xFFFFFFFF  }
0xa5: {  	s26 =	simm.s32 $execute0_lowered;
	[smem:$0x3FD2] =	sst s25  }
0xa6: {  	s5 =	sshll.u32 s26, $0x1;
	_ =	strace $0x80000046;
	[dreg:$0x1] =	wrdreg $0xFFFFFFFF  }
0xa7: {  	s28 =	simm.s32 $_size_execute0_lowered;
	s3 =	sadd.s32 s3, s5;
	[dreg:$0x0] =	wrdreg $0x0  }
0xa8: {  	s5 =	sshll.u32 s28, $0x1;
	[dreg:$0x2] =	wrdreg s3  }
0xa9: {  	[dreg:$0x3] =	wrdreg s5  }
0xaa: {  	[dreg:$0x4] =	wrdreg $0xC0  }
0xab: {  	_ =	task [dreg:s7], $0x5FFFF  }
0xac: {  	[dreg:$0x1] =	wrdreg $0xFFFFFFFF  }
0xad: {  	[dreg:$0x0] =	wrdreg $0x60  }
0xae: {  	[dreg:$0x2] =	wrdreg s2  }
0xaf: {  	[dreg:$0x3] =	wrdreg s24  }
0xb0: {  	[dreg:$0x4] =	wrdreg $0x9  }
0xb1: {  	_ =	task.clear_ibuf [dreg:s7], $0x5FFFF;
	_ =	strace $0x90000046  }
0xb2: {  	s29 =	simm.s32 $0x9;
	_ =	strace $0x80000048  }
0xb3: {  	_ =	swait.ge [sflag:s29], $0x1  }
0xb4: {  	[sflag:s29] =	ssyncadd.s32 $0xFFFFFFFF  }
0xb5: {  	_ =	strace $0x90000048  }
0xb6: {  	_ =	sfence  }
0xb7: {  	s30 =	sld [smem:$0x0];
	_ =	sdelay $0x2  }
0xb8: {  	s31 =	sshll.u32 s1, $0xD;
	s1 =	sshrl.u32 s1, $0x2  }
0xb9: {  	s3 =	sand.u32 $0x4000, s31;
	s1 =	sadd.s32 s1, s30  }
0xba: {  	s0 =	sor.u32 s3, s0;
	s1 =	sshll.u32 s1, $0x11  }
0xbb: {  	s0 =	sor.u32 s1, s0  }
0xbc: {  	s0 =	sadd.s32 $0x8F2B, s0  }
0xbd: {  	[sflag:s0] =	ssyncadd.remote.s32 $0x1  }
0xbe: {  	_ =	sfence.sel $0xFFFF  }
0xbf: {  	[dreg:$0x0] =	wrdreg $0xFFFFFFFF;
	(pc) =	sbr.abs _section_cstart, $3  }
0xc0: {  	[dreg:$0x1] =	wrdreg $0xFFFFFFFF  }
0xc1: {  	_ =	task.clear_ibuf [dreg:s7], $0x2FFFF;
	_ =	strace $0x9FFFFFFF  }
0xc2: {  	(tm) =	ssettm $0x7FFFFFFF  }
0xc3: {  	_ =	shalt  }
tec
execute0_lowered:
.L_overlay_start_1:
0x0: {  	(tag) =	ssettag $0x1  }
0x1: {  	s0 =	srdreg.scid;
	s1 =	rddreg [dreg:$0x0]  }
0x2: {  	s2 =	stileid.u32;
	s3 =	rddreg [dreg:$0x1];
	s25 =	simm.s32 $0xC000  }
0x3: {  	s26 =	simm.s32 $0xC080;
	s8 =	simm.s32 $0x3;
	s11 =	simm.s32 $0x1800  }
0x4: {  	s12 =	simm.s32 $0x2000;
	s13 =	simm.s32 $0x2800;
	s14 =	simm.s32 $0x3000  }
0x5: {  	s15 =	simm.s32 $0x3800;
	s16 =	simm.s32 $0x4000;
	s17 =	simm.s32 $0x4800  }
0x6: {  	s18 =	simm.s32 $0x5000;
	s19 =	simm.s32 $0x5800;
	s20 =	simm.s32 $0x6000  }
0x7: {  	s21 =	simm.s32 $0x6800;
	s22 =	simm.s32 $0x7000;
	s28 =	simm.s32 $0x9800  }
0x8: {  	s29 =	simm.s32 $0xA000;
	s30 =	simm.s32 $0xA800;
	s31 =	simm.s32 $0xB000  }
0x9: {  	s0 =	sand.u32 $0x1, s0;
	s4 =	sshll.u32 s2, $0x4;
	s2 =	simm.s32 $0x0  }
0xa: {  	s6 =	sadd.s32 $0x600, s3;
	s5 =	sshll.u32 s0, $0x3;
	[smem:$0x7FF] =	sst s2  }
0xb: {  	s0 =	ssub.s32 $0x2, s0;
	_ =	strace $0x80000047;
	[dreg:$0x5] =	wrdreg s25  }
0xc: {  	s4 =	sor.u32 s5, s4;
	s23 =	sshrl.u32 s0, $0x1;
	[dreg:$0x6] =	wrdreg s26  }
0xd: {  	s25 =	simm.s32 $0x8800;
	s26 =	simm.s32 $0x9000;
	s5 =	smul.u32 $0x300, s4  }
0xe: {  	s4 =	sadd.s32 s3, s4;
	s0 =	ssub.s32 s0, s23;
	s23 =	simm.s32 $0x7800  }
0xf: {  	[dreg:$0x7] =	wrdreg s4;
	s24 =	sadd.s32 $0x200, s4;
	s4 =	sadd.s32 $0x400, s3  }
0x10: {  	v2 =	vlaneseq.u32;
	s7 =	smax.u32 s0, $0x1;
	s0 =	simm.s32 $0x1;
	s1 =	sadd.s32 s1, s5  }
0x11: {  	vm0 =	vmmov $0xffff;
	v1 =	vshrl.u32 v2, $0x3;
	[dreg:$0x4] =	wrdreg s24;
	s5 =	sadd.s32 $0x500, s3;
	s24 =	simm.s32 $0x8000  }
0x12: {  	v0 =	vand.u32 $0x7, v2;
	v2 =	vor.u32 $0x8, v2;
	v1 =	vmul.u32 $0x8, v1;
	s3 =	simm.s32 $0x2;
	[dreg:$0x3] =	wrdreg s1;
	s1 =	simm.s32 $0xB800  }
.LBB2_1:
0x13: {  	s9 =	rddreg [dreg:$0x3]  }
0x14: {  	[tilespmem:s2], [sflag:$0x3] =	stream.linear.gather [hbm4b:s9+s2], $0xC000, $0x38;
	[tilespmem:$0xC100] =	vst v63  }
0x15: {  	_ =	swait.ge [sflag:s8], $0xC000  }
0x16: {  	s9 =	rddreg [dreg:$0x4];
	[sflag:s8] =	ssyncset.done $0x0  }
0x17: {  	s10 =	rddreg [dreg:$0x5];
	[sflag:s8] =	ssyncadd.s32 $0xFFFF4000  }
0x18: {  	[tilespmem:s10], [sflag:$0x3] =	stream.linear.gather [hbm4b:s9+s2], $0x40, $0x38;
	[tilespmem:$0xC100] =	vst v63  }
0x19: {  	_ =	swait.ge [sflag:s8], $0x40  }
0x1a: {  	s9 =	rddreg [dreg:$0x6];
	[sflag:s8] =	ssyncset.done $0x0  }
0x1b: {  	s10 =	rddreg [dreg:$0x7];
	[sflag:s8] =	ssyncadd.s32 $0xFFFFFFC0  }
0x1c: {  	[tilespmem:s9], [sflag:$0x3] =	stream.linear.gather [hbm4b:s10+s2], $0x40, $0x38;
	[tilespmem:$0xC100] =	vst v63  }
0x1d: {  	_ =	swait.ge [sflag:s8], $0x40  }
0x1e: {  	[sflag:s8] =	ssyncset.done $0x0  }
0x1f: {  	[sflag:s8] =	ssyncadd.s32 $0xFFFFFFC0  }
0x20: {  	v3 =	vld [tilespmem:$0xC000];
	_ =	sdelay $0x4  }
0x21: {  	v4 =	vshrl.u32 v3, $0x3  }
0x22: {  	v4 =	vmul.u32 $0x30, v4  }
0x23: {  	v3 =	vand.u32 $0x7, v3  }
0x24: {  	v3 =	vor.u32 v3, v4  }
0x25: {  	v4 =	vperm.xlane v3, v0;
	_ =	sdelay $0x1  }
0x26: {  	v4 =	vadd.s32 v1, v4;
	_ =	sdelay $0x3  }
0x27: {  	v3 =	vperm.xlane v3, v2  }
0x28: {  	[hbm4b:s4+s2] =	stream.indirect_vreg.scatter [tilespmem:s2], [sflag:$0x1], $0x80, v4, vm0, $0xb8;
	[tilespmem:$0xC100] =	vst v63  }
0x29: {  	s9 =	simm.s32 $0x800;
	v3 =	vadd.s32 v1, v3  }
0x2a: {  	[hbm4b:s5+s2] =	stream.indirect_vreg.scatter [tilespmem:s9], [sflag:$0x1], $0x80, v4, vm0, $0xb8;
	[tilespmem:$0xC100] =	vst v63  }
0x2b: {  	s10 =	simm.s32 $0x1000  }
0x2c: {  	[hbm4b:s6+s2] =	stream.indirect_vreg.scatter [tilespmem:s10], [sflag:$0x1], $0x80, v4, vm0, $0xb8;
	[tilespmem:$0xC100] =	vst v63  }
0x2d: {  	_ = 	snop  }
0x2e: {  	[hbm4b:s4+s2] =	stream.indirect_vreg.scatter [tilespmem:s11], [sflag:$0x1], $0x80, v3, vm0, $0xb8;
	[tilespmem:$0xC100] =	vst v63  }
0x2f: {  	_ = 	snop  }
0x30: {  	[hbm4b:s5+s2] =	stream.indirect_vreg.scatter [tilespmem:s12], [sflag:$0x1], $0x80, v3, vm0, $0xb8;
	[tilespmem:$0xC100] =	vst v63  }
0x31: {  	_ = 	snop  }
0x32: {  	[hbm4b:s6+s2] =	stream.indirect_vreg.scatter [tilespmem:s13], [sflag:$0x1], $0x80, v3, vm0, $0xb8;
	[tilespmem:$0xC100] =	vst v63  }
0x33: {  	v3 =	vld [tilespmem:$0xC010];
	_ =	sdelay $0x4  }
0x34: {  	v57 =	vshrl.u32 v3, $0x3  }
0x35: {  	v4 =	vmul.u32 $0x30, v57  }
0x36: {  	v3 =	vand.u32 $0x7, v3  }
0x37: {  	v3 =	vor.u32 v3, v4  }
0x38: {  	v4 =	vperm.xlane v3, v0;
	_ =	sdelay $0x1  }
0x39: {  	v4 =	vadd.s32 v1, v4;
	_ =	sdelay $0x3  }
0x3a: {  	v3 =	vperm.xlane v3, v2  }
0x3b: {  	[hbm4b:s4+s2] =	stream.indirect_vreg.scatter [tilespmem:s14], [sflag:$0x1], $0x80, v4, vm0, $0xb8;
	[tilespmem:$0xC100] =	vst v63  }
0x3c: {  	v3 =	vadd.s32 v1, v3  }
0x3d: {  	[hbm4b:s5+s2] =	stream.indirect_vreg.scatter [tilespmem:s15], [sflag:$0x1], $0x80, v4, vm0, $0xb8;
	[tilespmem:$0xC100] =	vst v63  }
0x3e: {  	_ = 	snop  }
0x3f: {  	[hbm4b:s6+s2] =	stream.indirect_vreg.scatter [tilespmem:s16], [sflag:$0x1], $0x80, v4, vm0, $0xb8;
	[tilespmem:$0xC100] =	vst v63  }
0x40: {  	_ = 	snop  }
0x41: {  	[hbm4b:s4+s2] =	stream.indirect_vreg.scatter [tilespmem:s17], [sflag:$0x1], $0x80, v3, vm0, $0xb8;
	[tilespmem:$0xC100] =	vst v63  }
0x42: {  	_ = 	snop  }
0x43: {  	[hbm4b:s5+s2] =	stream.indirect_vreg.scatter [tilespmem:s18], [sflag:$0x1], $0x80, v3, vm0, $0xb8;
	[tilespmem:$0xC100] =	vst v63  }
0x44: {  	_ = 	snop  }
0x45: {  	[hbm4b:s6+s2] =	stream.indirect_vreg.scatter [tilespmem:s19], [sflag:$0x1], $0x80, v3, vm0, $0xb8;
	[tilespmem:$0xC100] =	vst v63  }
0x46: {  	v3 =	vld [tilespmem:$0xC020];
	_ =	sdelay $0x4  }
0x47: {  	v58 =	vshrl.u32 v3, $0x3  }
0x48: {  	v4 =	vmul.u32 $0x30, v58  }
0x49: {  	v3 =	vand.u32 $0x7, v3  }
0x4a: {  	v3 =	vor.u32 v3, v4  }
0x4b: {  	v4 =	vperm.xlane v3, v0;
	_ =	sdelay $0x1  }
0x4c: {  	v4 =	vadd.s32 v1, v4;
	_ =	sdelay $0x3  }
0x4d: {  	v3 =	vperm.xlane v3, v2  }
0x4e: {  	[hbm4b:s4+s2] =	stream.indirect_vreg.scatter [tilespmem:s20], [sflag:$0x1], $0x80, v4, vm0, $0xb8;
	[tilespmem:$0xC100] =	vst v63  }
0x4f: {  	v3 =	vadd.s32 v1, v3  }
0x50: {  	[hbm4b:s5+s2] =	stream.indirect_vreg.scatter [tilespmem:s21], [sflag:$0x1], $0x80, v4, vm0, $0xb8;
	[tilespmem:$0xC100] =	vst v63  }
0x51: {  	_ = 	snop  }
0x52: {  	[hbm4b:s6+s2] =	stream.indirect_vreg.scatter [tilespmem:s22], [sflag:$0x1], $0x80, v4, vm0, $0xb8;
	[tilespmem:$0xC100] =	vst v63  }
0x53: {  	_ = 	snop  }
0x54: {  	[hbm4b:s4+s2] =	stream.indirect_vreg.scatter [tilespmem:s23], [sflag:$0x1], $0x80, v3, vm0, $0xb8;
	[tilespmem:$0xC100] =	vst v63  }
0x55: {  	_ = 	snop  }
0x56: {  	[hbm4b:s5+s2] =	stream.indirect_vreg.scatter [tilespmem:s24], [sflag:$0x1], $0x80, v3, vm0, $0xb8;
	[tilespmem:$0xC100] =	vst v63  }
0x57: {  	_ = 	snop  }
0x58: {  	[hbm4b:s6+s2] =	stream.indirect_vreg.scatter [tilespmem:s25], [sflag:$0x1], $0x80, v3, vm0, $0xb8;
	[tilespmem:$0xC100] =	vst v63  }
0x59: {  	v3 =	vld [tilespmem:$0xC030];
	_ =	sdelay $0x4  }
0x5a: {  	v59 =	vshrl.u32 v3, $0x3  }
0x5b: {  	v4 =	vmul.u32 $0x30, v59  }
0x5c: {  	v3 =	vand.u32 $0x7, v3  }
0x5d: {  	v3 =	vor.u32 v3, v4  }
0x5e: {  	v4 =	vperm.xlane v3, v0;
	_ =	sdelay $0x1  }
0x5f: {  	v4 =	vadd.s32 v1, v4;
	_ =	sdelay $0x3  }
0x60: {  	v3 =	vperm.xlane v3, v2  }
0x61: {  	[hbm4b:s4+s2] =	stream.indirect_vreg.scatter [tilespmem:s26], [sflag:$0x1], $0x80, v4, vm0, $0xb8;
	[tilespmem:$0xC100] =	vst v63  }
0x62: {  	v3 =	vadd.s32 v1, v3  }
0x63: {  	[hbm4b:s5+s2] =	stream.indirect_vreg.scatter [tilespmem:s28], [sflag:$0x1], $0x80, v4, vm0, $0xb8;
	[tilespmem:$0xC100] =	vst v63  }
0x64: {  	_ = 	snop  }
0x65: {  	[hbm4b:s6+s2] =	stream.indirect_vreg.scatter [tilespmem:s29], [sflag:$0x1], $0x80, v4, vm0, $0xb8;
	[tilespmem:$0xC100] =	vst v63  }
0x66: {  	_ = 	snop  }
0x67: {  	[hbm4b:s4+s2] =	stream.indirect_vreg.scatter [tilespmem:s30], [sflag:$0x1], $0x80, v3, vm0, $0xb8;
	[tilespmem:$0xC100] =	vst v63  }
0x68: {  	_ = 	snop  }
0x69: {  	[hbm4b:s5+s2] =	stream.indirect_vreg.scatter [tilespmem:s31], [sflag:$0x1], $0x80, v3, vm0, $0xb8;
	[tilespmem:$0xC100] =	vst v63  }
0x6a: {  	_ = 	snop  }
0x6b: {  	[hbm4b:s6+s2] =	stream.indirect_vreg.scatter [tilespmem:s1], [sflag:$0x1], $0x80, v3, vm0, $0xb8;
	[tilespmem:$0xC100] =	vst v63  }
0x6c: {  	v3 =	vld [tilespmem:$0xC080];
	_ =	sdelay $0x4  }
0x6d: {  	v60 =	vshrl.u32 v3, $0x3  }
0x6e: {  	v4 =	vmul.u32 $0x30, v60  }
0x6f: {  	v3 =	vand.u32 $0x7, v3  }
0x70: {  	v3 =	vor.u32 v3, v4  }
0x71: {  	v4 =	vperm.xlane v3, v0;
	_ =	sdelay $0x1  }
0x72: {  	v4 =	vadd.s32 v1, v4;
	_ =	sdelay $0x3  }
0x73: {  	v3 =	vperm.xlane v3, v2  }
0x74: {  	[hbm4b:s4+s2] =	stream.indirect_vreg.scatter [tilespmem:s2], [sflag:$0x2], $0x80, v4, vm0, $0xb8;
	[tilespmem:$0xC100] =	vst v63  }
0x75: {  	v3 =	vadd.s32 v1, v3  }
0x76: {  	[hbm4b:s5+s2] =	stream.indirect_vreg.scatter [tilespmem:s9], [sflag:$0x2], $0x80, v4, vm0, $0xb8;
	[tilespmem:$0xC100] =	vst v63  }
0x77: {  	_ = 	snop  }
0x78: {  	[hbm4b:s6+s2] =	stream.indirect_vreg.scatter [tilespmem:s10], [sflag:$0x2], $0x80, v4, vm0, $0xb8;
	[tilespmem:$0xC100] =	vst v63  }
0x79: {  	_ = 	snop  }
0x7a: {  	[hbm4b:s4+s2] =	stream.indirect_vreg.scatter [tilespmem:s11], [sflag:$0x2], $0x80, v3, vm0, $0xb8;
	[tilespmem:$0xC100] =	vst v63  }
0x7b: {  	_ = 	snop  }
0x7c: {  	[hbm4b:s5+s2] =	stream.indirect_vreg.scatter [tilespmem:s12], [sflag:$0x2], $0x80, v3, vm0, $0xb8;
	[tilespmem:$0xC100] =	vst v63  }
0x7d: {  	_ = 	snop  }
0x7e: {  	[hbm4b:s6+s2] =	stream.indirect_vreg.scatter [tilespmem:s13], [sflag:$0x2], $0x80, v3, vm0, $0xb8;
	[tilespmem:$0xC100] =	vst v63  }
0x7f: {  	v3 =	vld [tilespmem:$0xC090];
	_ =	sdelay $0x4  }
0x80: {  	v61 =	vshrl.u32 v3, $0x3  }
0x81: {  	v4 =	vmul.u32 $0x30, v61  }
0x82: {  	v3 =	vand.u32 $0x7, v3  }
0x83: {  	v3 =	vor.u32 v3, v4  }
0x84: {  	v4 =	vperm.xlane v3, v0;
	_ =	sdelay $0x1  }
0x85: {  	v4 =	vadd.s32 v1, v4;
	_ =	sdelay $0x3  }
0x86: {  	v3 =	vperm.xlane v3, v2  }
0x87: {  	[hbm4b:s4+s2] =	stream.indirect_vreg.scatter [tilespmem:s14], [sflag:$0x2], $0x80, v4, vm0, $0xb8;
	[tilespmem:$0xC100] =	vst v63  }
0x88: {  	v3 =	vadd.s32 v1, v3  }
0x89: {  	[hbm4b:s5+s2] =	stream.indirect_vreg.scatter [tilespmem:s15], [sflag:$0x2], $0x80, v4, vm0, $0xb8;
	[tilespmem:$0xC100] =	vst v63  }
0x8a: {  	_ = 	snop  }
0x8b: {  	[hbm4b:s6+s2] =	stream.indirect_vreg.scatter [tilespmem:s16], [sflag:$0x2], $0x80, v4, vm0, $0xb8;
	[tilespmem:$0xC100] =	vst v63  }
0x8c: {  	_ = 	snop  }
0x8d: {  	[hbm4b:s4+s2] =	stream.indirect_vreg.scatter [tilespmem:s17], [sflag:$0x2], $0x80, v3, vm0, $0xb8;
	[tilespmem:$0xC100] =	vst v63  }
0x8e: {  	_ = 	snop  }
0x8f: {  	[hbm4b:s5+s2] =	stream.indirect_vreg.scatter [tilespmem:s18], [sflag:$0x2], $0x80, v3, vm0, $0xb8;
	[tilespmem:$0xC100] =	vst v63  }
0x90: {  	_ = 	snop  }
0x91: {  	[hbm4b:s6+s2] =	stream.indirect_vreg.scatter [tilespmem:s19], [sflag:$0x2], $0x80, v3, vm0, $0xb8;
	[tilespmem:$0xC100] =	vst v63  }
0x92: {  	v3 =	vld [tilespmem:$0xC0A0];
	_ =	sdelay $0x4  }
0x93: {  	v62 =	vshrl.u32 v3, $0x3  }
0x94: {  	v4 =	vmul.u32 $0x30, v62  }
0x95: {  	v3 =	vand.u32 $0x7, v3  }
0x96: {  	v3 =	vor.u32 v3, v4  }
0x97: {  	v4 =	vperm.xlane v3, v0;
	_ =	sdelay $0x1  }
0x98: {  	v4 =	vadd.s32 v1, v4;
	_ =	sdelay $0x3  }
0x99: {  	v3 =	vperm.xlane v3, v2  }
0x9a: {  	[hbm4b:s4+s2] =	stream.indirect_vreg.scatter [tilespmem:s20], [sflag:$0x2], $0x80, v4, vm0, $0xb8;
	[tilespmem:$0xC100] =	vst v63  }
0x9b: {  	v3 =	vadd.s32 v1, v3  }
0x9c: {  	[hbm4b:s5+s2] =	stream.indirect_vreg.scatter [tilespmem:s21], [sflag:$0x2], $0x80, v4, vm0, $0xb8;
	[tilespmem:$0xC100] =	vst v63  }
0x9d: {  	_ = 	snop  }
0x9e: {  	[hbm4b:s6+s2] =	stream.indirect_vreg.scatter [tilespmem:s22], [sflag:$0x2], $0x80, v4, vm0, $0xb8;
	[tilespmem:$0xC100] =	vst v63  }
0x9f: {  	_ = 	snop  }
0xa0: {  	[hbm4b:s4+s2] =	stream.indirect_vreg.scatter [tilespmem:s23], [sflag:$0x2], $0x80, v3, vm0, $0xb8;
	[tilespmem:$0xC100] =	vst v63  }
0xa1: {  	_ = 	snop  }
0xa2: {  	[hbm4b:s5+s2] =	stream.indirect_vreg.scatter [tilespmem:s24], [sflag:$0x2], $0x80, v3, vm0, $0xb8;
	[tilespmem:$0xC100] =	vst v63  }
0xa3: {  	_ = 	snop  }
0xa4: {  	[hbm4b:s6+s2] =	stream.indirect_vreg.scatter [tilespmem:s25], [sflag:$0x2], $0x80, v3, vm0, $0xb8;
	[tilespmem:$0xC100] =	vst v63  }
0xa5: {  	v3 =	vld [tilespmem:$0xC0B0];
	_ =	sdelay $0x4  }
0xa6: {  	v63 =	vshrl.u32 v3, $0x3  }
0xa7: {  	v4 =	vmul.u32 $0x30, v63  }
0xa8: {  	v3 =	vand.u32 $0x7, v3  }
0xa9: {  	v3 =	vor.u32 v3, v4  }
0xaa: {  	v4 =	vperm.xlane v3, v0;
	_ =	sdelay $0x1  }
0xab: {  	v4 =	vadd.s32 v1, v4;
	_ =	sdelay $0x3  }
0xac: {  	v3 =	vperm.xlane v3, v2  }
0xad: {  	[hbm4b:s4+s2] =	stream.indirect_vreg.scatter [tilespmem:s26], [sflag:$0x2], $0x80, v4, vm0, $0xb8;
	[tilespmem:$0xC100] =	vst v63  }
0xae: {  	v3 =	vadd.s32 v1, v3  }
0xaf: {  	[hbm4b:s5+s2] =	stream.indirect_vreg.scatter [tilespmem:s28], [sflag:$0x2], $0x80, v4, vm0, $0xb8;
	[tilespmem:$0xC100] =	vst v63  }
0xb0: {  	_ = 	snop  }
0xb1: {  	[hbm4b:s6+s2] =	stream.indirect_vreg.scatter [tilespmem:s29], [sflag:$0x2], $0x80, v4, vm0, $0xb8;
	[tilespmem:$0xC100] =	vst v63  }
0xb2: {  	_ = 	snop  }
0xb3: {  	[hbm4b:s4+s2] =	stream.indirect_vreg.scatter [tilespmem:s30], [sflag:$0x2], $0x80, v3, vm0, $0xb8;
	[tilespmem:$0xC100] =	vst v63  }
0xb4: {  	_ = 	snop  }
0xb5: {  	[hbm4b:s5+s2] =	stream.indirect_vreg.scatter [tilespmem:s31], [sflag:$0x2], $0x80, v3, vm0, $0xb8;
	[tilespmem:$0xC100] =	vst v63  }
0xb6: {  	_ = 	snop  }
0xb7: {  	[hbm4b:s6+s2] =	stream.indirect_vreg.scatter [tilespmem:s1], [sflag:$0x2], $0x80, v3, vm0, $0xb8;
	[tilespmem:$0xC100] =	vst v63  }
0xb8: {  	p0 =	sne.s32 s7, $0x1;
	_ =	swait.ge [sflag:s0], $0xC000  }
.Ltmp0:
0xb9: {  	[sflag:s0] =	ssyncset.done $0x0;
	(pc) =	sbr.rel @p0 .LBB2_1-.Ltmp0, $4  }
0xba: {  	[sflag:s0] =	ssyncadd.s32 $0xFFFF4000  }
0xbb: {  	_ =	swait.ge [sflag:s3], $0xC000  }
0xbc: {  	[sflag:s3] =	ssyncset.done $0x0  }
0xbd: {  	s7 =	sadd.s32 $0xFFFFFFFF, s7;
	[sflag:s3] =	ssyncadd.s32 $0xFFFF4000  }
0xbe: {  	_ =	sfence.sel $0x180000  }
0xbf: {  	[bflag:$0x0] =	sbarrier.arrive $0xFFFF  }
0xc0: {  	_ =	strace $0x90000047  }
0xc1: {  	s0 =	stileid.u32;
	[bflag:$0x2] =	sbarrier.arrive $0xFFFF  }
0xc2: {  	p0 =	sne.s32 s0, $0x0;
	s0 =	rddreg [dreg:$0x2]  }
0xc3: {  	s0 =	sadd.s32 @!p0 $0x100000, s0  }
0xc4: {  	[sflag:s0] =	ssyncadd.tile.s32 @!p0 $0x1;
	_ =	shalt  }
.Lfunc_end2:
_tile_overlayer_lowered:
.L_overlay_start_2:
0xc5: {  	(tag) =	ssettag $0x2  }
0xc6: {  	s0 =	rddreg [dreg:$0x0];
	s2 =	stileid.u32  }
0xc7: {  	s1 =	rddreg [dreg:$0x1];
	p0 =	sne.s32 s2, $0x0  }
0xc8: {  	s3 =	rddreg [dreg:$0x2];
	[bflag:$0x3] =	sbarrier.arrive $0xFFFF;
	s2 =	simm.s32 @!p0 $0x1C03  }
0xc9: {  	[timem:s3], [sflag:s2] =	dma.local @!p0 [hbm:s0], s1  }
0xca: {  	s0 =	simm.s32 @!p0 $0x3  }
0xcb: {  	_ =	swait.ge @!p0 [sflag:s0], s1  }
0xcc: {  	s1 =	ssub.s32 @!p0 $0x0, s1;
	[sflag:s0] =	ssyncset.done @!p0 $0x0  }
0xcd: {  	[sflag:s0] =	ssyncadd.s32 @!p0 s1  }
0xce: {  	[bflag:$0x3] =	sbarrier.arrive $0xFFFF  }
0xcf: {  	_ =	shalt  }

// kernel: kernel.9.cloned.1.call-start
scs
__scs_entry_jumppad:
0x0: {  	(pc) =	sbr.rel $0x88, $3  }
0x1: {  	(tag) =	ssettag $0x0;
	lr =	simm.s32 $0x1  }
0x2: {  	[smem:$0x3F9A] =	sst lr;
	_ =	strace $0xD0000000  }
0x3: {  	_ = 	snop  }
0x4: {  	_ = 	snop  }
0x5: {  	_ = 	snop  }
0x6: {  	_ = 	snop  }
0x7: {  	_ = 	snop  }
__scs_overlays_trampoline_lowered:
0x8: {  	[smem:$0x3FA9] =	sst s0  }
0x9: {  	[smem:$0x3FAA] =	sst s1  }
0xa: {  	[smem:$0x3FAB] =	sst s2  }
0xb: {  	[smem:$0x3FAC] =	sst s3  }
0xc: {  	[smem:$0x3FAD] =	sst s4  }
0xd: {  	[smem:$0x3FAE] =	sst s5  }
0xe: {  	[smem:$0x3FAF] =	sst s6  }
0xf: {  	[smem:$0x3FB0] =	sst s7  }
0x10: {  	[smem:$0x3FB1] =	sst s8  }
0x11: {  	[smem:$0x3FB2] =	sst s9;
	s0 =	simm.s32 @!p0 $0x0  }
0x12: {  	s1 =	sld [smem:$0x3F98];
	s0 =	simm.s32 @p0 $0x1  }
0x13: {  	[smem:$0x3FB3] =	sst s0;
	s0 =	simm.s32 @!p1 $0x0  }
0x14: {  	s2 =	sld [smem:$0x3F97];
	s0 =	simm.s32 @p1 $0x1  }
0x15: {  	[smem:$0x3FB4] =	sst s0;
	s0 =	simm.s32 @!p2 $0x0  }
0x16: {  	s3 =	sld [smem:$0x3FDB];
	s0 =	simm.s32 @p2 $0x1  }
0x17: {  	s4 =	simm.s32 $0x1BF5;
	[smem:$0x3FB6] =	sst s0  }
0x18: {  	s0 =	sld [smem:$0x3F99];
	_ =	swait.ge [sflag:s4], $0x0  }
0x19: {  	s7 =	sld [smem:$0x3F9A]  }
0x1a: {  	s8 =	sadd.s32 $0xFFFFE003, lr  }
0x1b: {  	s9 =	sadd.s32 $0xFFFFFEF7, lr;
	s5 =	simm.s32 $0xFFFFFFFF;
	p2 =	slt.u32 s8, $0xFFFFF086  }
0x1c: {  	p1 =	slt.u32 s9, $0xF7A;
	s5 =	simm.s32 @!p2 $0x0  }
0x1d: {  	s5 =	simm.s32 @p1 $0x1;
	p0 =	seq.s32 s7, s2  }
0x1e: {  	s7 =	smul.u32 @!p0 $0xF7A, s2;
	p2 =	seq.s32 @!p0 s5, $0x0  }
0x1f: {  	s9 =	smul.u32 $0xF7A, s1;
	s8 =	simm.s32 @!p0 $0x1BF5;
	p2 =	por !p2, p0  }
0x20: {  	[sflag:s8] =	ssyncset.s32 @!p0 $0xFFFFF086;
	s6 =	sadd.s32 @!p0 s3, s7;
	s7 =	simm.s32 @!p0 $0x108  }
0x21: {  	s3 =	sadd.s32 s3, s9;
	s6 =	sadd.s32 @!p0 $0x88, s6;
	s7 =	simm.s32 @p2 $0x1082  }
0x22: {  	[simem:s7], [sflag:s8] =	dma.local @!p0 [hbm:s6], $0xF7A  }
0x23: {  	s9 =	sor.u32 $0xD0000000, s2;
	s6 =	simm.s32 $0x108;
	_ =	swait.ge @!p0 [sflag:s8], $0x0  }
0x24: {  	s3 =	sadd.s32 $0x88, s3;
	s6 =	simm.s32 @!p1 $0x1082;
	[sflag:s4] =	ssyncset.s32 $0xFFFFF086  }
0x25: {  	[simem:s6], [sflag:s4] =	dma.local [hbm:s3], $0xF7A  }
0x26: {  	[smem:$0x3F9A] =	sst s1;
	(tag) =	ssettag s2;
	_ =	strace s9  }
0x27: {  	s1 =	sld [smem:$0x3FAA]  }
0x28: {  	s2 =	sld [smem:$0x3FAB]  }
0x29: {  	s4 =	sld [smem:$0x3FAD]  }
0x2a: {  	p0 =	seq.s32 s5, $0x0;
	s5 =	sld [smem:$0x3FAE]  }
0x2b: {  	s6 =	sld [smem:$0x3FAF]  }
0x2c: {  	s7 =	sld [smem:$0x3FB0]  }
0x2d: {  	s3 =	simm.s32 $0x108;
	s8 =	sld [smem:$0x3FB1]  }
0x2e: {  	s3 =	simm.s32 @!p0 $0x1082;
	s9 =	sld [smem:$0x3FB2]  }
0x2f: {  	lr =	sadd.s32 s0, s3;
	s0 =	sld [smem:$0x3FA9]  }
0x30: {  	s3 =	sld [smem:$0x3FAC]  }
0x31: {  	[smem:$0x3FB5] =	sst s10  }
0x32: {  	s10 =	sld [smem:$0x3FB3];
	_ =	sdelay $0x3  }
0x33: {  	p0 =	seq.s32 s10, $0x1;
	s10 =	sld [smem:$0x3FB5];
	_ =	sdelay $0x3  }
0x34: {  	[smem:$0x3FB5] =	sst s10  }
0x35: {  	s10 =	sld [smem:$0x3FB4];
	_ =	sdelay $0x3  }
0x36: {  	p1 =	seq.s32 s10, $0x1;
	s10 =	sld [smem:$0x3FB5];
	_ =	sdelay $0x3  }
0x37: {  	[smem:$0x3FB5] =	sst s10  }
0x38: {  	s10 =	sld [smem:$0x3FB6]  }
0x39: {  	_ = 	snop;
	(pc) =	sbr.ind lr, $3  }
0x3a: {  	_ = 	snop  }
0x3b: {  	_ = 	snop  }
0x3c: {  	p2 =	seq.s32 s10, $0x1;
	s10 =	sld [smem:$0x3FB5]  }
0x3d: {  	_ =	shalt  }
0x3e: {  	_ =	shalt  }
0x3f: {  	_ =	shalt  }
0x40: {  	_ =	shalt  }
0x41: {  	_ =	shalt  }
0x42: {  	_ =	shalt  }
0x43: {  	_ =	shalt  }
0x44: {  	_ =	shalt  }
0x45: {  	_ =	shalt  }
0x46: {  	_ =	shalt  }
0x47: {  	_ =	shalt  }
0x48: {  	_ =	shalt  }
0x49: {  	_ =	shalt  }
0x4a: {  	_ =	shalt  }
0x4b: {  	_ =	shalt  }
0x4c: {  	_ =	shalt  }
0x4d: {  	_ =	shalt  }
0x4e: {  	_ =	shalt  }
0x4f: {  	_ =	shalt  }
0x50: {  	_ =	shalt  }
0x51: {  	_ =	shalt  }
0x52: {  	_ =	shalt  }
0x53: {  	_ =	shalt  }
0x54: {  	_ =	shalt  }
0x55: {  	_ =	shalt  }
0x56: {  	_ =	shalt  }
0x57: {  	_ =	shalt  }
0x58: {  	_ =	shalt  }
0x59: {  	_ =	shalt  }
0x5a: {  	_ =	shalt  }
0x5b: {  	_ =	shalt  }
0x5c: {  	_ =	shalt  }
0x5d: {  	_ =	shalt  }
0x5e: {  	_ =	shalt  }
0x5f: {  	_ =	shalt  }
0x60: {  	_ =	shalt  }
0x61: {  	_ =	shalt  }
0x62: {  	_ =	shalt  }
0x63: {  	_ =	shalt  }
0x64: {  	_ =	shalt  }
0x65: {  	_ =	shalt  }
0x66: {  	_ =	shalt  }
0x67: {  	_ =	shalt  }
0x68: {  	_ =	shalt  }
0x69: {  	_ =	shalt  }
0x6a: {  	_ =	shalt  }
0x6b: {  	_ =	shalt  }
0x6c: {  	_ =	shalt  }
0x6d: {  	_ =	shalt  }
0x6e: {  	_ =	shalt  }
0x6f: {  	_ =	shalt  }
0x70: {  	_ =	shalt  }
0x71: {  	_ =	shalt  }
0x72: {  	_ =	shalt  }
0x73: {  	_ =	shalt  }
0x74: {  	_ =	shalt  }
0x75: {  	_ =	shalt  }
0x76: {  	_ =	shalt  }
0x77: {  	_ =	shalt  }
0x78: {  	_ =	shalt  }
0x79: {  	_ =	shalt  }
0x7a: {  	_ =	shalt  }
0x7b: {  	_ =	shalt  }
0x7c: {  	_ =	shalt  }
0x7d: {  	_ =	shalt  }
0x7e: {  	_ =	shalt  }
0x7f: {  	_ =	shalt  }
0x80: {  	_ =	shalt  }
0x81: {  	_ =	shalt  }
0x82: {  	_ =	shalt  }
0x83: {  	_ =	shalt  }
0x84: {  	_ =	shalt  }
0x85: {  	_ =	shalt  }
0x86: {  	_ =	shalt  }
0x87: {  	_ =	shalt  }
.Lfunc_end0:
.L_simem_size_0:
called_computation.1_lowered:
.L_overlay_start_0:
0x88: {  	s2 =	sld [smem:$0x3FD9]  }
0x89: {  	s3 =	sld [smem:$0x3FFE];
	_ =	sdelay $0x1  }
0x8a: {  	s1 =	srdreg.scid  }
0x8b: {  	s0 =	sand.u32 $0x1, s1  }
0x8c: {  	s17 =	sshll.u32 s0, $0xA;
	s2 =	sadd.s32 s3, s2  }
0x8d: {  	s2 =	sadd.s32 s2, s17  }
0x8e: {  	[smem:$0x3FC1] =	sst s2  }
0x8f: {  	_ = 	snop  }
0x90: {  	s2 =	sld [smem:$0x3FD0];
	(tm) =	ssettm $0x1  }
0x91: {  	s18 =	sld [smem:$0x3FFB];
	_ =	sdelay $0x3  }
0x92: {  	_ =	strace s18  }
0x93: {  	s3 =	sld [smem:$0x3FFC];
	_ =	sdelay $0x3  }
0x94: {  	_ =	strace s3  }
0x95: {  	s3 =	sld [smem:$0x3FFD];
	_ =	sdelay $0x3  }
0x96: {  	_ =	strace s3  }
0x97: {  	_ =	strace $0x8FFFFFFF  }
0x98: {  	s19 =	sld [smem:$0x3FDB];
	_ =	sdelay $0x1  }
0x99: {  	s4 =	simm.s32 $_scs_section_size  }
0x9a: {  	s5 =	simm.s32 $_size__tile_overlayer_lowered;
	s6 =	simm.s32 $_tile_overlayer_lowered  }
0x9b: {  	s22 =	simm.s32 $0x1BFF;
	s21 =	sshll.u32 s6, $0x1;
	s3 =	sadd.s32 s4, s19  }
0x9c: {  	s7 =	simm.s32 $0x0;
	s20 =	sshll.u32 s5, $0x1;
	s5 =	sadd.s32 s21, s3  }
0x9d: {  	[timem:s7], [sflag:s22] =	dma.local [hbm:s5], s20  }
0x9e: {  	_ =	swait.ge [sflag:s22], s20  }
0x9f: {  	s4 =	ssub.s32 $0x0, s20;
	[sflag:s22] =	ssyncset.done $0x0  }
0xa0: {  	[sflag:s22] =	ssyncadd.s32 s4;
	_ =	sdelay $0x1  }
0xa1: {  	s23 =	simm.s32 $0x1B8B  }
0xa2: {  	_ =	swait.ge [sflag:s23], $0x1  }
0xa3: {  	[sflag:s23] =	ssyncset.done $0x0  }
0xa4: {  	s25 =	simm.s32 $0x1B8E;
	s24 =	sld [smem:$0x3FFE];
	[sflag:s23] =	ssyncadd.s32 $0xFFFFFFFF  }
0xa5: {  	s26 =	simm.s32 $execute0_lowered;
	[smem:$0x3FD2] =	sst s25  }
0xa6: {  	s5 =	sshll.u32 s26, $0x1;
	_ =	strace $0x80000049;
	[dreg:$0x1] =	wrdreg $0xFFFFFFFF  }
0xa7: {  	s28 =	simm.s32 $_size_execute0_lowered;
	s3 =	sadd.s32 s3, s5;
	[dreg:$0x0] =	wrdreg $0x0  }
0xa8: {  	s5 =	sshll.u32 s28, $0x1;
	[dreg:$0x2] =	wrdreg s3  }
0xa9: {  	[dreg:$0x3] =	wrdreg s5  }
0xaa: {  	[dreg:$0x4] =	wrdreg $0xC0  }
0xab: {  	_ =	task [dreg:s7], $0x5FFFF  }
0xac: {  	[dreg:$0x1] =	wrdreg $0xFFFFFFFF  }
0xad: {  	[dreg:$0x0] =	wrdreg $0x60  }
0xae: {  	[dreg:$0x2] =	wrdreg s24  }
0xaf: {  	[dreg:$0x3] =	wrdreg s2  }
0xb0: {  	[dreg:$0x4] =	wrdreg $0x9  }
0xb1: {  	_ =	task.clear_ibuf [dreg:s7], $0x5FFFF;
	_ =	strace $0x90000049  }
0xb2: {  	s29 =	simm.s32 $0x9;
	_ =	strace $0x8000004B  }
0xb3: {  	_ =	swait.ge [sflag:s29], $0x1  }
0xb4: {  	[sflag:s29] =	ssyncadd.s32 $0xFFFFFFFF  }
0xb5: {  	_ =	strace $0x9000004B  }
0xb6: {  	_ =	sfence  }
0xb7: {  	s30 =	sld [smem:$0x0];
	_ =	sdelay $0x2  }
0xb8: {  	s31 =	sshll.u32 s1, $0xD;
	s1 =	sshrl.u32 s1, $0x2  }
0xb9: {  	s3 =	sand.u32 $0x4000, s31;
	s1 =	sadd.s32 s1, s30  }
0xba: {  	s0 =	sor.u32 s3, s0;
	s1 =	sshll.u32 s1, $0x11  }
0xbb: {  	s0 =	sor.u32 s1, s0  }
0xbc: {  	s0 =	sadd.s32 $0x8F2B, s0  }
0xbd: {  	[sflag:s0] =	ssyncadd.remote.s32 $0x1  }
0xbe: {  	_ =	sfence.sel $0xFFFF  }
0xbf: {  	[dreg:$0x0] =	wrdreg $0xFFFFFFFF;
	(pc) =	sbr.abs _section_cstart, $3  }
0xc0: {  	[dreg:$0x1] =	wrdreg $0xFFFFFFFF  }
0xc1: {  	_ =	task.clear_ibuf [dreg:s7], $0x2FFFF;
	_ =	strace $0x9FFFFFFF  }
0xc2: {  	(tm) =	ssettm $0x7FFFFFFF  }
0xc3: {  	_ =	shalt  }
tec
execute0_lowered:
.L_overlay_start_1:
0x0: {  	(tag) =	ssettag $0x1  }
0x1: {  	s0 =	rddreg [dreg:$0x0]  }
0x2: {  	s2 =	rddreg [dreg:$0x1];
	s1 =	simm.s32 $0x0;
	s4 =	srdreg.scid  }
0x3: {  	s6 =	stileid.u32;
	s14 =	simm.s32 $0x4;
	s22 =	simm.s32 $0xC000  }
0x4: {  	s18 =	simm.s32 $0x13800;
	s19 =	simm.s32 $0x14000;
	s20 =	simm.s32 $0x14800  }
0x5: {  	s21 =	simm.s32 $0x15000;
	s23 =	simm.s32 $0x15800;
	s24 =	simm.s32 $0x16000  }
0x6: {  	s25 =	simm.s32 $0x16800;
	s26 =	simm.s32 $0x17000;
	s28 =	simm.s32 $0x17800  }
0x7: {  	s29 =	simm.s32 $0x1;
	s30 =	simm.s32 $0x2;
	[smem:$0x7FF] =	sst s1  }
0x8: {  	s3 =	sadd.s32 $0x11D600, s0;
	s4 =	sand.u32 $0x1, s4;
	s6 =	sshll.u32 s6, $0x4  }
0x9: {  	s8 =	sadd.s32 $0x200, s0;
	s5 =	ssub.s32 $0x2, s4;
	s4 =	sshll.u32 s4, $0x3  }
0xa: {  	_ =	strace $0x8000004A;
	s7 =	sshrl.u32 s5, $0x1;
	s6 =	sor.u32 s4, s6  }
0xb: {  	s12 =	ssub.s32 s5, s7;
	s9 =	sor.u32 $0x4, s6;
	s10 =	smul.u32 $0x300, s6  }
0xc: {  	s4 =	sadd.s32 s8, s6;
	s5 =	sadd.s32 s0, s6;
	s6 =	sadd.s32 $0x11D700, s0  }
0xd: {  	v2 =	vlaneseq.u32;
	s31 =	simm.s32 $0x3;
	s7 =	sadd.s32 $0x11D800, s0;
	s11 =	smul.u32 $0x300, s9  }
0xe: {  	vm0 =	vmmov $0xffff;
	v1 =	vshrl.u32 v2, $0x3;
	s8 =	sadd.s32 s8, s9;
	s9 =	sadd.s32 s0, s9;
	s12 =	smax.u32 s12, $0x1  }
0xf: {  	v0 =	vand.u32 $0x7, v2;
	v2 =	vor.u32 $0x8, v2;
	v1 =	vmul.u32 $0x8, v1;
	s0 =	simm.s32 $0x0;
	s10 =	sadd.s32 s2, s10;
	s11 =	sadd.s32 s2, s11  }
.LBB2_1:
0x10: {  	s2 =	simm.s32 $0x18000  }
0x11: {  	[tilespmem:s2], [sflag:$0x4] =	stream.linear.gather [hbm4b:s4+s1], $0x20, $0x38;
	[tilespmem:$0x18200] =	vst v63  }
0x12: {  	_ =	swait.ge [sflag:s14], $0x20  }
0x13: {  	[sflag:s14] =	ssyncset.done $0x0  }
0x14: {  	s17 =	simm.s32 $0x18080;
	[sflag:s14] =	ssyncadd.s32 $0xFFFFFFE0  }
0x15: {  	[tilespmem:s17], [sflag:$0x4] =	stream.linear.gather [hbm4b:s5+s1], $0x20, $0x38;
	[tilespmem:$0x18200] =	vst v63  }
0x16: {  	_ =	swait.ge [sflag:s14], $0x20  }
0x17: {  	[sflag:s14] =	ssyncset.done $0x0  }
0x18: {  	[sflag:s14] =	ssyncadd.s32 $0xFFFFFFE0  }
0x19: {  	v3 =	vld [tilespmem:$0x18000];
	_ =	sdelay $0x4  }
0x1a: {  	v4 =	vshrl.u32 v3, $0x3  }
0x1b: {  	v4 =	vmul.u32 $0x30, v4  }
0x1c: {  	v3 =	vand.u32 $0x7, v3  }
0x1d: {  	v3 =	vor.u32 v3, v4  }
0x1e: {  	v4 =	vperm.xlane v3, v0;
	_ =	sdelay $0x1  }
0x1f: {  	v4 =	vadd.s32 v1, v4;
	_ =	sdelay $0x3  }
0x20: {  	v3 =	vperm.xlane v3, v2  }
0x21: {  	[tilespmem:s1], [sflag:$0x1] =	stream.indirect_vreg.gather [hbm4b:s3+s1], $0x80, v4, vm0, $0xb8;
	[tilespmem:$0x18200] =	vst v63  }
0x22: {  	s13 =	simm.s32 $0x800;
	v3 =	vadd.s32 v1, v3  }
0x23: {  	[tilespmem:s13], [sflag:$0x1] =	stream.indirect_vreg.gather [hbm4b:s6+s1], $0x80, v4, vm0, $0xb8;
	[tilespmem:$0x18200] =	vst v63  }
0x24: {  	s15 =	simm.s32 $0x1000  }
0x25: {  	[tilespmem:s15], [sflag:$0x1] =	stream.indirect_vreg.gather [hbm4b:s7+s1], $0x80, v4, vm0, $0xb8;
	[tilespmem:$0x18200] =	vst v63  }
0x26: {  	s16 =	simm.s32 $0x1800  }
0x27: {  	[tilespmem:s16], [sflag:$0x1] =	stream.indirect_vreg.gather [hbm4b:s3+s1], $0x80, v3, vm0, $0xb8;
	[tilespmem:$0x18200] =	vst v63  }
0x28: {  	s17 =	simm.s32 $0x2000  }
0x29: {  	[tilespmem:s17], [sflag:$0x1] =	stream.indirect_vreg.gather [hbm4b:s6+s1], $0x80, v3, vm0, $0xb8;
	[tilespmem:$0x18200] =	vst v63  }
0x2a: {  	s13 =	simm.s32 $0x2800  }
0x2b: {  	[tilespmem:s13], [sflag:$0x1] =	stream.indirect_vreg.gather [hbm4b:s7+s1], $0x80, v3, vm0, $0xb8;
	[tilespmem:$0x18200] =	vst v63  }
0x2c: {  	v3 =	vld [tilespmem:$0x18010];
	_ =	sdelay $0x4  }
0x2d: {  	v4 =	vshrl.u32 v3, $0x3  }
0x2e: {  	v4 =	vmul.u32 $0x30, v4  }
0x2f: {  	v3 =	vand.u32 $0x7, v3  }
0x30: {  	v3 =	vor.u32 v3, v4  }
0x31: {  	v4 =	vperm.xlane v3, v0;
	_ =	sdelay $0x1  }
0x32: {  	v4 =	vadd.s32 v1, v4;
	_ =	sdelay $0x3  }
0x33: {  	s15 =	simm.s32 $0x3000;
	v3 =	vperm.xlane v3, v2  }
0x34: {  	[tilespmem:s15], [sflag:$0x1] =	stream.indirect_vreg.gather [hbm4b:s3+s1], $0x80, v4, vm0, $0xb8;
	[tilespmem:$0x18200] =	vst v63  }
0x35: {  	s16 =	simm.s32 $0x3800;
	v3 =	vadd.s32 v1, v3  }
0x36: {  	[tilespmem:s16], [sflag:$0x1] =	stream.indirect_vreg.gather [hbm4b:s6+s1], $0x80, v4, vm0, $0xb8;
	[tilespmem:$0x18200] =	vst v63  }
0x37: {  	s17 =	simm.s32 $0x4000  }
0x38: {  	[tilespmem:s17], [sflag:$0x1] =	stream.indirect_vreg.gather [hbm4b:s7+s1], $0x80, v4, vm0, $0xb8;
	[tilespmem:$0x18200] =	vst v63  }
0x39: {  	s13 =	simm.s32 $0x4800  }
0x3a: {  	[tilespmem:s13], [sflag:$0x1] =	stream.indirect_vreg.gather [hbm4b:s3+s1], $0x80, v3, vm0, $0xb8;
	[tilespmem:$0x18200] =	vst v63  }
0x3b: {  	s15 =	simm.s32 $0x5000  }
0x3c: {  	[tilespmem:s15], [sflag:$0x1] =	stream.indirect_vreg.gather [hbm4b:s6+s1], $0x80, v3, vm0, $0xb8;
	[tilespmem:$0x18200] =	vst v63  }
0x3d: {  	s16 =	simm.s32 $0x5800  }
0x3e: {  	[tilespmem:s16], [sflag:$0x1] =	stream.indirect_vreg.gather [hbm4b:s7+s1], $0x80, v3, vm0, $0xb8;
	[tilespmem:$0x18200] =	vst v63  }
0x3f: {  	v3 =	vld [tilespmem:$0x18080];
	_ =	sdelay $0x4  }
0x40: {  	v4 =	vshrl.u32 v3, $0x3  }
0x41: {  	v4 =	vmul.u32 $0x30, v4  }
0x42: {  	v3 =	vand.u32 $0x7, v3  }
0x43: {  	v3 =	vor.u32 v3, v4  }
0x44: {  	v4 =	vperm.xlane v3, v0;
	_ =	sdelay $0x1  }
0x45: {  	v4 =	vadd.s32 v1, v4;
	_ =	sdelay $0x3  }
0x46: {  	s17 =	simm.s32 $0x6000;
	v3 =	vperm.xlane v3, v2  }
0x47: {  	[tilespmem:s17], [sflag:$0x1] =	stream.indirect_vreg.gather [hbm4b:s3+s1], $0x80, v4, vm0, $0xb8;
	[tilespmem:$0x18200] =	vst v63  }
0x48: {  	s13 =	simm.s32 $0x6800;
	v3 =	vadd.s32 v1, v3  }
0x49: {  	[tilespmem:s13], [sflag:$0x1] =	stream.indirect_vreg.gather [hbm4b:s6+s1], $0x80, v4, vm0, $0xb8;
	[tilespmem:$0x18200] =	vst v63  }
0x4a: {  	s15 =	simm.s32 $0x7000  }
0x4b: {  	[tilespmem:s15], [sflag:$0x1] =	stream.indirect_vreg.gather [hbm4b:s7+s1], $0x80, v4, vm0, $0xb8;
	[tilespmem:$0x18200] =	vst v63  }
0x4c: {  	s16 =	simm.s32 $0x7800  }
0x4d: {  	[tilespmem:s16], [sflag:$0x1] =	stream.indirect_vreg.gather [hbm4b:s3+s1], $0x80, v3, vm0, $0xb8;
	[tilespmem:$0x18200] =	vst v63  }
0x4e: {  	s17 =	simm.s32 $0x8000  }
0x4f: {  	[tilespmem:s17], [sflag:$0x1] =	stream.indirect_vreg.gather [hbm4b:s6+s1], $0x80, v3, vm0, $0xb8;
	[tilespmem:$0x18200] =	vst v63  }
0x50: {  	s13 =	simm.s32 $0x8800  }
0x51: {  	[tilespmem:s13], [sflag:$0x1] =	stream.indirect_vreg.gather [hbm4b:s7+s1], $0x80, v3, vm0, $0xb8;
	[tilespmem:$0x18200] =	vst v63  }
0x52: {  	v3 =	vld [tilespmem:$0x18090];
	_ =	sdelay $0x4  }
0x53: {  	v4 =	vshrl.u32 v3, $0x3  }
0x54: {  	v4 =	vmul.u32 $0x30, v4  }
0x55: {  	v3 =	vand.u32 $0x7, v3  }
0x56: {  	v3 =	vor.u32 v3, v4  }
0x57: {  	v4 =	vperm.xlane v3, v0;
	_ =	sdelay $0x1  }
0x58: {  	v4 =	vadd.s32 v1, v4;
	_ =	sdelay $0x3  }
0x59: {  	s15 =	simm.s32 $0x9000;
	v3 =	vperm.xlane v3, v2  }
0x5a: {  	[tilespmem:s15], [sflag:$0x1] =	stream.indirect_vreg.gather [hbm4b:s3+s1], $0x80, v4, vm0, $0xb8;
	[tilespmem:$0x18200] =	vst v63  }
0x5b: {  	s16 =	simm.s32 $0x9800;
	v3 =	vadd.s32 v1, v3  }
0x5c: {  	[tilespmem:s16], [sflag:$0x1] =	stream.indirect_vreg.gather [hbm4b:s6+s1], $0x80, v4, vm0, $0xb8;
	[tilespmem:$0x18200] =	vst v63  }
0x5d: {  	s17 =	simm.s32 $0xA000  }
0x5e: {  	[tilespmem:s17], [sflag:$0x1] =	stream.indirect_vreg.gather [hbm4b:s7+s1], $0x80, v4, vm0, $0xb8;
	[tilespmem:$0x18200] =	vst v63  }
0x5f: {  	s13 =	simm.s32 $0xA800  }
0x60: {  	[tilespmem:s13], [sflag:$0x1] =	stream.indirect_vreg.gather [hbm4b:s3+s1], $0x80, v3, vm0, $0xb8;
	[tilespmem:$0x18200] =	vst v63  }
0x61: {  	s15 =	simm.s32 $0xB000  }
0x62: {  	[tilespmem:s15], [sflag:$0x1] =	stream.indirect_vreg.gather [hbm4b:s6+s1], $0x80, v3, vm0, $0xb8;
	[tilespmem:$0x18200] =	vst v63  }
0x63: {  	s16 =	simm.s32 $0xB800  }
0x64: {  	[tilespmem:s16], [sflag:$0x1] =	stream.indirect_vreg.gather [hbm4b:s7+s1], $0x80, v3, vm0, $0xb8;
	[tilespmem:$0x18200] =	vst v63  }
0x65: {  	s17 =	simm.s32 $0x18100  }
0x66: {  	[tilespmem:s17], [sflag:$0x4] =	stream.linear.gather [hbm4b:s8+s1], $0x20, $0x38;
	[tilespmem:$0x18200] =	vst v63  }
0x67: {  	_ =	swait.ge [sflag:s14], $0x20  }
0x68: {  	[sflag:s14] =	ssyncset.done $0x0  }
0x69: {  	s13 =	simm.s32 $0x18180;
	[sflag:s14] =	ssyncadd.s32 $0xFFFFFFE0  }
0x6a: {  	[tilespmem:s13], [sflag:$0x4] =	stream.linear.gather [hbm4b:s9+s1], $0x20, $0x38;
	[tilespmem:$0x18200] =	vst v63  }
0x6b: {  	_ =	swait.ge [sflag:s14], $0x20  }
0x6c: {  	[sflag:s14] =	ssyncset.done $0x0  }
0x6d: {  	[sflag:s14] =	ssyncadd.s32 $0xFFFFFFE0  }
0x6e: {  	v3 =	vld [tilespmem:$0x18100];
	_ =	sdelay $0x4  }
0x6f: {  	v4 =	vshrl.u32 v3, $0x3  }
0x70: {  	v4 =	vmul.u32 $0x30, v4  }
0x71: {  	v3 =	vand.u32 $0x7, v3  }
0x72: {  	v3 =	vor.u32 v3, v4  }
0x73: {  	v4 =	vperm.xlane v3, v0;
	_ =	sdelay $0x1  }
0x74: {  	v4 =	vadd.s32 v1, v4;
	_ =	sdelay $0x3  }
0x75: {  	v3 =	vperm.xlane v3, v2  }
0x76: {  	[tilespmem:s22], [sflag:$0x2] =	stream.indirect_vreg.gather [hbm4b:s3+s1], $0x80, v4, vm0, $0xb8;
	[tilespmem:$0x18200] =	vst v63  }
0x77: {  	s15 =	simm.s32 $0xC800;
	v3 =	vadd.s32 v1, v3  }
0x78: {  	[tilespmem:s15], [sflag:$0x2] =	stream.indirect_vreg.gather [hbm4b:s6+s1], $0x80, v4, vm0, $0xb8;
	[tilespmem:$0x18200] =	vst v63  }
0x79: {  	s16 =	simm.s32 $0xD000  }
0x7a: {  	[tilespmem:s16], [sflag:$0x2] =	stream.indirect_vreg.gather [hbm4b:s7+s1], $0x80, v4, vm0, $0xb8;
	[tilespmem:$0x18200] =	vst v63  }
0x7b: {  	s17 =	simm.s32 $0xD800  }
0x7c: {  	[tilespmem:s17], [sflag:$0x2] =	stream.indirect_vreg.gather [hbm4b:s3+s1], $0x80, v3, vm0, $0xb8;
	[tilespmem:$0x18200] =	vst v63  }
0x7d: {  	s13 =	simm.s32 $0xE000  }
0x7e: {  	[tilespmem:s13], [sflag:$0x2] =	stream.indirect_vreg.gather [hbm4b:s6+s1], $0x80, v3, vm0, $0xb8;
	[tilespmem:$0x18200] =	vst v63  }
0x7f: {  	s15 =	simm.s32 $0xE800  }
0x80: {  	[tilespmem:s15], [sflag:$0x2] =	stream.indirect_vreg.gather [hbm4b:s7+s1], $0x80, v3, vm0, $0xb8;
	[tilespmem:$0x18200] =	vst v63  }
0x81: {  	v3 =	vld [tilespmem:$0x18110];
	_ =	sdelay $0x4  }
0x82: {  	v4 =	vshrl.u32 v3, $0x3  }
0x83: {  	v4 =	vmul.u32 $0x30, v4  }
0x84: {  	v3 =	vand.u32 $0x7, v3  }
0x85: {  	v3 =	vor.u32 v3, v4  }
0x86: {  	v4 =	vperm.xlane v3, v0;
	_ =	sdelay $0x1  }
0x87: {  	v4 =	vadd.s32 v1, v4;
	_ =	sdelay $0x3  }
0x88: {  	s16 =	simm.s32 $0xF000;
	v3 =	vperm.xlane v3, v2  }
0x89: {  	[tilespmem:s16], [sflag:$0x2] =	stream.indirect_vreg.gather [hbm4b:s3+s1], $0x80, v4, vm0, $0xb8;
	[tilespmem:$0x18200] =	vst v63  }
0x8a: {  	s17 =	simm.s32 $0xF800;
	v3 =	vadd.s32 v1, v3  }
0x8b: {  	[tilespmem:s17], [sflag:$0x2] =	stream.indirect_vreg.gather [hbm4b:s6+s1], $0x80, v4, vm0, $0xb8;
	[tilespmem:$0x18200] =	vst v63  }
0x8c: {  	s13 =	simm.s32 $0x10000  }
0x8d: {  	[tilespmem:s13], [sflag:$0x2] =	stream.indirect_vreg.gather [hbm4b:s7+s1], $0x80, v4, vm0, $0xb8;
	[tilespmem:$0x18200] =	vst v63  }
0x8e: {  	s15 =	simm.s32 $0x10800  }
0x8f: {  	[tilespmem:s15], [sflag:$0x2] =	stream.indirect_vreg.gather [hbm4b:s3+s1], $0x80, v3, vm0, $0xb8;
	[tilespmem:$0x18200] =	vst v63  }
0x90: {  	s16 =	simm.s32 $0x11000  }
0x91: {  	[tilespmem:s16], [sflag:$0x2] =	stream.indirect_vreg.gather [hbm4b:s6+s1], $0x80, v3, vm0, $0xb8;
	[tilespmem:$0x18200] =	vst v63  }
0x92: {  	s17 =	simm.s32 $0x11800  }
0x93: {  	[tilespmem:s17], [sflag:$0x2] =	stream.indirect_vreg.gather [hbm4b:s7+s1], $0x80, v3, vm0, $0xb8;
	[tilespmem:$0x18200] =	vst v63  }
0x94: {  	v3 =	vld [tilespmem:$0x18180];
	_ =	sdelay $0x4  }
0x95: {  	v4 =	vshrl.u32 v3, $0x3  }
0x96: {  	v4 =	vmul.u32 $0x30, v4  }
0x97: {  	v3 =	vand.u32 $0x7, v3  }
0x98: {  	v3 =	vor.u32 v3, v4  }
0x99: {  	v4 =	vperm.xlane v3, v0;
	_ =	sdelay $0x1  }
0x9a: {  	v4 =	vadd.s32 v1, v4;
	_ =	sdelay $0x3  }
0x9b: {  	s13 =	simm.s32 $0x12000;
	v3 =	vperm.xlane v3, v2  }
0x9c: {  	[tilespmem:s13], [sflag:$0x2] =	stream.indirect_vreg.gather [hbm4b:s3+s1], $0x80, v4, vm0, $0xb8;
	[tilespmem:$0x18200] =	vst v63  }
0x9d: {  	s15 =	simm.s32 $0x12800;
	v3 =	vadd.s32 v1, v3  }
0x9e: {  	[tilespmem:s15], [sflag:$0x2] =	stream.indirect_vreg.gather [hbm4b:s6+s1], $0x80, v4, vm0, $0xb8;
	[tilespmem:$0x18200] =	vst v63  }
0x9f: {  	s16 =	simm.s32 $0x13000  }
0xa0: {  	[tilespmem:s16], [sflag:$0x2] =	stream.indirect_vreg.gather [hbm4b:s7+s1], $0x80, v4, vm0, $0xb8;
	[tilespmem:$0x18200] =	vst v63  }
0xa1: {  	_ = 	snop  }
0xa2: {  	[tilespmem:s18], [sflag:$0x2] =	stream.indirect_vreg.gather [hbm4b:s3+s1], $0x80, v3, vm0, $0xb8;
	[tilespmem:$0x18200] =	vst v63  }
0xa3: {  	_ = 	snop  }
0xa4: {  	[tilespmem:s19], [sflag:$0x2] =	stream.indirect_vreg.gather [hbm4b:s6+s1], $0x80, v3, vm0, $0xb8;
	[tilespmem:$0x18200] =	vst v63  }
0xa5: {  	_ = 	snop  }
0xa6: {  	[tilespmem:s20], [sflag:$0x2] =	stream.indirect_vreg.gather [hbm4b:s7+s1], $0x80, v3, vm0, $0xb8;
	[tilespmem:$0x18200] =	vst v63  }
0xa7: {  	v3 =	vld [tilespmem:$0x18190];
	_ =	sdelay $0x4  }
0xa8: {  	v4 =	vshrl.u32 v3, $0x3  }
0xa9: {  	v4 =	vmul.u32 $0x30, v4  }
0xaa: {  	v3 =	vand.u32 $0x7, v3  }
0xab: {  	v3 =	vor.u32 v3, v4  }
0xac: {  	v4 =	vperm.xlane v3, v0;
	_ =	sdelay $0x1  }
0xad: {  	v4 =	vadd.s32 v1, v4;
	_ =	sdelay $0x3  }
0xae: {  	v3 =	vperm.xlane v3, v2  }
0xaf: {  	[tilespmem:s21], [sflag:$0x2] =	stream.indirect_vreg.gather [hbm4b:s3+s1], $0x80, v4, vm0, $0xb8;
	[tilespmem:$0x18200] =	vst v63  }
0xb0: {  	v3 =	vadd.s32 v1, v3  }
0xb1: {  	[tilespmem:s23], [sflag:$0x2] =	stream.indirect_vreg.gather [hbm4b:s6+s1], $0x80, v4, vm0, $0xb8;
	[tilespmem:$0x18200] =	vst v63  }
0xb2: {  	_ = 	snop  }
0xb3: {  	[tilespmem:s24], [sflag:$0x2] =	stream.indirect_vreg.gather [hbm4b:s7+s1], $0x80, v4, vm0, $0xb8;
	[tilespmem:$0x18200] =	vst v63  }
0xb4: {  	_ = 	snop  }
0xb5: {  	[tilespmem:s25], [sflag:$0x2] =	stream.indirect_vreg.gather [hbm4b:s3+s1], $0x80, v3, vm0, $0xb8;
	[tilespmem:$0x18200] =	vst v63  }
0xb6: {  	_ = 	snop  }
0xb7: {  	[tilespmem:s26], [sflag:$0x2] =	stream.indirect_vreg.gather [hbm4b:s6+s1], $0x80, v3, vm0, $0xb8;
	[tilespmem:$0x18200] =	vst v63  }
0xb8: {  	_ = 	snop  }
0xb9: {  	[tilespmem:s28], [sflag:$0x2] =	stream.indirect_vreg.gather [hbm4b:s7+s1], $0x80, v3, vm0, $0xb8;
	[tilespmem:$0x18200] =	vst v63  }
0xba: {  	_ =	swait.ge [sflag:s29], $0x6000  }
0xbb: {  	[sflag:s29] =	ssyncset.done $0x0  }
0xbc: {  	s17 =	simm.s32 $0x0;
	[sflag:s29] =	ssyncadd.s32 $0xFFFFA000  }
0xbd: {  	s2 =	smul.u32 $0x1800, s17;
	_ =	swait.ge [sflag:s29], $0x6000  }
0xbe: {  	s13 =	sand.u32 $0x380, s1;
	[sflag:s29] =	ssyncset.done $0x0  }
0xbf: {  	s2 =	sor.u32 s13, s2;
	[sflag:s29] =	ssyncadd.s32 $0xFFFFA000  }
0xc0: {  	v12 =	vld [tilespmem:s2+$0x6000]  }
0xc1: {  	v13 =	vld [tilespmem:s2+$0x6010]  }
0xc2: {  	v14 =	vld [tilespmem:s2+$0x6020]  }
0xc3: {  	v15 =	vld [tilespmem:s2+$0x6030]  }
0xc4: {  	v16 =	vld [tilespmem:s2+$0x6040]  }
0xc5: {  	v17 =	vld [tilespmem:s2+$0x6050]  }
0xc6: {  	v18 =	vld [tilespmem:s2+$0x6060]  }
0xc7: {  	v19 =	vld [tilespmem:s2+$0x6070]  }
0xc8: {  	v20 =	vld [tilespmem:s2+$0x6400]  }
0xc9: {  	v21 =	vld [tilespmem:s2+$0x6410]  }
0xca: {  	v22 =	vld [tilespmem:s2+$0x6420]  }
0xcb: {  	v23 =	vld [tilespmem:s2+$0x6430]  }
0xcc: {  	v24 =	vld [tilespmem:s2+$0x6440]  }
0xcd: {  	v25 =	vld [tilespmem:s2+$0x6450]  }
0xce: {  	v26 =	vld [tilespmem:s2+$0x6460]  }
0xcf: {  	v27 =	vld [tilespmem:s2+$0x6470]  }
0xd0: {  	v28 =	vld [tilespmem:s2+$0x6800]  }
0xd1: {  	v29 =	vld [tilespmem:s2+$0x6810]  }
0xd2: {  	v30 =	vld [tilespmem:s2+$0x6820]  }
0xd3: {  	v31 =	vld [tilespmem:s2+$0x6830]  }
0xd4: {  	v32 =	vld [tilespmem:s2+$0x6840]  }
0xd5: {  	v33 =	vld [tilespmem:s2+$0x6850]  }
0xd6: {  	v34 =	vld [tilespmem:s2+$0x6860]  }
0xd7: {  	v35 =	vld [tilespmem:s2+$0x6870]  }
0xd8: {  	v36 =	vld [tilespmem:s2+$0x6C00]  }
0xd9: {  	v37 =	vld [tilespmem:s2+$0x6C10]  }
0xda: {  	v38 =	vld [tilespmem:s2+$0x6C20]  }
0xdb: {  	v39 =	vld [tilespmem:s2+$0x6C30]  }
0xdc: {  	v40 =	vld [tilespmem:s2+$0x6C40]  }
0xdd: {  	v41 =	vld [tilespmem:s2+$0x6C50]  }
0xde: {  	v42 =	vld [tilespmem:s2+$0x6C60]  }
0xdf: {  	v43 =	vld [tilespmem:s2+$0x6C70]  }
0xe0: {  	v44 =	vld [tilespmem:s2+$0x7000]  }
0xe1: {  	v45 =	vld [tilespmem:s2+$0x7010]  }
0xe2: {  	v46 =	vld [tilespmem:s2+$0x7020]  }
0xe3: {  	v47 =	vld [tilespmem:s2+$0x7030]  }
0xe4: {  	v48 =	vld [tilespmem:s2+$0x7040]  }
0xe5: {  	v49 =	vld [tilespmem:s2+$0x7050]  }
0xe6: {  	v50 =	vld [tilespmem:s2+$0x7060]  }
0xe7: {  	v11 =	vld [tilespmem:s2+$0x7070]  }
0xe8: {  	v10 =	vld [tilespmem:s2+$0x7400]  }
0xe9: {  	v9 =	vld [tilespmem:s2+$0x7410]  }
0xea: {  	v8 =	vld [tilespmem:s2+$0x7420]  }
0xeb: {  	v7 =	vld [tilespmem:s2+$0x7430]  }
0xec: {  	v6 =	vld [tilespmem:s2+$0x7440]  }
0xed: {  	v51 =	vld [tilespmem:s2+$0x0]  }
0xee: {  	v52 =	vld [tilespmem:s2+$0x10]  }
0xef: {  	v53 =	vld [tilespmem:s2+$0x20]  }
0xf0: {  	v54 =	vld [tilespmem:s2+$0x30]  }
0xf1: {  	v55 =	vld [tilespmem:s2+$0x40]  }
0xf2: {  	v62 =	vld [tilespmem:s2+$0x50];
	v12 =	vadd.f32 v12, v51  }
0xf3: {  	v63 =	vld [tilespmem:s2+$0x60];
	v13 =	vadd.f32 v13, v52  }
0xf4: {  	[tilespmem:s2+$0x0] =	vst v12;
	v12 =	vadd.f32 v14, v53;
	v14 =	vld [tilespmem:s2+$0x70]  }
0xf5: {  	[tilespmem:s2+$0x10] =	vst v13;
	v13 =	vadd.f32 v15, v54;
	v15 =	vld [tilespmem:s2+$0x400]  }
0xf6: {  	[tilespmem:s2+$0x20] =	vst v12;
	v12 =	vadd.f32 v16, v55;
	v16 =	vld [tilespmem:s2+$0x410]  }
0xf7: {  	[tilespmem:s2+$0x30] =	vst v13;
	v13 =	vadd.f32 v17, v62;
	v17 =	vld [tilespmem:s2+$0x420]  }
0xf8: {  	v5 =	vld [tilespmem:s2+$0x7450]  }
0xf9: {  	[tilespmem:s2+$0x40] =	vst v12;
	v12 =	vadd.f32 v18, v63;
	v18 =	vld [tilespmem:s2+$0x470]  }
0xfa: {  	[tilespmem:s2+$0x50] =	vst v13;
	v13 =	vadd.f32 v19, v14;
	v14 =	vld [tilespmem:s2+$0x430]  }
0xfb: {  	[tilespmem:s2+$0x60] =	vst v12;
	v12 =	vadd.f32 v20, v15;
	v15 =	vld [tilespmem:s2+$0x440]  }
0xfc: {  	[tilespmem:s2+$0x70] =	vst v13;
	v13 =	vadd.f32 v21, v16;
	v16 =	vadd.f32 v22, v17;
	v17 =	vld [tilespmem:s2+$0x460]  }
0xfd: {  	[tilespmem:s2+$0x400] =	vst v12;
	v12 =	vld [tilespmem:s2+$0x450]  }
0xfe: {  	[tilespmem:s2+$0x410] =	vst v13;
	v13 =	vld [tilespmem:s2+$0x800];
	v18 =	vadd.f32 v27, v18  }
0xff: {  	[tilespmem:s2+$0x420] =	vst v16;
	v16 =	vld [tilespmem:s2+$0x810];
	v14 =	vadd.f32 v23, v14  }
0x100: {  	v4 =	vld [tilespmem:s2+$0x7460];
	v15 =	vadd.f32 v24, v15;
	[tilespmem:s2+$0x470] =	vst v18  }
0x101: {  	[tilespmem:s2+$0x430] =	vst v14;
	v14 =	vld [tilespmem:s2+$0x820];
	v17 =	vadd.f32 v26, v17  }
0x102: {  	v12 =	vadd.f32 v25, v12;
	[tilespmem:s2+$0x440] =	vst v15;
	v15 =	vld [tilespmem:s2+$0x830]  }
0x103: {  	v18 =	vld [tilespmem:s2+$0x870];
	[tilespmem:s2+$0x460] =	vst v17;
	v13 =	vadd.f32 v28, v13  }
0x104: {  	v16 =	vadd.f32 v29, v16;
	[tilespmem:s2+$0x450] =	vst v12;
	v12 =	vld [tilespmem:s2+$0x840]  }
0x105: {  	v17 =	vld [tilespmem:s2+$0x850];
	[tilespmem:s2+$0x800] =	vst v13  }
0x106: {  	[tilespmem:s2+$0x810] =	vst v16;
	v16 =	vld [tilespmem:s2+$0x860];
	v13 =	vadd.f32 v30, v14  }
0x107: {  	v14 =	vld [tilespmem:s2+$0xC00];
	v15 =	vadd.f32 v31, v15  }
0x108: {  	[tilespmem:s2+$0x820] =	vst v13;
	v13 =	vld [tilespmem:s2+$0xC10]  }
0x109: {  	v12 =	vadd.f32 v32, v12;
	[tilespmem:s2+$0x830] =	vst v15;
	v15 =	vld [tilespmem:s2+$0xC20]  }
0x10a: {  	v3 =	vld [tilespmem:s2+$0x7470];
	v17 =	vadd.f32 v33, v17  }
0x10b: {  	v16 =	vadd.f32 v34, v16;
	[tilespmem:s2+$0x840] =	vst v12;
	v12 =	vld [tilespmem:s2+$0xC30]  }
0x10c: {  	[tilespmem:s2+$0x850] =	vst v17;
	v17 =	vld [tilespmem:s2+$0xC40];
	v14 =	vadd.f32 v36, v14  }
0x10d: {  	v18 =	vadd.f32 v35, v18;
	[tilespmem:s2+$0x860] =	vst v16;
	v16 =	vld [tilespmem:s2+$0xC50]  }
0x10e: {  	v13 =	vadd.f32 v37, v13;
	[tilespmem:s2+$0xC00] =	vst v14;
	v14 =	vadd.f32 v38, v15;
	v15 =	vld [tilespmem:s2+$0xC60]  }
0x10f: {  	[tilespmem:s2+$0x870] =	vst v18;
	v18 =	vld [tilespmem:s2+$0xC70]  }
0x110: {  	[tilespmem:s2+$0xC10] =	vst v13;
	v13 =	vld [tilespmem:s2+$0x1000];
	v12 =	vadd.f32 v39, v12  }
0x111: {  	v17 =	vadd.f32 v40, v17;
	[tilespmem:s2+$0xC20] =	vst v14;
	v14 =	vld [tilespmem:s2+$0x1010]  }
0x112: {  	v16 =	vadd.f32 v41, v16;
	[tilespmem:s2+$0xC30] =	vst v12;
	v12 =	vld [tilespmem:s2+$0x1020]  }
0x113: {  	[tilespmem:s2+$0xC40] =	vst v17;
	v17 =	vld [tilespmem:s2+$0x1030];
	v15 =	vadd.f32 v42, v15  }
0x114: {  	v19 =	vld [tilespmem:s2+$0x1040];
	[tilespmem:s2+$0xC50] =	vst v16;
	v16 =	vadd.f32 v43, v18  }
0x115: {  	v18 =	vld [tilespmem:s2+$0x1050];
	v13 =	vadd.f32 v44, v13;
	[tilespmem:s2+$0xC60] =	vst v15  }
0x116: {  	v20 =	vld [tilespmem:s2+$0x1060];
	[tilespmem:s2+$0xC70] =	vst v16;
	v14 =	vadd.f32 v45, v14  }
0x117: {  	v16 =	vld [tilespmem:s2+$0x1070];
	[tilespmem:s2+$0x1000] =	vst v13;
	v12 =	vadd.f32 v46, v12  }
0x118: {  	v15 =	vld [tilespmem:s2+$0x1400];
	v13 =	vadd.f32 v47, v17;
	[tilespmem:s2+$0x1010] =	vst v14  }
0x119: {  	v14 =	vld [tilespmem:s2+$0x1410];
	[tilespmem:s2+$0x1020] =	vst v12;
	v12 =	vadd.f32 v48, v19  }
0x11a: {  	[tilespmem:s2+$0x1030] =	vst v13;
	v13 =	vld [tilespmem:s2+$0x1420];
	v18 =	vadd.f32 v49, v18  }
0x11b: {  	s13 =	simm.s32 $0x1;
	s15 =	simm.s32 $0x0;
	v17 =	vadd.f32 v50, v20;
	[tilespmem:s2+$0x1040] =	vst v12;
	v12 =	vld [tilespmem:s2+$0x1430]  }
.LBB2_2:
0x11c: {  	s16 =	sshrl.u32 s13, $0x3;
	p0 =	sne.s32 s13, $0x1F;
	[tilespmem:s2+$0x1050] =	vst v18;
	v11 =	vadd.f32 v11, v16;
	v16 =	vld [tilespmem:s2+$0x1440]  }
0x11d: {  	s15 =	sadd.s32 $0x80, s15;
	s16 =	smul.u32 $0x1800, s16;
	[tilespmem:s2+$0x1060] =	vst v17;
	v10 =	vadd.f32 v10, v15;
	v15 =	vld [tilespmem:s2+$0x1450]  }
0x11e: {  	s17 =	sand.u32 $0x380, s15;
	[tilespmem:s2+$0x1070] =	vst v11;
	v9 =	vadd.f32 v9, v14;
	v11 =	vld [tilespmem:s2+$0x1460]  }
0x11f: {  	s16 =	sor.u32 s17, s16;
	[tilespmem:s2+$0x1400] =	vst v10;
	v8 =	vadd.f32 v8, v13;
	v10 =	vld [tilespmem:s2+$0x1470]  }
0x120: {  	v39 =	vld [tilespmem:s16+$0x6000];
	[tilespmem:s2+$0x1410] =	vst v9;
	v7 =	vadd.f32 v7, v12  }
0x121: {  	v40 =	vld [tilespmem:s16+$0x6010];
	[tilespmem:s2+$0x1420] =	vst v8;
	v6 =	vadd.f32 v6, v16  }
0x122: {  	v41 =	vld [tilespmem:s16+$0x6020];
	[tilespmem:s2+$0x1430] =	vst v7;
	v5 =	vadd.f32 v5, v15  }
0x123: {  	v42 =	vld [tilespmem:s16+$0x6030];
	[tilespmem:s2+$0x1440] =	vst v6;
	v4 =	vadd.f32 v4, v11  }
0x124: {  	v43 =	vld [tilespmem:s16+$0x6040];
	[tilespmem:s2+$0x1450] =	vst v5;
	v3 =	vadd.f32 v3, v10  }
0x125: {  	v44 =	vld [tilespmem:s16+$0x6050];
	[tilespmem:s2+$0x1460] =	vst v4  }
0x126: {  	v45 =	vld [tilespmem:s16+$0x6060];
	[tilespmem:s2+$0x1470] =	vst v3;
	s2 =	smov.u32 s16  }
0x127: {  	v46 =	vld [tilespmem:s2+$0x6070]  }
0x128: {  	v47 =	vld [tilespmem:s2+$0x6400]  }
0x129: {  	v48 =	vld [tilespmem:s2+$0x6410]  }
0x12a: {  	v49 =	vld [tilespmem:s2+$0x6420]  }
0x12b: {  	v50 =	vld [tilespmem:s2+$0x6430]  }
0x12c: {  	v38 =	vld [tilespmem:s2+$0x6440]  }
0x12d: {  	v37 =	vld [tilespmem:s2+$0x6450]  }
0x12e: {  	v36 =	vld [tilespmem:s2+$0x6460]  }
0x12f: {  	v35 =	vld [tilespmem:s2+$0x6470]  }
0x130: {  	v34 =	vld [tilespmem:s2+$0x6800]  }
0x131: {  	v33 =	vld [tilespmem:s2+$0x6810]  }
0x132: {  	v32 =	vld [tilespmem:s2+$0x6820]  }
0x133: {  	v31 =	vld [tilespmem:s2+$0x6830]  }
0x134: {  	v30 =	vld [tilespmem:s2+$0x6840]  }
0x135: {  	v29 =	vld [tilespmem:s2+$0x6850]  }
0x136: {  	v28 =	vld [tilespmem:s2+$0x6860]  }
0x137: {  	v27 =	vld [tilespmem:s2+$0x6870]  }
0x138: {  	v26 =	vld [tilespmem:s2+$0x6C00]  }
0x139: {  	v25 =	vld [tilespmem:s2+$0x6C10]  }
0x13a: {  	v24 =	vld [tilespmem:s2+$0x6C20]  }
0x13b: {  	v23 =	vld [tilespmem:s2+$0x6C30]  }
0x13c: {  	v22 =	vld [tilespmem:s2+$0x6C40]  }
0x13d: {  	v21 =	vld [tilespmem:s2+$0x6C50]  }
0x13e: {  	v20 =	vld [tilespmem:s2+$0x6C60]  }
0x13f: {  	v19 =	vld [tilespmem:s2+$0x6C70]  }
0x140: {  	v18 =	vld [tilespmem:s2+$0x7000]  }
0x141: {  	v17 =	vld [tilespmem:s2+$0x7010]  }
0x142: {  	v16 =	vld [tilespmem:s2+$0x7020]  }
0x143: {  	v15 =	vld [tilespmem:s2+$0x7030]  }
0x144: {  	v14 =	vld [tilespmem:s2+$0x7040]  }
0x145: {  	v13 =	vld [tilespmem:s2+$0x7050]  }
0x146: {  	v12 =	vld [tilespmem:s2+$0x7060]  }
0x147: {  	v11 =	vld [tilespmem:s2+$0x7070]  }
0x148: {  	v10 =	vld [tilespmem:s2+$0x7400]  }
0x149: {  	v9 =	vld [tilespmem:s2+$0x7410]  }
0x14a: {  	v8 =	vld [tilespmem:s2+$0x7420]  }
0x14b: {  	v7 =	vld [tilespmem:s2+$0x7430]  }
0x14c: {  	v6 =	vld [tilespmem:s2+$0x7440]  }
0x14d: {  	v5 =	vld [tilespmem:s2+$0x7450]  }
0x14e: {  	v4 =	vld [tilespmem:s2+$0x7460]  }
0x14f: {  	v3 =	vld [tilespmem:s2+$0x7470]  }
0x150: {  	v51 =	vld [tilespmem:s2+$0x0]  }
0x151: {  	v52 =	vld [tilespmem:s2+$0x10]  }
0x152: {  	v53 =	vld [tilespmem:s2+$0x20]  }
0x153: {  	v54 =	vld [tilespmem:s2+$0x30]  }
0x154: {  	v55 =	vld [tilespmem:s2+$0x40]  }
0x155: {  	v39 =	vadd.f32 v39, v51;
	v51 =	vld [tilespmem:s2+$0x50]  }
0x156: {  	v40 =	vadd.f32 v40, v52;
	v52 =	vld [tilespmem:s2+$0x60]  }
0x157: {  	[tilespmem:s2+$0x0] =	vst v39;
	v39 =	vadd.f32 v41, v53;
	v41 =	vld [tilespmem:s2+$0x70]  }
0x158: {  	[tilespmem:s2+$0x10] =	vst v40;
	v40 =	vadd.f32 v42, v54;
	v42 =	vld [tilespmem:s2+$0x400]  }
0x159: {  	[tilespmem:s2+$0x20] =	vst v39;
	v39 =	vadd.f32 v43, v55;
	v43 =	vld [tilespmem:s2+$0x410]  }
0x15a: {  	[tilespmem:s2+$0x30] =	vst v40;
	v40 =	vadd.f32 v44, v51;
	v44 =	vld [tilespmem:s2+$0x420]  }
0x15b: {  	[tilespmem:s2+$0x40] =	vst v39;
	v39 =	vadd.f32 v45, v52;
	v45 =	vld [tilespmem:s2+$0x430]  }
0x15c: {  	[tilespmem:s2+$0x50] =	vst v40;
	v40 =	vadd.f32 v46, v41;
	v41 =	vld [tilespmem:s2+$0x440]  }
0x15d: {  	[tilespmem:s2+$0x60] =	vst v39;
	v39 =	vadd.f32 v47, v42;
	v42 =	vld [tilespmem:s2+$0x450]  }
0x15e: {  	[tilespmem:s2+$0x70] =	vst v40;
	v40 =	vadd.f32 v48, v43;
	v43 =	vld [tilespmem:s2+$0x460]  }
0x15f: {  	[tilespmem:s2+$0x400] =	vst v39;
	v39 =	vadd.f32 v49, v44;
	v44 =	vld [tilespmem:s2+$0x470]  }
0x160: {  	[tilespmem:s2+$0x410] =	vst v40;
	v40 =	vadd.f32 v50, v45;
	v45 =	vld [tilespmem:s2+$0x800]  }
0x161: {  	[tilespmem:s2+$0x420] =	vst v39;
	v38 =	vadd.f32 v38, v41;
	v39 =	vld [tilespmem:s2+$0x810]  }
0x162: {  	[tilespmem:s2+$0x430] =	vst v40;
	v37 =	vadd.f32 v37, v42;
	v40 =	vld [tilespmem:s2+$0x820]  }
0x163: {  	[tilespmem:s2+$0x440] =	vst v38;
	v36 =	vadd.f32 v36, v43;
	v38 =	vld [tilespmem:s2+$0x830]  }
0x164: {  	[tilespmem:s2+$0x450] =	vst v37;
	v35 =	vadd.f32 v35, v44;
	v37 =	vld [tilespmem:s2+$0x840]  }
0x165: {  	[tilespmem:s2+$0x460] =	vst v36;
	v34 =	vadd.f32 v34, v45;
	v36 =	vld [tilespmem:s2+$0x850]  }
0x166: {  	[tilespmem:s2+$0x470] =	vst v35;
	v33 =	vadd.f32 v33, v39;
	v35 =	vld [tilespmem:s2+$0x860]  }
0x167: {  	[tilespmem:s2+$0x800] =	vst v34;
	v32 =	vadd.f32 v32, v40;
	v34 =	vld [tilespmem:s2+$0x870]  }
0x168: {  	[tilespmem:s2+$0x810] =	vst v33;
	v31 =	vadd.f32 v31, v38;
	v33 =	vld [tilespmem:s2+$0xC00]  }
0x169: {  	[tilespmem:s2+$0x820] =	vst v32;
	v30 =	vadd.f32 v30, v37;
	v32 =	vld [tilespmem:s2+$0xC10]  }
0x16a: {  	[tilespmem:s2+$0x830] =	vst v31;
	v29 =	vadd.f32 v29, v36;
	v31 =	vld [tilespmem:s2+$0xC20]  }
0x16b: {  	[tilespmem:s2+$0x840] =	vst v30;
	v28 =	vadd.f32 v28, v35;
	v30 =	vld [tilespmem:s2+$0xC30]  }
0x16c: {  	[tilespmem:s2+$0x850] =	vst v29;
	v27 =	vadd.f32 v27, v34;
	v29 =	vld [tilespmem:s2+$0xC40]  }
0x16d: {  	[tilespmem:s2+$0x860] =	vst v28;
	v26 =	vadd.f32 v26, v33;
	v28 =	vld [tilespmem:s2+$0xC50]  }
0x16e: {  	[tilespmem:s2+$0x870] =	vst v27;
	v25 =	vadd.f32 v25, v32;
	v27 =	vld [tilespmem:s2+$0xC60]  }
0x16f: {  	[tilespmem:s2+$0xC00] =	vst v26;
	v24 =	vadd.f32 v24, v31;
	v26 =	vld [tilespmem:s2+$0xC70]  }
0x170: {  	[tilespmem:s2+$0xC10] =	vst v25;
	v23 =	vadd.f32 v23, v30;
	v25 =	vld [tilespmem:s2+$0x1000]  }
0x171: {  	[tilespmem:s2+$0xC20] =	vst v24;
	v22 =	vadd.f32 v22, v29;
	v24 =	vld [tilespmem:s2+$0x1010]  }
0x172: {  	[tilespmem:s2+$0xC30] =	vst v23;
	v21 =	vadd.f32 v21, v28;
	v23 =	vld [tilespmem:s2+$0x1020]  }
0x173: {  	[tilespmem:s2+$0xC40] =	vst v22;
	v20 =	vadd.f32 v20, v27;
	v22 =	vld [tilespmem:s2+$0x1030]  }
0x174: {  	[tilespmem:s2+$0xC50] =	vst v21;
	v19 =	vadd.f32 v19, v26;
	v21 =	vld [tilespmem:s2+$0x1040]  }
0x175: {  	[tilespmem:s2+$0xC60] =	vst v20;
	v18 =	vadd.f32 v18, v25;
	v20 =	vld [tilespmem:s2+$0x1050]  }
0x176: {  	[tilespmem:s2+$0xC70] =	vst v19;
	v17 =	vadd.f32 v17, v24;
	v19 =	vld [tilespmem:s2+$0x1060]  }
.Ltmp0:
0x177: {  	[tilespmem:s2+$0x1000] =	vst v18;
	v18 =	vadd.f32 v16, v23;
	v16 =	vld [tilespmem:s2+$0x1070];
	(pc) =	sbr.rel @p0 .LBB2_2-.Ltmp0, $4  }
0x178: {  	[tilespmem:s2+$0x1010] =	vst v17;
	v17 =	vadd.f32 v15, v22;
	v15 =	vld [tilespmem:s2+$0x1400]  }
0x179: {  	[tilespmem:s2+$0x1020] =	vst v18;
	v21 =	vadd.f32 v14, v21;
	v14 =	vld [tilespmem:s2+$0x1410]  }
0x17a: {  	[tilespmem:s2+$0x1030] =	vst v17;
	v18 =	vadd.f32 v13, v20;
	v13 =	vld [tilespmem:s2+$0x1420]  }
0x17b: {  	s13 =	sadd.s32 $0x1, s13;
	[tilespmem:s2+$0x1040] =	vst v21;
	v17 =	vadd.f32 v12, v19;
	v12 =	vld [tilespmem:s2+$0x1430]  }
0x17c: {  	[tilespmem:s2+$0x1050] =	vst v18;
	v18 =	vld [tilespmem:s2+$0x1440];
	v11 =	vadd.f32 v11, v16  }
0x17d: {  	v16 =	vld [tilespmem:s2+$0x1450];
	[tilespmem:s2+$0x1060] =	vst v17;
	v10 =	vadd.f32 v10, v15  }
0x17e: {  	[tilespmem:s2+$0x1070] =	vst v11;
	v9 =	vadd.f32 v9, v14;
	v11 =	vld [tilespmem:s2+$0x1460]  }
0x17f: {  	[tilespmem:s2+$0x1400] =	vst v10;
	v8 =	vadd.f32 v8, v13;
	v10 =	vld [tilespmem:s2+$0x1470]  }
0x180: {  	[tilespmem:s2+$0x1410] =	vst v9;
	v7 =	vadd.f32 v7, v12  }
0x181: {  	[tilespmem:s2+$0x1420] =	vst v8;
	v6 =	vadd.f32 v6, v18  }
0x182: {  	v5 =	vadd.f32 v5, v16;
	[tilespmem:s2+$0x1430] =	vst v7  }
0x183: {  	[tilespmem:s2+$0x1440] =	vst v6;
	v4 =	vadd.f32 v4, v11  }
0x184: {  	[tilespmem:s2+$0x1450] =	vst v5;
	v3 =	vadd.f32 v3, v10  }
0x185: {  	[tilespmem:s2+$0x1460] =	vst v4  }
0x186: {  	s13 =	simm.s32 $0x0;
	[tilespmem:s2+$0x1470] =	vst v3  }
0x187: {  	[hbm4b:s10+s13] =	stream.linear.scatter [tilespmem:s13], [sflag:$0x3], $0x6000, $0x38;
	[tilespmem:$0x18200] =	vst v63  }
0x188: {  	_ =	swait.ge [sflag:s30], $0x6000  }
0x189: {  	[sflag:s30] =	ssyncset.done $0x0  }
0x18a: {  	s17 =	simm.s32 $0x0;
	[sflag:s30] =	ssyncadd.s32 $0xFFFFA000  }
0x18b: {  	s2 =	smul.u32 $0x1800, s17;
	_ =	swait.ge [sflag:s30], $0x6000  }
0x18c: {  	s15 =	sand.u32 $0x380, s13;
	[sflag:s30] =	ssyncset.done $0x0  }
0x18d: {  	s2 =	sor.u32 s15, s2;
	[sflag:s30] =	ssyncadd.s32 $0xFFFFA000  }
0x18e: {  	v12 =	vld [tilespmem:s2+$0x12000]  }
0x18f: {  	v13 =	vld [tilespmem:s2+$0x12010]  }
0x190: {  	v14 =	vld [tilespmem:s2+$0x12020]  }
0x191: {  	v15 =	vld [tilespmem:s2+$0x12030]  }
0x192: {  	v16 =	vld [tilespmem:s2+$0x12040]  }
0x193: {  	v17 =	vld [tilespmem:s2+$0x12050]  }
0x194: {  	v18 =	vld [tilespmem:s2+$0x12060]  }
0x195: {  	v19 =	vld [tilespmem:s2+$0x12070]  }
0x196: {  	v20 =	vld [tilespmem:s2+$0x12400]  }
0x197: {  	v21 =	vld [tilespmem:s2+$0x12410]  }
0x198: {  	v22 =	vld [tilespmem:s2+$0x12420]  }
0x199: {  	v23 =	vld [tilespmem:s2+$0x12430]  }
0x19a: {  	v24 =	vld [tilespmem:s2+$0x12440]  }
0x19b: {  	v25 =	vld [tilespmem:s2+$0x12450]  }
0x19c: {  	v26 =	vld [tilespmem:s2+$0x12460]  }
0x19d: {  	v27 =	vld [tilespmem:s2+$0x12470]  }
0x19e: {  	v28 =	vld [tilespmem:s2+$0x12800]  }
0x19f: {  	v29 =	vld [tilespmem:s2+$0x12810]  }
0x1a0: {  	v30 =	vld [tilespmem:s2+$0x12820]  }
0x1a1: {  	v31 =	vld [tilespmem:s2+$0x12830]  }
0x1a2: {  	v32 =	vld [tilespmem:s2+$0x12840]  }
0x1a3: {  	v33 =	vld [tilespmem:s2+$0x12850]  }
0x1a4: {  	v34 =	vld [tilespmem:s2+$0x12860]  }
0x1a5: {  	v35 =	vld [tilespmem:s2+$0x12870]  }
0x1a6: {  	v36 =	vld [tilespmem:s2+$0x12C00]  }
0x1a7: {  	v37 =	vld [tilespmem:s2+$0x12C10]  }
0x1a8: {  	v38 =	vld [tilespmem:s2+$0x12C20]  }
0x1a9: {  	v39 =	vld [tilespmem:s2+$0x12C30]  }
0x1aa: {  	v40 =	vld [tilespmem:s2+$0x12C40]  }
0x1ab: {  	v41 =	vld [tilespmem:s2+$0x12C50]  }
0x1ac: {  	v42 =	vld [tilespmem:s2+$0x12C60]  }
0x1ad: {  	v43 =	vld [tilespmem:s2+$0x12C70]  }
0x1ae: {  	v44 =	vld [tilespmem:s2+$0x13000]  }
0x1af: {  	v45 =	vld [tilespmem:s2+$0x13010]  }
0x1b0: {  	v46 =	vld [tilespmem:s2+$0x13020]  }
0x1b1: {  	v47 =	vld [tilespmem:s2+$0x13030]  }
0x1b2: {  	v48 =	vld [tilespmem:s2+$0x13040]  }
0x1b3: {  	v49 =	vld [tilespmem:s2+$0x13050]  }
0x1b4: {  	v50 =	vld [tilespmem:s2+$0x13060]  }
0x1b5: {  	v11 =	vld [tilespmem:s2+$0x13070]  }
0x1b6: {  	v10 =	vld [tilespmem:s2+$0x13400]  }
0x1b7: {  	v9 =	vld [tilespmem:s2+$0x13410]  }
0x1b8: {  	v8 =	vld [tilespmem:s2+$0x13420]  }
0x1b9: {  	v7 =	vld [tilespmem:s2+$0x13430]  }
0x1ba: {  	v6 =	vld [tilespmem:s2+$0x13440]  }
0x1bb: {  	v51 =	vld [tilespmem:s2+$0xC000]  }
0x1bc: {  	v52 =	vld [tilespmem:s2+$0xC010]  }
0x1bd: {  	v53 =	vld [tilespmem:s2+$0xC020]  }
0x1be: {  	v54 =	vld [tilespmem:s2+$0xC030]  }
0x1bf: {  	v55 =	vld [tilespmem:s2+$0xC040]  }
0x1c0: {  	v62 =	vld [tilespmem:s2+$0xC050];
	v12 =	vadd.f32 v12, v51  }
0x1c1: {  	v63 =	vld [tilespmem:s2+$0xC060];
	v13 =	vadd.f32 v13, v52  }
0x1c2: {  	[tilespmem:s2+$0xC000] =	vst v12;
	v12 =	vadd.f32 v14, v53;
	v14 =	vld [tilespmem:s2+$0xC070]  }
0x1c3: {  	[tilespmem:s2+$0xC010] =	vst v13;
	v13 =	vadd.f32 v15, v54;
	v15 =	vld [tilespmem:s2+$0xC400]  }
0x1c4: {  	[tilespmem:s2+$0xC020] =	vst v12;
	v12 =	vadd.f32 v16, v55;
	v16 =	vld [tilespmem:s2+$0xC410]  }
0x1c5: {  	[tilespmem:s2+$0xC030] =	vst v13;
	v13 =	vadd.f32 v17, v62;
	v17 =	vld [tilespmem:s2+$0xC420]  }
0x1c6: {  	v5 =	vld [tilespmem:s2+$0x13450]  }
0x1c7: {  	[tilespmem:s2+$0xC040] =	vst v12;
	v12 =	vadd.f32 v18, v63;
	v18 =	vld [tilespmem:s2+$0xC470]  }
0x1c8: {  	[tilespmem:s2+$0xC050] =	vst v13;
	v13 =	vadd.f32 v19, v14;
	v14 =	vld [tilespmem:s2+$0xC430]  }
0x1c9: {  	[tilespmem:s2+$0xC060] =	vst v12;
	v12 =	vadd.f32 v20, v15;
	v15 =	vld [tilespmem:s2+$0xC440]  }
0x1ca: {  	[tilespmem:s2+$0xC070] =	vst v13;
	v13 =	vadd.f32 v21, v16;
	v16 =	vadd.f32 v22, v17;
	v17 =	vld [tilespmem:s2+$0xC460]  }
0x1cb: {  	[tilespmem:s2+$0xC400] =	vst v12;
	v12 =	vld [tilespmem:s2+$0xC450]  }
0x1cc: {  	[tilespmem:s2+$0xC410] =	vst v13;
	v13 =	vld [tilespmem:s2+$0xC800];
	v18 =	vadd.f32 v27, v18  }
0x1cd: {  	[tilespmem:s2+$0xC420] =	vst v16;
	v16 =	vld [tilespmem:s2+$0xC810];
	v14 =	vadd.f32 v23, v14  }
0x1ce: {  	v4 =	vld [tilespmem:s2+$0x13460];
	v15 =	vadd.f32 v24, v15;
	[tilespmem:s2+$0xC470] =	vst v18  }
0x1cf: {  	[tilespmem:s2+$0xC430] =	vst v14;
	v14 =	vld [tilespmem:s2+$0xC820];
	v17 =	vadd.f32 v26, v17  }
0x1d0: {  	v12 =	vadd.f32 v25, v12;
	[tilespmem:s2+$0xC440] =	vst v15;
	v15 =	vld [tilespmem:s2+$0xC830]  }
0x1d1: {  	v18 =	vld [tilespmem:s2+$0xC870];
	[tilespmem:s2+$0xC460] =	vst v17;
	v13 =	vadd.f32 v28, v13  }
0x1d2: {  	v16 =	vadd.f32 v29, v16;
	[tilespmem:s2+$0xC450] =	vst v12;
	v12 =	vld [tilespmem:s2+$0xC840]  }
0x1d3: {  	v17 =	vld [tilespmem:s2+$0xC850];
	[tilespmem:s2+$0xC800] =	vst v13  }
0x1d4: {  	[tilespmem:s2+$0xC810] =	vst v16;
	v16 =	vld [tilespmem:s2+$0xC860];
	v13 =	vadd.f32 v30, v14  }
0x1d5: {  	v14 =	vld [tilespmem:s2+$0xCC00];
	v15 =	vadd.f32 v31, v15  }
0x1d6: {  	[tilespmem:s2+$0xC820] =	vst v13;
	v13 =	vld [tilespmem:s2+$0xCC10]  }
0x1d7: {  	v12 =	vadd.f32 v32, v12;
	[tilespmem:s2+$0xC830] =	vst v15;
	v15 =	vld [tilespmem:s2+$0xCC20]  }
0x1d8: {  	v3 =	vld [tilespmem:s2+$0x13470];
	v17 =	vadd.f32 v33, v17  }
0x1d9: {  	v16 =	vadd.f32 v34, v16;
	[tilespmem:s2+$0xC840] =	vst v12;
	v12 =	vld [tilespmem:s2+$0xCC30]  }
0x1da: {  	[tilespmem:s2+$0xC850] =	vst v17;
	v17 =	vld [tilespmem:s2+$0xCC40];
	v14 =	vadd.f32 v36, v14  }
0x1db: {  	v18 =	vadd.f32 v35, v18;
	[tilespmem:s2+$0xC860] =	vst v16;
	v16 =	vld [tilespmem:s2+$0xCC50]  }
0x1dc: {  	v13 =	vadd.f32 v37, v13;
	[tilespmem:s2+$0xCC00] =	vst v14;
	v14 =	vadd.f32 v38, v15;
	v15 =	vld [tilespmem:s2+$0xCC60]  }
0x1dd: {  	[tilespmem:s2+$0xC870] =	vst v18;
	v18 =	vld [tilespmem:s2+$0xCC70]  }
0x1de: {  	[tilespmem:s2+$0xCC10] =	vst v13;
	v13 =	vld [tilespmem:s2+$0xD000];
	v12 =	vadd.f32 v39, v12  }
0x1df: {  	v17 =	vadd.f32 v40, v17;
	[tilespmem:s2+$0xCC20] =	vst v14;
	v14 =	vld [tilespmem:s2+$0xD010]  }
0x1e0: {  	v16 =	vadd.f32 v41, v16;
	[tilespmem:s2+$0xCC30] =	vst v12;
	v12 =	vld [tilespmem:s2+$0xD020]  }
0x1e1: {  	[tilespmem:s2+$0xCC40] =	vst v17;
	v17 =	vld [tilespmem:s2+$0xD030];
	v15 =	vadd.f32 v42, v15  }
0x1e2: {  	v19 =	vld [tilespmem:s2+$0xD040];
	[tilespmem:s2+$0xCC50] =	vst v16;
	v16 =	vadd.f32 v43, v18  }
0x1e3: {  	v18 =	vld [tilespmem:s2+$0xD050];
	v13 =	vadd.f32 v44, v13;
	[tilespmem:s2+$0xCC60] =	vst v15  }
0x1e4: {  	v20 =	vld [tilespmem:s2+$0xD060];
	[tilespmem:s2+$0xCC70] =	vst v16;
	v14 =	vadd.f32 v45, v14  }
0x1e5: {  	v16 =	vld [tilespmem:s2+$0xD070];
	[tilespmem:s2+$0xD000] =	vst v13;
	v12 =	vadd.f32 v46, v12  }
0x1e6: {  	v15 =	vld [tilespmem:s2+$0xD400];
	v13 =	vadd.f32 v47, v17;
	[tilespmem:s2+$0xD010] =	vst v14  }
0x1e7: {  	v14 =	vld [tilespmem:s2+$0xD410];
	[tilespmem:s2+$0xD020] =	vst v12;
	v12 =	vadd.f32 v48, v19  }
0x1e8: {  	[tilespmem:s2+$0xD030] =	vst v13;
	v13 =	vld [tilespmem:s2+$0xD420];
	v18 =	vadd.f32 v49, v18  }
0x1e9: {  	s15 =	simm.s32 $0x1;
	v17 =	vadd.f32 v50, v20;
	[tilespmem:s2+$0xD040] =	vst v12;
	v12 =	vld [tilespmem:s2+$0xD430]  }
.LBB2_4:
0x1ea: {  	s16 =	sshrl.u32 s15, $0x3;
	p0 =	sne.s32 s15, $0x1F;
	[tilespmem:s2+$0xD050] =	vst v18;
	v11 =	vadd.f32 v11, v16;
	v16 =	vld [tilespmem:s2+$0xD440]  }
0x1eb: {  	s13 =	sadd.s32 $0x80, s13;
	s16 =	smul.u32 $0x1800, s16;
	[tilespmem:s2+$0xD060] =	vst v17;
	v10 =	vadd.f32 v10, v15;
	v15 =	vld [tilespmem:s2+$0xD450]  }
0x1ec: {  	s17 =	sand.u32 $0x380, s13;
	[tilespmem:s2+$0xD070] =	vst v11;
	v9 =	vadd.f32 v9, v14;
	v11 =	vld [tilespmem:s2+$0xD460]  }
0x1ed: {  	s16 =	sor.u32 s17, s16;
	[tilespmem:s2+$0xD400] =	vst v10;
	v8 =	vadd.f32 v8, v13;
	v10 =	vld [tilespmem:s2+$0xD470]  }
0x1ee: {  	v39 =	vld [tilespmem:s16+$0x12000];
	[tilespmem:s2+$0xD410] =	vst v9;
	v7 =	vadd.f32 v7, v12  }
0x1ef: {  	v40 =	vld [tilespmem:s16+$0x12010];
	[tilespmem:s2+$0xD420] =	vst v8;
	v6 =	vadd.f32 v6, v16  }
0x1f0: {  	v41 =	vld [tilespmem:s16+$0x12020];
	[tilespmem:s2+$0xD430] =	vst v7;
	v5 =	vadd.f32 v5, v15  }
0x1f1: {  	v42 =	vld [tilespmem:s16+$0x12030];
	[tilespmem:s2+$0xD440] =	vst v6;
	v4 =	vadd.f32 v4, v11  }
0x1f2: {  	v43 =	vld [tilespmem:s16+$0x12040];
	[tilespmem:s2+$0xD450] =	vst v5;
	v3 =	vadd.f32 v3, v10  }
0x1f3: {  	v44 =	vld [tilespmem:s16+$0x12050];
	[tilespmem:s2+$0xD460] =	vst v4  }
0x1f4: {  	v45 =	vld [tilespmem:s16+$0x12060];
	[tilespmem:s2+$0xD470] =	vst v3;
	s2 =	smov.u32 s16  }
0x1f5: {  	v46 =	vld [tilespmem:s2+$0x12070]  }
0x1f6: {  	v47 =	vld [tilespmem:s2+$0x12400]  }
0x1f7: {  	v48 =	vld [tilespmem:s2+$0x12410]  }
0x1f8: {  	v49 =	vld [tilespmem:s2+$0x12420]  }
0x1f9: {  	v50 =	vld [tilespmem:s2+$0x12430]  }
0x1fa: {  	v38 =	vld [tilespmem:s2+$0x12440]  }
0x1fb: {  	v37 =	vld [tilespmem:s2+$0x12450]  }
0x1fc: {  	v36 =	vld [tilespmem:s2+$0x12460]  }
0x1fd: {  	v35 =	vld [tilespmem:s2+$0x12470]  }
0x1fe: {  	v34 =	vld [tilespmem:s2+$0x12800]  }
0x1ff: {  	v33 =	vld [tilespmem:s2+$0x12810]  }
0x200: {  	v32 =	vld [tilespmem:s2+$0x12820]  }
0x201: {  	v31 =	vld [tilespmem:s2+$0x12830]  }
0x202: {  	v30 =	vld [tilespmem:s2+$0x12840]  }
0x203: {  	v29 =	vld [tilespmem:s2+$0x12850]  }
0x204: {  	v28 =	vld [tilespmem:s2+$0x12860]  }
0x205: {  	v27 =	vld [tilespmem:s2+$0x12870]  }
0x206: {  	v26 =	vld [tilespmem:s2+$0x12C00]  }
0x207: {  	v25 =	vld [tilespmem:s2+$0x12C10]  }
0x208: {  	v24 =	vld [tilespmem:s2+$0x12C20]  }
0x209: {  	v23 =	vld [tilespmem:s2+$0x12C30]  }
0x20a: {  	v22 =	vld [tilespmem:s2+$0x12C40]  }
0x20b: {  	v21 =	vld [tilespmem:s2+$0x12C50]  }
0x20c: {  	v20 =	vld [tilespmem:s2+$0x12C60]  }
0x20d: {  	v19 =	vld [tilespmem:s2+$0x12C70]  }
0x20e: {  	v18 =	vld [tilespmem:s2+$0x13000]  }
0x20f: {  	v17 =	vld [tilespmem:s2+$0x13010]  }
0x210: {  	v16 =	vld [tilespmem:s2+$0x13020]  }
0x211: {  	v15 =	vld [tilespmem:s2+$0x13030]  }
0x212: {  	v14 =	vld [tilespmem:s2+$0x13040]  }
0x213: {  	v13 =	vld [tilespmem:s2+$0x13050]  }
0x214: {  	v12 =	vld [tilespmem:s2+$0x13060]  }
0x215: {  	v11 =	vld [tilespmem:s2+$0x13070]  }
0x216: {  	v10 =	vld [tilespmem:s2+$0x13400]  }
0x217: {  	v9 =	vld [tilespmem:s2+$0x13410]  }
0x218: {  	v8 =	vld [tilespmem:s2+$0x13420]  }
0x219: {  	v7 =	vld [tilespmem:s2+$0x13430]  }
0x21a: {  	v6 =	vld [tilespmem:s2+$0x13440]  }
0x21b: {  	v5 =	vld [tilespmem:s2+$0x13450]  }
0x21c: {  	v4 =	vld [tilespmem:s2+$0x13460]  }
0x21d: {  	v3 =	vld [tilespmem:s2+$0x13470]  }
0x21e: {  	v51 =	vld [tilespmem:s2+$0xC000]  }
0x21f: {  	v52 =	vld [tilespmem:s2+$0xC010]  }
0x220: {  	v53 =	vld [tilespmem:s2+$0xC020]  }
0x221: {  	v54 =	vld [tilespmem:s2+$0xC030]  }
0x222: {  	v55 =	vld [tilespmem:s2+$0xC040]  }
0x223: {  	v39 =	vadd.f32 v39, v51;
	v51 =	vld [tilespmem:s2+$0xC050]  }
0x224: {  	v40 =	vadd.f32 v40, v52;
	v52 =	vld [tilespmem:s2+$0xC060]  }
0x225: {  	[tilespmem:s2+$0xC000] =	vst v39;
	v39 =	vadd.f32 v41, v53;
	v41 =	vld [tilespmem:s2+$0xC070]  }
0x226: {  	[tilespmem:s2+$0xC010] =	vst v40;
	v40 =	vadd.f32 v42, v54;
	v42 =	vld [tilespmem:s2+$0xC400]  }
0x227: {  	[tilespmem:s2+$0xC020] =	vst v39;
	v39 =	vadd.f32 v43, v55;
	v43 =	vld [tilespmem:s2+$0xC410]  }
0x228: {  	[tilespmem:s2+$0xC030] =	vst v40;
	v40 =	vadd.f32 v44, v51;
	v44 =	vld [tilespmem:s2+$0xC420]  }
0x229: {  	[tilespmem:s2+$0xC040] =	vst v39;
	v39 =	vadd.f32 v45, v52;
	v45 =	vld [tilespmem:s2+$0xC430]  }
0x22a: {  	[tilespmem:s2+$0xC050] =	vst v40;
	v40 =	vadd.f32 v46, v41;
	v41 =	vld [tilespmem:s2+$0xC440]  }
0x22b: {  	[tilespmem:s2+$0xC060] =	vst v39;
	v39 =	vadd.f32 v47, v42;
	v42 =	vld [tilespmem:s2+$0xC450]  }
0x22c: {  	[tilespmem:s2+$0xC070] =	vst v40;
	v40 =	vadd.f32 v48, v43;
	v43 =	vld [tilespmem:s2+$0xC460]  }
0x22d: {  	[tilespmem:s2+$0xC400] =	vst v39;
	v39 =	vadd.f32 v49, v44;
	v44 =	vld [tilespmem:s2+$0xC470]  }
0x22e: {  	[tilespmem:s2+$0xC410] =	vst v40;
	v40 =	vadd.f32 v50, v45;
	v45 =	vld [tilespmem:s2+$0xC800]  }
0x22f: {  	[tilespmem:s2+$0xC420] =	vst v39;
	v38 =	vadd.f32 v38, v41;
	v39 =	vld [tilespmem:s2+$0xC810]  }
0x230: {  	[tilespmem:s2+$0xC430] =	vst v40;
	v37 =	vadd.f32 v37, v42;
	v40 =	vld [tilespmem:s2+$0xC820]  }
0x231: {  	[tilespmem:s2+$0xC440] =	vst v38;
	v36 =	vadd.f32 v36, v43;
	v38 =	vld [tilespmem:s2+$0xC830]  }
0x232: {  	[tilespmem:s2+$0xC450] =	vst v37;
	v35 =	vadd.f32 v35, v44;
	v37 =	vld [tilespmem:s2+$0xC840]  }
0x233: {  	[tilespmem:s2+$0xC460] =	vst v36;
	v34 =	vadd.f32 v34, v45;
	v36 =	vld [tilespmem:s2+$0xC850]  }
0x234: {  	[tilespmem:s2+$0xC470] =	vst v35;
	v33 =	vadd.f32 v33, v39;
	v35 =	vld [tilespmem:s2+$0xC860]  }
0x235: {  	[tilespmem:s2+$0xC800] =	vst v34;
	v32 =	vadd.f32 v32, v40;
	v34 =	vld [tilespmem:s2+$0xC870]  }
0x236: {  	[tilespmem:s2+$0xC810] =	vst v33;
	v31 =	vadd.f32 v31, v38;
	v33 =	vld [tilespmem:s2+$0xCC00]  }
0x237: {  	[tilespmem:s2+$0xC820] =	vst v32;
	v30 =	vadd.f32 v30, v37;
	v32 =	vld [tilespmem:s2+$0xCC10]  }
0x238: {  	[tilespmem:s2+$0xC830] =	vst v31;
	v29 =	vadd.f32 v29, v36;
	v31 =	vld [tilespmem:s2+$0xCC20]  }
0x239: {  	[tilespmem:s2+$0xC840] =	vst v30;
	v28 =	vadd.f32 v28, v35;
	v30 =	vld [tilespmem:s2+$0xCC30]  }
0x23a: {  	[tilespmem:s2+$0xC850] =	vst v29;
	v27 =	vadd.f32 v27, v34;
	v29 =	vld [tilespmem:s2+$0xCC40]  }
0x23b: {  	[tilespmem:s2+$0xC860] =	vst v28;
	v26 =	vadd.f32 v26, v33;
	v28 =	vld [tilespmem:s2+$0xCC50]  }
0x23c: {  	[tilespmem:s2+$0xC870] =	vst v27;
	v25 =	vadd.f32 v25, v32;
	v27 =	vld [tilespmem:s2+$0xCC60]  }
0x23d: {  	[tilespmem:s2+$0xCC00] =	vst v26;
	v24 =	vadd.f32 v24, v31;
	v26 =	vld [tilespmem:s2+$0xCC70]  }
0x23e: {  	[tilespmem:s2+$0xCC10] =	vst v25;
	v23 =	vadd.f32 v23, v30;
	v25 =	vld [tilespmem:s2+$0xD000]  }
0x23f: {  	[tilespmem:s2+$0xCC20] =	vst v24;
	v22 =	vadd.f32 v22, v29;
	v24 =	vld [tilespmem:s2+$0xD010]  }
0x240: {  	[tilespmem:s2+$0xCC30] =	vst v23;
	v21 =	vadd.f32 v21, v28;
	v23 =	vld [tilespmem:s2+$0xD020]  }
0x241: {  	[tilespmem:s2+$0xCC40] =	vst v22;
	v20 =	vadd.f32 v20, v27;
	v22 =	vld [tilespmem:s2+$0xD030]  }
0x242: {  	[tilespmem:s2+$0xCC50] =	vst v21;
	v19 =	vadd.f32 v19, v26;
	v21 =	vld [tilespmem:s2+$0xD040]  }
0x243: {  	[tilespmem:s2+$0xCC60] =	vst v20;
	v18 =	vadd.f32 v18, v25;
	v20 =	vld [tilespmem:s2+$0xD050]  }
0x244: {  	[tilespmem:s2+$0xCC70] =	vst v19;
	v17 =	vadd.f32 v17, v24;
	v19 =	vld [tilespmem:s2+$0xD060]  }
.Ltmp1:
0x245: {  	[tilespmem:s2+$0xD000] =	vst v18;
	v18 =	vadd.f32 v16, v23;
	v16 =	vld [tilespmem:s2+$0xD070];
	(pc) =	sbr.rel @p0 .LBB2_4-.Ltmp1, $4  }
0x246: {  	[tilespmem:s2+$0xD010] =	vst v17;
	v17 =	vadd.f32 v15, v22;
	v15 =	vld [tilespmem:s2+$0xD400]  }
0x247: {  	[tilespmem:s2+$0xD020] =	vst v18;
	v21 =	vadd.f32 v14, v21;
	v14 =	vld [tilespmem:s2+$0xD410]  }
0x248: {  	[tilespmem:s2+$0xD030] =	vst v17;
	v18 =	vadd.f32 v13, v20;
	v13 =	vld [tilespmem:s2+$0xD420]  }
0x249: {  	s15 =	sadd.s32 $0x1, s15;
	[tilespmem:s2+$0xD040] =	vst v21;
	v17 =	vadd.f32 v12, v19;
	v12 =	vld [tilespmem:s2+$0xD430]  }
0x24a: {  	[tilespmem:s2+$0xD050] =	vst v18;
	v60 =	vld [tilespmem:s2+$0xD440];
	v11 =	vadd.f32 v11, v16  }
0x24b: {  	v61 =	vld [tilespmem:s2+$0xD450];
	[tilespmem:s2+$0xD060] =	vst v17;
	v10 =	vadd.f32 v10, v15  }
0x24c: {  	v62 =	vld [tilespmem:s2+$0xD460];
	[tilespmem:s2+$0xD070] =	vst v11;
	v9 =	vadd.f32 v9, v14  }
0x24d: {  	v63 =	vld [tilespmem:s2+$0xD470];
	[tilespmem:s2+$0xD400] =	vst v10;
	v8 =	vadd.f32 v8, v13  }
0x24e: {  	[tilespmem:s2+$0xD410] =	vst v9;
	v7 =	vadd.f32 v7, v12  }
0x24f: {  	[tilespmem:s2+$0xD420] =	vst v8;
	v6 =	vadd.f32 v6, v60  }
0x250: {  	v5 =	vadd.f32 v5, v61;
	[tilespmem:s2+$0xD430] =	vst v7  }
0x251: {  	v4 =	vadd.f32 v4, v62;
	[tilespmem:s2+$0xD440] =	vst v6  }
0x252: {  	v3 =	vadd.f32 v3, v63;
	[tilespmem:s2+$0xD450] =	vst v5  }
0x253: {  	[tilespmem:s2+$0xD460] =	vst v4  }
0x254: {  	s0 =	sadd.s32 $0x1, s0;
	[tilespmem:s2+$0xD470] =	vst v3  }
0x255: {  	[hbm4b:s11+s1] =	stream.linear.scatter [tilespmem:s22], [sflag:$0x3], $0x6000, $0x38;
	[tilespmem:$0x18200] =	vst v63  }
0x256: {  	p0 =	sne.s32 s0, s12;
	_ =	swait.ge [sflag:s31], $0x6000  }
.Ltmp2:
0x257: {  	[sflag:s31] =	ssyncset.done $0x0;
	(pc) =	sbr.rel @p0 .LBB2_1-.Ltmp2, $4  }
0x258: {  	[sflag:s31] =	ssyncadd.s32 $0xFFFFA000  }
0x259: {  	_ =	swait.ge [sflag:s31], $0x6000  }
0x25a: {  	[sflag:s31] =	ssyncset.done $0x0  }
0x25b: {  	[sflag:s31] =	ssyncadd.s32 $0xFFFFA000  }
0x25c: {  	_ =	sfence.sel $0x180000  }
0x25d: {  	[bflag:$0x0] =	sbarrier.arrive $0xFFFF  }
0x25e: {  	_ =	strace $0x9000004A  }
0x25f: {  	s0 =	stileid.u32;
	[bflag:$0x2] =	sbarrier.arrive $0xFFFF  }
0x260: {  	p0 =	sne.s32 s0, $0x0;
	s0 =	rddreg [dreg:$0x2]  }
0x261: {  	s0 =	sadd.s32 @!p0 $0x100000, s0  }
0x262: {  	[sflag:s0] =	ssyncadd.tile.s32 @!p0 $0x1;
	_ =	shalt  }
.Lfunc_end2:
_tile_overlayer_lowered:
.L_overlay_start_2:
0x263: {  	(tag) =	ssettag $0x2  }
0x264: {  	s0 =	rddreg [dreg:$0x0];
	s2 =	stileid.u32  }
0x265: {  	s1 =	rddreg [dreg:$0x1];
	p0 =	sne.s32 s2, $0x0  }
0x266: {  	s3 =	rddreg [dreg:$0x2];
	[bflag:$0x3] =	sbarrier.arrive $0xFFFF;
	s2 =	simm.s32 @!p0 $0x1C04  }
0x267: {  	[timem:s3], [sflag:s2] =	dma.local @!p0 [hbm:s0], s1  }
0x268: {  	s0 =	simm.s32 @!p0 $0x4  }
0x269: {  	_ =	swait.ge @!p0 [sflag:s0], s1  }
0x26a: {  	s1 =	ssub.s32 @!p0 $0x0, s1;
	[sflag:s0] =	ssyncset.done @!p0 $0x0  }
0x26b: {  	[sflag:s0] =	ssyncadd.s32 @!p0 s1  }
0x26c: {  	[bflag:$0x3] =	sbarrier.arrive $0xFFFF  }
0x26d: {  	_ =	shalt  }

</sc_bundles>
